<compile_context>
chip_gen: v7x
topology: tpu7x:2x2x1
jax: 0.10.2.dev20260603
libtpu: 0.0.44.dev20260713+nightly
codegen_flags: <defaults>
</compile_context>

<pallas_src>
import functools

import jax
import jax.numpy as jnp
from jax import lax
from jax.experimental import pallas as pl
from jax.experimental.pallas import tpu as pltpu
from jax.experimental.pallas import tpu_sc as plsc

N = 10000
E = 320000
D = 128
NC = 2
NS = 16
NW = NC * NS
EPW = E // NW
K = 80
CH = EPW // K
G = 5
CHG = CH // G
RPS = 624
TAIL = N - NS * RPS
TBASE = NS * RPS


def _sc_segsum_body(do_deg, *refs):
    if do_deg:
        (hdelta, src3d, dst3d, zfeat, msum_out, deg_out,
         acc, src_idx, dst_idx, rows0, rows1, rows2, dloc,
         sg0, sg1, sg2, ss0, ss1, ss2) = refs
    else:
        (hdelta, src3d, dst3d, zfeat, msum_out,
         acc, src_idx, dst_idx, rows0, rows1, rows2,
         sg0, sg1, sg2, ss0, ss1, ss2) = refs
    rows = (rows0, rows1, rows2)
    sg = (sg0, sg1, sg2)
    ss = (ss0, ss1, ss2)

    c = lax.axis_index("c")
    s = lax.axis_index("s")
    w = c * NS + s

    base = s * RPS
    pltpu.sync_copy(zfeat.at[pl.ds(base, RPS)], acc.at[pl.ds(base, RPS)])

    @pl.when(s == NS - 1)
    def _zero_tail():
        pltpu.sync_copy(zfeat.at[pl.ds(TBASE, TAIL)],
                        acc.at[pl.ds(TBASE, TAIL)])

    if do_deg:
        def zero_deg(i, _):
            dloc[pl.ds(i * 16, 16)] = jnp.zeros((16,), jnp.float32)
            return 0
        lax.fori_loop(0, N // 16, zero_deg, 0)
    del base

    plsc.subcore_barrier()

    def deg_vec(j):
        if do_deg:
            def vec(l, _):
                iv = dst_idx[j, pl.ds(l * 16, 16)]
                plsc.addupdate_scatter(
                    dloc, [iv], jnp.ones((16,), jnp.float32))
                return 0
            lax.fori_loop(0, K // 16, vec, 0)

    def g_wait(b):
        pltpu.make_async_copy(hdelta.at[pl.ds(0, K)], rows[b], sg[b]).wait()

    def s_wait(b):
        pltpu.make_async_copy(hdelta.at[pl.ds(0, K)], rows[b], ss[b]).wait()

    def chunk_step(j, b, do_d, do_e):
        g_wait(b)
        deg_vec(j)
        pltpu.async_copy(rows[b], acc.at[dst_idx.at[j]], ss[b], add=True)
        if do_d:
            s_wait((b + 1) % 3)
        if do_e:
            pltpu.async_copy(hdelta.at[src_idx.at[j + 1]],
                             rows[(b + 1) % 3], sg[(b + 1) % 3])

    def group(g, _):
        pltpu.sync_copy(src3d.at[w, g], src_idx)
        pltpu.sync_copy(dst3d.at[w, g], dst_idx)
        pltpu.async_copy(hdelta.at[src_idx.at[0]], rows0, sg0)
        chunk_step(0, 0, False, True)
        chunk_step(1, 1, False, True)
        chunk_step(2, 2, True, True)

        def triple(t, _):
            j = 3 * t
            chunk_step(j, 0, True, True)
            chunk_step(j + 1, 1, True, True)
            chunk_step(j + 2, 2, True, True)
            return 0

        lax.fori_loop(1, (CHG - 1) // 3, triple, 0)
        chunk_step(CHG - 1, 0, True, False)
        s_wait(2)
        s_wait(0)
        return 0

    lax.fori_loop(0, G, group, 0)
    plsc.subcore_barrier()

    pltpu.sync_copy(acc.at[pl.ds(s * RPS, RPS)],
                    msum_out.at[c, pl.ds(s * RPS, RPS)])
    if do_deg:
        pltpu.sync_copy(dloc, deg_out.at[w])

    @pl.when(s == NS - 1)
    def _pub_tail():
        pltpu.sync_copy(acc.at[pl.ds(TBASE, TAIL)],
                        msum_out.at[c, pl.ds(TBASE, TAIL)])


@functools.cache
def _sc_kernels():
    mesh = plsc.VectorSubcoreMesh(core_axis_name="c", subcore_axis_name="s")
    segsum_deg = pl.kernel(
        functools.partial(_sc_segsum_body, True),
        out_type=[
            jax.ShapeDtypeStruct((NC, N, D), jnp.float32),
            jax.ShapeDtypeStruct((NW, N), jnp.float32),
        ],
        mesh=mesh,
        compiler_params=pltpu.CompilerParams(needs_layout_passes=False),
        scratch_types=[
            pltpu.VMEM_SHARED((N, D), jnp.float32),
            pltpu.VMEM((CHG, K), jnp.int32),
            pltpu.VMEM((CHG, K), jnp.int32),
            pltpu.VMEM((K, D), jnp.float32),
            pltpu.VMEM((K, D), jnp.float32),
            pltpu.VMEM((K, D), jnp.float32),
            pltpu.VMEM((N,), jnp.float32),
            pltpu.SemaphoreType.DMA,
            pltpu.SemaphoreType.DMA,
            pltpu.SemaphoreType.DMA,
            pltpu.SemaphoreType.DMA,
            pltpu.SemaphoreType.DMA,
            pltpu.SemaphoreType.DMA,
        ],
    )
    segsum = pl.kernel(
        functools.partial(_sc_segsum_body, False),
        out_type=[jax.ShapeDtypeStruct((NC, N, D), jnp.float32)],
        mesh=mesh,
        scratch_types=[
            pltpu.VMEM_SHARED((N, D), jnp.float32),
            pltpu.VMEM((CHG, K), jnp.int32),
            pltpu.VMEM((CHG, K), jnp.int32),
            pltpu.VMEM((K, D), jnp.float32),
            pltpu.VMEM((K, D), jnp.float32),
            pltpu.VMEM((K, D), jnp.float32),
            pltpu.SemaphoreType.DMA,
            pltpu.SemaphoreType.DMA,
            pltpu.SemaphoreType.DMA,
            pltpu.SemaphoreType.DMA,
            pltpu.SemaphoreType.DMA,
            pltpu.SemaphoreType.DMA,
        ],
    )
    return segsum_deg, segsum



_BN = 400
_GRID = N // _BN


def _tc_sub_body(x_ref, h_ref, o_ref):
    o_ref[...] = x_ref[...] - h_ref[...]


def _tc_sub(x, h):
    return pl.pallas_call(
        _tc_sub_body,
        grid=(_GRID,),
        in_specs=[
            pl.BlockSpec((_BN, D), lambda i: (i, 0)),
            pl.BlockSpec((_BN, D), lambda i: (i, 0)),
        ],
        out_specs=pl.BlockSpec((_BN, D), lambda i: (i, 0)),
        out_shape=jax.ShapeDtypeStruct((N, D), jnp.float32),
    )(x, h)


def _tc_layer0_body(x_ref, agg_ref, mp_ref, dp_ref, wa_ref, wb_ref, b_ref,
                    hist1_ref, h_ref, hd1_ref):
    mp = mp_ref[...]
    dp = dp_ref[...]
    deg = jnp.maximum(jnp.sum(dp, axis=1), 1.0)
    hn = agg_ref[...] + (mp[0] + mp[1]) * (1.0 / deg)[:, None]
    h = jnp.dot(x_ref[...], wa_ref[...], preferred_element_type=jnp.float32)
    h += jnp.dot(hn, wb_ref[...], preferred_element_type=jnp.float32)
    h = jnp.maximum(h + b_ref[...][None, :], 0.0)
    h_ref[...] = h
    hd1_ref[...] = h - hist1_ref[...]


def _tc_layer0(x, agg0, mp, dp, waT, wbT, b, hist1):
    return pl.pallas_call(
        _tc_layer0_body,
        grid=(_GRID,),
        in_specs=[
            pl.BlockSpec((_BN, D), lambda i: (i, 0)),
            pl.BlockSpec((_BN, D), lambda i: (i, 0)),
            pl.BlockSpec((NC, _BN, D), lambda i: (0, i, 0)),
            pl.BlockSpec((_BN, NW), lambda i: (i, 0)),
            pl.BlockSpec((D, D), lambda i: (0, 0)),
            pl.BlockSpec((D, D), lambda i: (0, 0)),
            pl.BlockSpec((D,), lambda i: (0,)),
            pl.BlockSpec((_BN, D), lambda i: (i, 0)),
        ],
        out_specs=[
            pl.BlockSpec((_BN, D), lambda i: (i, 0)),
            pl.BlockSpec((_BN, D), lambda i: (i, 0)),
        ],
        out_shape=[
            jax.ShapeDtypeStruct((N, D), jnp.float32),
            jax.ShapeDtypeStruct((N, D), jnp.float32),
        ],
    )(x, agg0, mp, dp, waT, wbT, b, hist1)


def _tc_layer1_body(h_ref, agg_ref, mp_ref, dp_ref, wa_ref, wb_ref, b_ref,
                    o_ref):
    mp = mp_ref[...]
    dp = dp_ref[...]
    deg = jnp.maximum(jnp.sum(dp, axis=1), 1.0)
    hn = agg_ref[...] + (mp[0] + mp[1]) * (1.0 / deg)[:, None]
    o = jnp.dot(h_ref[...], wa_ref[...], preferred_element_type=jnp.float32)
    o += jnp.dot(hn, wb_ref[...], preferred_element_type=jnp.float32)
    o_ref[...] = o + b_ref[...][None, :]


def _tc_layer1(h, agg1, mp, dp, waT, wbT, b, d_out):
    return pl.pallas_call(
        _tc_layer1_body,
        grid=(_GRID,),
        in_specs=[
            pl.BlockSpec((_BN, D), lambda i: (i, 0)),
            pl.BlockSpec((_BN, D), lambda i: (i, 0)),
            pl.BlockSpec((NC, _BN, D), lambda i: (0, i, 0)),
            pl.BlockSpec((_BN, NW), lambda i: (i, 0)),
            pl.BlockSpec((D, d_out), lambda i: (0, 0)),
            pl.BlockSpec((D, d_out), lambda i: (0, 0)),
            pl.BlockSpec((d_out,), lambda i: (0,)),
        ],
        out_specs=pl.BlockSpec((_BN, d_out), lambda i: (i, 0)),
        out_shape=jax.ShapeDtypeStruct((N, d_out), jnp.float32),
    )(h, agg1, mp, dp, waT, wbT, b)


@jax.jit
def kernel(x, edge_index, hist0, agg_hist0, hist1, agg_hist1, W0, b0, W1, b1):
    d_out = W1.shape[0]
    src3d = edge_index[0].reshape(NW, G, CHG, K)
    dst3d = edge_index[1].reshape(NW, G, CHG, K)
    zfeat = jnp.zeros((N, D), jnp.float32)
    w0aT = W0[:, :D].T
    w0bT = W0[:, D:].T
    w1aT = W1[:, :D].T
    w1bT = W1[:, D:].T

    hdelta0 = _tc_sub(x, hist0)
    segsum_deg, segsum = _sc_kernels()
    mp0, dp = segsum_deg(hdelta0, src3d, dst3d, zfeat)
    dp = dp.T
    h, hdelta1 = _tc_layer0(x, agg_hist0, mp0, dp, w0aT, w0bT, b0, hist1)
    (mp1,) = segsum(hdelta1, src3d, dst3d, zfeat)
    return _tc_layer1(h, agg_hist1, mp1, dp, w1aT, w1bT, b1, d_out)

# --- scband reference (transcript-rebuilt; emitter-appended) ---
"""Pipeline reference for scband-sage-5282809774189 (READ-ONLY COPY).

The authoritative reference and input builder live on the scoring server;
editing this copy changes nothing except your own understanding.
"""

import jax, jax.numpy as jnp
import numpy as np


def setup_inputs(seed: int = 0) -> dict:
    key = jax.random.key(seed)
    ks = jax.random.split(key, 12)
    N, E, d_in, d_h, d_out = 10000, 320000, 128, 128, 64
    x = jax.random.normal(ks[0], (N, d_in), dtype=jnp.float32)
    edge_index = jax.random.randint(ks[1], (2, E), 0, N, dtype=jnp.int32)
    hist0 = jax.random.normal(ks[2], (N, d_in), dtype=jnp.float32)
    agg_hist0 = jax.random.normal(ks[3], (N, d_in), dtype=jnp.float32)
    hist1 = jax.random.normal(ks[4], (N, d_h), dtype=jnp.float32)
    agg_hist1 = jax.random.normal(ks[5], (N, d_h), dtype=jnp.float32)
    # Learned params: W is Linear(in*2 -> out) per layer, xavier_uniform with relu gain
    gain = float(np.sqrt(2.0))
    def xavier(k, fan_out, fan_in):
        bound = gain * np.sqrt(6.0 / (fan_in + fan_out))
        return jax.random.uniform(k, (fan_out, fan_in), dtype=jnp.float32, minval=-bound, maxval=bound)
    W0 = xavier(ks[6], d_h, 2 * d_in)
    b0 = jnp.zeros((d_h,), dtype=jnp.float32)
    W1 = xavier(ks[7], d_out, 2 * d_h)
    b1 = jnp.zeros((d_out,), dtype=jnp.float32)
    return {"x": x, "edge_index": edge_index, "hist0": hist0, "agg_hist0": agg_hist0,
            "hist1": hist1, "agg_hist1": agg_hist1, "W0": W0, "b0": b0, "W1": W1, "b1": b1}


def reference(x, edge_index, hist0, agg_hist0, hist1, agg_hist1, W0, b0, W1, b1):
    # SAGE (training path) with control-variate aggregation, 2 layers, blocks = full graph.
    src = edge_index[0]
    dst = edge_index[1]
    N = x.shape[0]
    deg = jnp.zeros((N,), dtype=jnp.float32).at[dst].add(1.0)
    deg = jnp.maximum(deg, 1.0)[:, None]
    # Layer 0: hdelta = H_src - HBar_src; mean over in-edges; h_neigh = agg_hbar + mean
    hdelta = x - hist0
    msum = jax.ops.segment_sum(hdelta[src], dst, num_segments=N)
    h_neigh = agg_hist0 + msum / deg
    h = jnp.concatenate([x, h_neigh], axis=1) @ W0.T + b0
    h = jax.nn.relu(h)
    # Layer 1 (final, no activation)
    hdelta = h - hist1
    msum = jax.ops.segment_sum(hdelta[src], dst, num_segments=N)
    h_neigh = agg_hist1 + msum / deg
    out = jnp.concatenate([h, h_neigh], axis=1) @ W1.T + b1
    return out

if __name__ == "__main__":
    import jax
    _d = setup_inputs()
    print(jax.jit(kernel)(*tuple(_d.values())))

</pallas_src>

<mosaic_0001>
#map = affine_map<(d0, d1) -> (0, 0)>
#map1 = affine_map<(d0, d1) -> (0, 0, 0, 0)>
#map2 = affine_map<(d0, d1) -> (0, 0, 0)>
module attributes {stable_mosaic.version = 14 : i64} {
  func.func @_sc_segsum_body(%arg0: i32, %arg1: i32, %arg2: memref<10000x128xf32, #tpu.memory_space<hbm>>, %arg3: memref<32x5x25x80xi32, #tpu.memory_space<hbm>>, %arg4: memref<32x5x25x80xi32, #tpu.memory_space<hbm>>, %arg5: memref<10000x128xf32, #tpu.memory_space<hbm>>, %arg6: memref<2x10000x128xf32, #tpu.memory_space<hbm>>, %arg7: memref<10000x128xf32, #tpu.memory_space<vmem_shared>>, %arg8: memref<25x80xi32, #tpu.memory_space<vmem>>, %arg9: memref<25x80xi32, #tpu.memory_space<vmem>>, %arg10: memref<80x128xf32, #tpu.memory_space<vmem>>, %arg11: memref<80x128xf32, #tpu.memory_space<vmem>>, %arg12: memref<80x128xf32, #tpu.memory_space<vmem>>, %arg13: memref<!tpu.dma_semaphore, #tpu.memory_space<semaphore_mem>>, %arg14: memref<!tpu.dma_semaphore, #tpu.memory_space<semaphore_mem>>, %arg15: memref<!tpu.dma_semaphore, #tpu.memory_space<semaphore_mem>>, %arg16: memref<!tpu.dma_semaphore, #tpu.memory_space<semaphore_mem>>, %arg17: memref<!tpu.dma_semaphore, #tpu.memory_space<semaphore_mem>>, %arg18: memref<!tpu.dma_semaphore, #tpu.memory_space<semaphore_mem>>) attributes {dimension_semantics = [#tpu.dimension_semantics<core_parallel>, #tpu.dimension_semantics<subcore_parallel>], iteration_bounds = array<i64: 2, 16>, scalar_prefetch = 0 : i64, scratch_operands = 12 : i64, tpu.core_type = #tpu.core_type<sc_vector_subcore>, window_params = [{transform_indices = #map}, {transform_indices = #map1}, {transform_indices = #map1}, {transform_indices = #map}, {transform_indices = #map2}]} {
    %mul3A = arith.constant 16 : i32
    %mul3A_0 = arith.muli %arg0, %mul3A : i32
    %add3A = arith.addi %mul3A_0, %arg1 : i32
    %mul3A_1 = arith.constant 624 : i32
    %mul3A_2 = arith.muli %arg1, %mul3A_1 : i32
    "tpu.region"() ({
      %run_scoped3A = tpu.sem_alloc : memref<!tpu.dma_semaphore, #tpu.memory_space<semaphore_mem>>
      %dma_start3A = arith.constant 0 : i32
      %dma_start3A_21 = tpu.memref_slice %arg7[%mul3A_2, %dma_start3A] : memref<10000x128xf32, #tpu.memory_space<vmem_shared>> -> memref<624x128xf32, #tpu.memory_space<vmem_shared>>
      %dma_start3A_22 = arith.constant 0 : i32
      %dma_start3A_23 = tpu.memref_slice %arg5[%mul3A_2, %dma_start3A_22] : memref<10000x128xf32, #tpu.memory_space<hbm>> -> memref<624x128xf32, #tpu.memory_space<hbm>>
      tpu.enqueue_dma source(%dma_start3A_23 : memref<624x128xf32, #tpu.memory_space<hbm>>) target(%dma_start3A_21 : memref<624x128xf32, #tpu.memory_space<vmem_shared>>) target_semaphore(%run_scoped3A : memref<!tpu.dma_semaphore, #tpu.memory_space<semaphore_mem>>)
      %dma_wait3A = arith.constant 0 : i32
      %dma_wait3A_24 = tpu.memref_slice %arg7[%mul3A_2, %dma_wait3A] : memref<10000x128xf32, #tpu.memory_space<vmem_shared>> -> memref<624x128xf32, #tpu.memory_space<vmem_shared>>
      %dma_wait3A_25 = arith.constant 0 : i32
      %dma_wait3A_26 = tpu.memref_slice %arg5[%mul3A_2, %dma_wait3A_25] : memref<10000x128xf32, #tpu.memory_space<hbm>> -> memref<624x128xf32, #tpu.memory_space<hbm>>
      tpu.wait_dma2 semaphore(%run_scoped3A : memref<!tpu.dma_semaphore, #tpu.memory_space<semaphore_mem>>) src(%dma_wait3A_26 : memref<624x128xf32, #tpu.memory_space<hbm>>) dst(%dma_wait3A_24 : memref<624x128xf32, #tpu.memory_space<vmem_shared>>)
      tpu.yield
    }) : () -> ()
    %eq3A = arith.constant 15 : i32
    %eq3A_3 = arith.cmpi eq, %arg1, %eq3A : i32
    %convert_element_type3A = arith.extui %eq3A_3 : i1 to i32
    %cond3A = arith.constant 0 : i32
    %cond3A_4 = arith.cmpi ne, %convert_element_type3A, %cond3A : i32
    scf.if %cond3A_4 {
      "tpu.region"() ({
        %run_scoped3A = tpu.sem_alloc : memref<!tpu.dma_semaphore, #tpu.memory_space<semaphore_mem>>
        %dma_start3A = arith.constant 9984 : i32
        %dma_start3A_21 = arith.constant 0 : i32
        %dma_start3A_22 = tpu.memref_slice %arg7[%dma_start3A, %dma_start3A_21] : memref<10000x128xf32, #tpu.memory_space<vmem_shared>> -> memref<16x128xf32, #tpu.memory_space<vmem_shared>>
        %dma_start3A_23 = arith.constant 9984 : i32
        %dma_start3A_24 = arith.constant 0 : i32
        %dma_start3A_25 = tpu.memref_slice %arg5[%dma_start3A_23, %dma_start3A_24] : memref<10000x128xf32, #tpu.memory_space<hbm>> -> memref<16x128xf32, #tpu.memory_space<hbm>>
        tpu.enqueue_dma source(%dma_start3A_25 : memref<16x128xf32, #tpu.memory_space<hbm>>) target(%dma_start3A_22 : memref<16x128xf32, #tpu.memory_space<vmem_shared>>) target_semaphore(%run_scoped3A : memref<!tpu.dma_semaphore, #tpu.memory_space<semaphore_mem>>)
        %dma_wait3A = arith.constant 9984 : i32
        %dma_wait3A_26 = arith.constant 0 : i32
        %dma_wait3A_27 = tpu.memref_slice %arg7[%dma_wait3A, %dma_wait3A_26] : memref<10000x128xf32, #tpu.memory_space<vmem_shared>> -> memref<16x128xf32, #tpu.memory_space<vmem_shared>>
        %dma_wait3A_28 = arith.constant 9984 : i32
        %dma_wait3A_29 = arith.constant 0 : i32
        %dma_wait3A_30 = tpu.memref_slice %arg5[%dma_wait3A_28, %dma_wait3A_29] : memref<10000x128xf32, #tpu.memory_space<hbm>> -> memref<16x128xf32, #tpu.memory_space<hbm>>
        tpu.wait_dma2 semaphore(%run_scoped3A : memref<!tpu.dma_semaphore, #tpu.memory_space<semaphore_mem>>) src(%dma_wait3A_30 : memref<16x128xf32, #tpu.memory_space<hbm>>) dst(%dma_wait3A_27 : memref<16x128xf32, #tpu.memory_space<vmem_shared>>)
        tpu.yield
      }) : () -> ()
    } else {
    }
    %barrier3A = arith.constant 0 : index
    tpu.barrier barrier_id(%barrier3A)
    %scan3A = arith.constant 0 : i32
    %scan3A_5 = arith.constant 0 : i32
    %scan3A_6 = arith.constant 5 : i32
    %scan3A_7 = arith.addi %scan3A_5, %scan3A_6 : i32
    %scan3A_8 = arith.constant 1 : i32
    %scan3A_9 = scf.for %scan3A_21 = %scan3A_5 to %scan3A_7 step %scan3A_8 iter_args(%scan3A_22 = %scan3A) -> (i32)  : i32 {
      "tpu.region"() ({
        %run_scoped3A = tpu.sem_alloc : memref<!tpu.dma_semaphore, #tpu.memory_space<semaphore_mem>>
        %dma_start3A_133 = arith.constant 0 : i32
        %dma_start3A_134 = arith.constant 0 : i32
        %dma_start3A_135 = tpu.memref_slice %arg3[%add3A, %scan3A_21, %dma_start3A_133, %dma_start3A_134] : memref<32x5x25x80xi32, #tpu.memory_space<hbm>> -> memref<1x1x25x80xi32, #tpu.memory_space<hbm>>
        %dma_start3A_136 = tpu.memref_squeeze %dma_start3A_135 : memref<1x1x25x80xi32, #tpu.memory_space<hbm>> -> memref<25x80xi32, #tpu.memory_space<hbm>>
        %dma_start3A_137 = arith.constant 0 : i32
        %dma_start3A_138 = arith.constant 0 : i32
        %dma_start3A_139 = tpu.memref_slice %arg3[%add3A, %scan3A_21, %dma_start3A_137, %dma_start3A_138] : memref<32x5x25x80xi32, #tpu.memory_space<hbm>> -> memref<1x1x25x80xi32, #tpu.memory_space<hbm>>
        %dma_start3A_140 = tpu.memref_squeeze %dma_start3A_139 : memref<1x1x25x80xi32, #tpu.memory_space<hbm>> -> memref<25x80xi32, #tpu.memory_space<hbm>>
        tpu.enqueue_dma source(%dma_start3A_140 : memref<25x80xi32, #tpu.memory_space<hbm>>) target(%arg8 : memref<25x80xi32, #tpu.memory_space<vmem>>) target_semaphore(%run_scoped3A : memref<!tpu.dma_semaphore, #tpu.memory_space<semaphore_mem>>)
        %dma_wait3A_141 = arith.constant 0 : i32
        %dma_wait3A_142 = arith.constant 0 : i32
        %dma_wait3A_143 = tpu.memref_slice %arg3[%add3A, %scan3A_21, %dma_wait3A_141, %dma_wait3A_142] : memref<32x5x25x80xi32, #tpu.memory_space<hbm>> -> memref<1x1x25x80xi32, #tpu.memory_space<hbm>>
        %dma_wait3A_144 = tpu.memref_squeeze %dma_wait3A_143 : memref<1x1x25x80xi32, #tpu.memory_space<hbm>> -> memref<25x80xi32, #tpu.memory_space<hbm>>
        %dma_wait3A_145 = arith.constant 0 : i32
        %dma_wait3A_146 = arith.constant 0 : i32
        %dma_wait3A_147 = tpu.memref_slice %arg3[%add3A, %scan3A_21, %dma_wait3A_145, %dma_wait3A_146] : memref<32x5x25x80xi32, #tpu.memory_space<hbm>> -> memref<1x1x25x80xi32, #tpu.memory_space<hbm>>
        %dma_wait3A_148 = tpu.memref_squeeze %dma_wait3A_147 : memref<1x1x25x80xi32, #tpu.memory_space<hbm>> -> memref<25x80xi32, #tpu.memory_space<hbm>>
        tpu.wait_dma2 semaphore(%run_scoped3A : memref<!tpu.dma_semaphore, #tpu.memory_space<semaphore_mem>>) src(%dma_wait3A_148 : memref<25x80xi32, #tpu.memory_space<hbm>>) dst(%arg8 : memref<25x80xi32, #tpu.memory_space<vmem>>)
        tpu.yield
      }) : () -> ()
      "tpu.region"() ({
        %run_scoped3A = tpu.sem_alloc : memref<!tpu.dma_semaphore, #tpu.memory_space<semaphore_mem>>
        %dma_start3A_133 = arith.constant 0 : i32
        %dma_start3A_134 = arith.constant 0 : i32
        %dma_start3A_135 = tpu.memref_slice %arg4[%add3A, %scan3A_21, %dma_start3A_133, %dma_start3A_134] : memref<32x5x25x80xi32, #tpu.memory_space<hbm>> -> memref<1x1x25x80xi32, #tpu.memory_space<hbm>>
        %dma_start3A_136 = tpu.memref_squeeze %dma_start3A_135 : memref<1x1x25x80xi32, #tpu.memory_space<hbm>> -> memref<25x80xi32, #tpu.memory_space<hbm>>
        %dma_start3A_137 = arith.constant 0 : i32
        %dma_start3A_138 = arith.constant 0 : i32
        %dma_start3A_139 = tpu.memref_slice %arg4[%add3A, %scan3A_21, %dma_start3A_137, %dma_start3A_138] : memref<32x5x25x80xi32, #tpu.memory_space<hbm>> -> memref<1x1x25x80xi32, #tpu.memory_space<hbm>>
        %dma_start3A_140 = tpu.memref_squeeze %dma_start3A_139 : memref<1x1x25x80xi32, #tpu.memory_space<hbm>> -> memref<25x80xi32, #tpu.memory_space<hbm>>
        tpu.enqueue_dma source(%dma_start3A_140 : memref<25x80xi32, #tpu.memory_space<hbm>>) target(%arg9 : memref<25x80xi32, #tpu.memory_space<vmem>>) target_semaphore(%run_scoped3A : memref<!tpu.dma_semaphore, #tpu.memory_space<semaphore_mem>>)
        %dma_wait3A_141 = arith.constant 0 : i32
        %dma_wait3A_142 = arith.constant 0 : i32
        %dma_wait3A_143 = tpu.memref_slice %arg4[%add3A, %scan3A_21, %dma_wait3A_141, %dma_wait3A_142] : memref<32x5x25x80xi32, #tpu.memory_space<hbm>> -> memref<1x1x25x80xi32, #tpu.memory_space<hbm>>
        %dma_wait3A_144 = tpu.memref_squeeze %dma_wait3A_143 : memref<1x1x25x80xi32, #tpu.memory_space<hbm>> -> memref<25x80xi32, #tpu.memory_space<hbm>>
        %dma_wait3A_145 = arith.constant 0 : i32
        %dma_wait3A_146 = arith.constant 0 : i32
        %dma_wait3A_147 = tpu.memref_slice %arg4[%add3A, %scan3A_21, %dma_wait3A_145, %dma_wait3A_146] : memref<32x5x25x80xi32, #tpu.memory_space<hbm>> -> memref<1x1x25x80xi32, #tpu.memory_space<hbm>>
        %dma_wait3A_148 = tpu.memref_squeeze %dma_wait3A_147 : memref<1x1x25x80xi32, #tpu.memory_space<hbm>> -> memref<25x80xi32, #tpu.memory_space<hbm>>
        tpu.wait_dma2 semaphore(%run_scoped3A : memref<!tpu.dma_semaphore, #tpu.memory_space<semaphore_mem>>) src(%dma_wait3A_148 : memref<25x80xi32, #tpu.memory_space<hbm>>) dst(%arg9 : memref<25x80xi32, #tpu.memory_space<vmem>>)
        tpu.yield
      }) : () -> ()
      %dma_start3A = arith.constant 0 : i32
      %dma_start3A_23 = arith.constant 0 : i32
      %dma_start3A_24 = tpu.memref_slice %arg8[%dma_start3A, %dma_start3A_23] : memref<25x80xi32, #tpu.memory_space<vmem>> -> memref<1x80xi32, #tpu.memory_space<vmem>>
      %dma_start3A_25 = tpu.memref_squeeze %dma_start3A_24 : memref<1x80xi32, #tpu.memory_space<vmem>> -> memref<80xi32, #tpu.memory_space<vmem>>
      %dma_start3A_26 = arith.constant 0 : i32
      %dma_start3A_27 = arith.constant 0 : i32
      %dma_start3A_28 = tpu.memref_slice %arg2[%dma_start3A_26, %dma_start3A_27] : memref<10000x128xf32, #tpu.memory_space<hbm>> -> memref<10000x128xf32, #tpu.memory_space<hbm>>
      tpu.enqueue_indirect_dma source(%dma_start3A_28 : memref<10000x128xf32, #tpu.memory_space<hbm>>) target(%arg10 : memref<80x128xf32, #tpu.memory_space<vmem>>) offsets(%dma_start3A_25 : memref<80xi32, #tpu.memory_space<vmem>>) semaphore(%arg13 : memref<!tpu.dma_semaphore, #tpu.memory_space<semaphore_mem>>)
      %dma_wait3A = arith.constant 0 : i32
      %dma_wait3A_29 = arith.constant 0 : i32
      %dma_wait3A_30 = tpu.memref_slice %arg2[%dma_wait3A, %dma_wait3A_29] : memref<10000x128xf32, #tpu.memory_space<hbm>> -> memref<80x128xf32, #tpu.memory_space<hbm>>
      %dma_wait3A_31 = arith.constant 0 : i32
      %dma_wait3A_32 = arith.constant 0 : i32
      %dma_wait3A_33 = tpu.memref_slice %arg2[%dma_wait3A_31, %dma_wait3A_32] : memref<10000x128xf32, #tpu.memory_space<hbm>> -> memref<80x128xf32, #tpu.memory_space<hbm>>
      tpu.wait_dma2 semaphore(%arg13 : memref<!tpu.dma_semaphore, #tpu.memory_space<semaphore_mem>>) src(%dma_wait3A_33 : memref<80x128xf32, #tpu.memory_space<hbm>>) dst(%arg10 : memref<80x128xf32, #tpu.memory_space<vmem>>)
      %dma_start3A_34 = arith.constant 0 : i32
      %dma_start3A_35 = arith.constant 0 : i32
      %dma_start3A_36 = tpu.memref_slice %arg9[%dma_start3A_34, %dma_start3A_35] : memref<25x80xi32, #tpu.memory_space<vmem>> -> memref<1x80xi32, #tpu.memory_space<vmem>>
      %dma_start3A_37 = tpu.memref_squeeze %dma_start3A_36 : memref<1x80xi32, #tpu.memory_space<vmem>> -> memref<80xi32, #tpu.memory_space<vmem>>
      %dma_start3A_38 = arith.constant 0 : i32
      %dma_start3A_39 = arith.constant 0 : i32
      %dma_start3A_40 = tpu.memref_slice %arg7[%dma_start3A_38, %dma_start3A_39] : memref<10000x128xf32, #tpu.memory_space<vmem_shared>> -> memref<10000x128xf32, #tpu.memory_space<vmem_shared>>
      tpu.enqueue_indirect_dma source(%arg10 : memref<80x128xf32, #tpu.memory_space<vmem>>) target(%dma_start3A_40 : memref<10000x128xf32, #tpu.memory_space<vmem_shared>>) offsets(%dma_start3A_37 : memref<80xi32, #tpu.memory_space<vmem>>) semaphore(%arg16 : memref<!tpu.dma_semaphore, #tpu.memory_space<semaphore_mem>>) {add = true}
      %dma_start3A_41 = arith.constant 1 : i32
      %dma_start3A_42 = arith.constant 0 : i32
      %dma_start3A_43 = tpu.memref_slice %arg8[%dma_start3A_41, %dma_start3A_42] : memref<25x80xi32, #tpu.memory_space<vmem>> -> memref<1x80xi32, #tpu.memory_space<vmem>>
      %dma_start3A_44 = tpu.memref_squeeze %dma_start3A_43 : memref<1x80xi32, #tpu.memory_space<vmem>> -> memref<80xi32, #tpu.memory_space<vmem>>
      %dma_start3A_45 = arith.constant 0 : i32
      %dma_start3A_46 = arith.constant 0 : i32
      %dma_start3A_47 = tpu.memref_slice %arg2[%dma_start3A_45, %dma_start3A_46] : memref<10000x128xf32, #tpu.memory_space<hbm>> -> memref<10000x128xf32, #tpu.memory_space<hbm>>
      tpu.enqueue_indirect_dma source(%dma_start3A_47 : memref<10000x128xf32, #tpu.memory_space<hbm>>) target(%arg11 : memref<80x128xf32, #tpu.memory_space<vmem>>) offsets(%dma_start3A_44 : memref<80xi32, #tpu.memory_space<vmem>>) semaphore(%arg14 : memref<!tpu.dma_semaphore, #tpu.memory_space<semaphore_mem>>)
      %dma_wait3A_48 = arith.constant 0 : i32
      %dma_wait3A_49 = arith.constant 0 : i32
      %dma_wait3A_50 = tpu.memref_slice %arg2[%dma_wait3A_48, %dma_wait3A_49] : memref<10000x128xf32, #tpu.memory_space<hbm>> -> memref<80x128xf32, #tpu.memory_space<hbm>>
      %dma_wait3A_51 = arith.constant 0 : i32
      %dma_wait3A_52 = arith.constant 0 : i32
      %dma_wait3A_53 = tpu.memref_slice %arg2[%dma_wait3A_51, %dma_wait3A_52] : memref<10000x128xf32, #tpu.memory_space<hbm>> -> memref<80x128xf32, #tpu.memory_space<hbm>>
      tpu.wait_dma2 semaphore(%arg14 : memref<!tpu.dma_semaphore, #tpu.memory_space<semaphore_mem>>) src(%dma_wait3A_53 : memref<80x128xf32, #tpu.memory_space<hbm>>) dst(%arg11 : memref<80x128xf32, #tpu.memory_space<vmem>>)
      %dma_start3A_54 = arith.constant 1 : i32
      %dma_start3A_55 = arith.constant 0 : i32
      %dma_start3A_56 = tpu.memref_slice %arg9[%dma_start3A_54, %dma_start3A_55] : memref<25x80xi32, #tpu.memory_space<vmem>> -> memref<1x80xi32, #tpu.memory_space<vmem>>
      %dma_start3A_57 = tpu.memref_squeeze %dma_start3A_56 : memref<1x80xi32, #tpu.memory_space<vmem>> -> memref<80xi32, #tpu.memory_space<vmem>>
      %dma_start3A_58 = arith.constant 0 : i32
      %dma_start3A_59 = arith.constant 0 : i32
      %dma_start3A_60 = tpu.memref_slice %arg7[%dma_start3A_58, %dma_start3A_59] : memref<10000x128xf32, #tpu.memory_space<vmem_shared>> -> memref<10000x128xf32, #tpu.memory_space<vmem_shared>>
      tpu.enqueue_indirect_dma source(%arg11 : memref<80x128xf32, #tpu.memory_space<vmem>>) target(%dma_start3A_60 : memref<10000x128xf32, #tpu.memory_space<vmem_shared>>) offsets(%dma_start3A_57 : memref<80xi32, #tpu.memory_space<vmem>>) semaphore(%arg17 : memref<!tpu.dma_semaphore, #tpu.memory_space<semaphore_mem>>) {add = true}
      %dma_start3A_61 = arith.constant 2 : i32
      %dma_start3A_62 = arith.constant 0 : i32
      %dma_start3A_63 = tpu.memref_slice %arg8[%dma_start3A_61, %dma_start3A_62] : memref<25x80xi32, #tpu.memory_space<vmem>> -> memref<1x80xi32, #tpu.memory_space<vmem>>
      %dma_start3A_64 = tpu.memref_squeeze %dma_start3A_63 : memref<1x80xi32, #tpu.memory_space<vmem>> -> memref<80xi32, #tpu.memory_space<vmem>>
      %dma_start3A_65 = arith.constant 0 : i32
      %dma_start3A_66 = arith.constant 0 : i32
      %dma_start3A_67 = tpu.memref_slice %arg2[%dma_start3A_65, %dma_start3A_66] : memref<10000x128xf32, #tpu.memory_space<hbm>> -> memref<10000x128xf32, #tpu.memory_space<hbm>>
      tpu.enqueue_indirect_dma source(%dma_start3A_67 : memref<10000x128xf32, #tpu.memory_space<hbm>>) target(%arg12 : memref<80x128xf32, #tpu.memory_space<vmem>>) offsets(%dma_start3A_64 : memref<80xi32, #tpu.memory_space<vmem>>) semaphore(%arg15 : memref<!tpu.dma_semaphore, #tpu.memory_space<semaphore_mem>>)
      %dma_wait3A_68 = arith.constant 0 : i32
      %dma_wait3A_69 = arith.constant 0 : i32
      %dma_wait3A_70 = tpu.memref_slice %arg2[%dma_wait3A_68, %dma_wait3A_69] : memref<10000x128xf32, #tpu.memory_space<hbm>> -> memref<80x128xf32, #tpu.memory_space<hbm>>
      %dma_wait3A_71 = arith.constant 0 : i32
      %dma_wait3A_72 = arith.constant 0 : i32
      %dma_wait3A_73 = tpu.memref_slice %arg2[%dma_wait3A_71, %dma_wait3A_72] : memref<10000x128xf32, #tpu.memory_space<hbm>> -> memref<80x128xf32, #tpu.memory_space<hbm>>
      tpu.wait_dma2 semaphore(%arg15 : memref<!tpu.dma_semaphore, #tpu.memory_space<semaphore_mem>>) src(%dma_wait3A_73 : memref<80x128xf32, #tpu.memory_space<hbm>>) dst(%arg12 : memref<80x128xf32, #tpu.memory_space<vmem>>)
      %dma_start3A_74 = arith.constant 2 : i32
      %dma_start3A_75 = arith.constant 0 : i32
      %dma_start3A_76 = tpu.memref_slice %arg9[%dma_start3A_74, %dma_start3A_75] : memref<25x80xi32, #tpu.memory_space<vmem>> -> memref<1x80xi32, #tpu.memory_space<vmem>>
      %dma_start3A_77 = tpu.memref_squeeze %dma_start3A_76 : memref<1x80xi32, #tpu.memory_space<vmem>> -> memref<80xi32, #tpu.memory_space<vmem>>
      %dma_start3A_78 = arith.constant 0 : i32
      %dma_start3A_79 = arith.constant 0 : i32
      %dma_start3A_80 = tpu.memref_slice %arg7[%dma_start3A_78, %dma_start3A_79] : memref<10000x128xf32, #tpu.memory_space<vmem_shared>> -> memref<10000x128xf32, #tpu.memory_space<vmem_shared>>
      tpu.enqueue_indirect_dma source(%arg12 : memref<80x128xf32, #tpu.memory_space<vmem>>) target(%dma_start3A_80 : memref<10000x128xf32, #tpu.memory_space<vmem_shared>>) offsets(%dma_start3A_77 : memref<80xi32, #tpu.memory_space<vmem>>) semaphore(%arg18 : memref<!tpu.dma_semaphore, #tpu.memory_space<semaphore_mem>>) {add = true}
      %dma_wait3A_81 = arith.constant 0 : i32
      %dma_wait3A_82 = arith.constant 0 : i32
      %dma_wait3A_83 = tpu.memref_slice %arg2[%dma_wait3A_81, %dma_wait3A_82] : memref<10000x128xf32, #tpu.memory_space<hbm>> -> memref<80x128xf32, #tpu.memory_space<hbm>>
      %dma_wait3A_84 = arith.constant 0 : i32
      %dma_wait3A_85 = arith.constant 0 : i32
      %dma_wait3A_86 = tpu.memref_slice %arg2[%dma_wait3A_84, %dma_wait3A_85] : memref<10000x128xf32, #tpu.memory_space<hbm>> -> memref<80x128xf32, #tpu.memory_space<hbm>>
      tpu.wait_dma2 semaphore(%arg16 : memref<!tpu.dma_semaphore, #tpu.memory_space<semaphore_mem>>) src(%dma_wait3A_86 : memref<80x128xf32, #tpu.memory_space<hbm>>) dst(%arg10 : memref<80x128xf32, #tpu.memory_space<vmem>>)
      %dma_start3A_87 = arith.constant 3 : i32
      %dma_start3A_88 = arith.constant 0 : i32
      %dma_start3A_89 = tpu.memref_slice %arg8[%dma_start3A_87, %dma_start3A_88] : memref<25x80xi32, #tpu.memory_space<vmem>> -> memref<1x80xi32, #tpu.memory_space<vmem>>
      %dma_start3A_90 = tpu.memref_squeeze %dma_start3A_89 : memref<1x80xi32, #tpu.memory_space<vmem>> -> memref<80xi32, #tpu.memory_space<vmem>>
      %dma_start3A_91 = arith.constant 0 : i32
      %dma_start3A_92 = arith.constant 0 : i32
      %dma_start3A_93 = tpu.memref_slice %arg2[%dma_start3A_91, %dma_start3A_92] : memref<10000x128xf32, #tpu.memory_space<hbm>> -> memref<10000x128xf32, #tpu.memory_space<hbm>>
      tpu.enqueue_indirect_dma source(%dma_start3A_93 : memref<10000x128xf32, #tpu.memory_space<hbm>>) target(%arg10 : memref<80x128xf32, #tpu.memory_space<vmem>>) offsets(%dma_start3A_90 : memref<80xi32, #tpu.memory_space<vmem>>) semaphore(%arg13 : memref<!tpu.dma_semaphore, #tpu.memory_space<semaphore_mem>>)
      %scan3A_94 = arith.constant 0 : i32
      %scan3A_95 = arith.constant 1 : i32
      %scan3A_96 = arith.constant 7 : i32
      %scan3A_97 = arith.addi %scan3A_95, %scan3A_96 : i32
      %scan3A_98 = arith.constant 1 : i32
      %scan3A_99 = scf.for %scan3A_133 = %scan3A_95 to %scan3A_97 step %scan3A_98 iter_args(%scan3A_134 = %scan3A_94) -> (i32)  : i32 {
        %mul3A_135 = arith.constant 3 : i32
        %mul3A_136 = arith.muli %mul3A_135, %scan3A_133 : i32
        %dma_wait3A_137 = arith.constant 0 : i32
        %dma_wait3A_138 = arith.constant 0 : i32
        %dma_wait3A_139 = tpu.memref_slice %arg2[%dma_wait3A_137, %dma_wait3A_138] : memref<10000x128xf32, #tpu.memory_space<hbm>> -> memref<80x128xf32, #tpu.memory_space<hbm>>
        %dma_wait3A_140 = arith.constant 0 : i32
        %dma_wait3A_141 = arith.constant 0 : i32
        %dma_wait3A_142 = tpu.memref_slice %arg2[%dma_wait3A_140, %dma_wait3A_141] : memref<10000x128xf32, #tpu.memory_space<hbm>> -> memref<80x128xf32, #tpu.memory_space<hbm>>
        tpu.wait_dma2 semaphore(%arg13 : memref<!tpu.dma_semaphore, #tpu.memory_space<semaphore_mem>>) src(%dma_wait3A_142 : memref<80x128xf32, #tpu.memory_space<hbm>>) dst(%arg10 : memref<80x128xf32, #tpu.memory_space<vmem>>)
        %dma_start3A_143 = arith.constant 0 : i32
        %dma_start3A_144 = tpu.memref_slice %arg9[%mul3A_136, %dma_start3A_143] : memref<25x80xi32, #tpu.memory_space<vmem>> -> memref<1x80xi32, #tpu.memory_space<vmem>>
        %dma_start3A_145 = tpu.memref_squeeze %dma_start3A_144 : memref<1x80xi32, #tpu.memory_space<vmem>> -> memref<80xi32, #tpu.memory_space<vmem>>
        %dma_start3A_146 = arith.constant 0 : i32
        %dma_start3A_147 = arith.constant 0 : i32
        %dma_start3A_148 = tpu.memref_slice %arg7[%dma_start3A_146, %dma_start3A_147] : memref<10000x128xf32, #tpu.memory_space<vmem_shared>> -> memref<10000x128xf32, #tpu.memory_space<vmem_shared>>
        tpu.enqueue_indirect_dma source(%arg10 : memref<80x128xf32, #tpu.memory_space<vmem>>) target(%dma_start3A_148 : memref<10000x128xf32, #tpu.memory_space<vmem_shared>>) offsets(%dma_start3A_145 : memref<80xi32, #tpu.memory_space<vmem>>) semaphore(%arg16 : memref<!tpu.dma_semaphore, #tpu.memory_space<semaphore_mem>>) {add = true}
        %dma_wait3A_149 = arith.constant 0 : i32
        %dma_wait3A_150 = arith.constant 0 : i32
        %dma_wait3A_151 = tpu.memref_slice %arg2[%dma_wait3A_149, %dma_wait3A_150] : memref<10000x128xf32, #tpu.memory_space<hbm>> -> memref<80x128xf32, #tpu.memory_space<hbm>>
        %dma_wait3A_152 = arith.constant 0 : i32
        %dma_wait3A_153 = arith.constant 0 : i32
        %dma_wait3A_154 = tpu.memref_slice %arg2[%dma_wait3A_152, %dma_wait3A_153] : memref<10000x128xf32, #tpu.memory_space<hbm>> -> memref<80x128xf32, #tpu.memory_space<hbm>>
        tpu.wait_dma2 semaphore(%arg17 : memref<!tpu.dma_semaphore, #tpu.memory_space<semaphore_mem>>) src(%dma_wait3A_154 : memref<80x128xf32, #tpu.memory_space<hbm>>) dst(%arg11 : memref<80x128xf32, #tpu.memory_space<vmem>>)
        %add3A_155 = arith.constant 1 : i32
        %add3A_156 = arith.addi %mul3A_136, %add3A_155 : i32
        %dma_start3A_157 = arith.constant 0 : i32
        %dma_start3A_158 = tpu.memref_slice %arg8[%add3A_156, %dma_start3A_157] : memref<25x80xi32, #tpu.memory_space<vmem>> -> memref<1x80xi32, #tpu.memory_space<vmem>>
        %dma_start3A_159 = tpu.memref_squeeze %dma_start3A_158 : memref<1x80xi32, #tpu.memory_space<vmem>> -> memref<80xi32, #tpu.memory_space<vmem>>
        %dma_start3A_160 = arith.constant 0 : i32
        %dma_start3A_161 = arith.constant 0 : i32
        %dma_start3A_162 = tpu.memref_slice %arg2[%dma_start3A_160, %dma_start3A_161] : memref<10000x128xf32, #tpu.memory_space<hbm>> -> memref<10000x128xf32, #tpu.memory_space<hbm>>
        tpu.enqueue_indirect_dma source(%dma_start3A_162 : memref<10000x128xf32, #tpu.memory_space<hbm>>) target(%arg11 : memref<80x128xf32, #tpu.memory_space<vmem>>) offsets(%dma_start3A_159 : memref<80xi32, #tpu.memory_space<vmem>>) semaphore(%arg14 : memref<!tpu.dma_semaphore, #tpu.memory_space<semaphore_mem>>)
        %add3A_163 = arith.constant 1 : i32
        %add3A_164 = arith.addi %mul3A_136, %add3A_163 : i32
        %dma_wait3A_165 = arith.constant 0 : i32
        %dma_wait3A_166 = arith.constant 0 : i32
        %dma_wait3A_167 = tpu.memref_slice %arg2[%dma_wait3A_165, %dma_wait3A_166] : memref<10000x128xf32, #tpu.memory_space<hbm>> -> memref<80x128xf32, #tpu.memory_space<hbm>>
        %dma_wait3A_168 = arith.constant 0 : i32
        %dma_wait3A_169 = arith.constant 0 : i32
        %dma_wait3A_170 = tpu.memref_slice %arg2[%dma_wait3A_168, %dma_wait3A_169] : memref<10000x128xf32, #tpu.memory_space<hbm>> -> memref<80x128xf32, #tpu.memory_space<hbm>>
        tpu.wait_dma2 semaphore(%arg14 : memref<!tpu.dma_semaphore, #tpu.memory_space<semaphore_mem>>) src(%dma_wait3A_170 : memref<80x128xf32, #tpu.memory_space<hbm>>) dst(%arg11 : memref<80x128xf32, #tpu.memory_space<vmem>>)
        %dma_start3A_171 = arith.constant 0 : i32
        %dma_start3A_172 = tpu.memref_slice %arg9[%add3A_164, %dma_start3A_171] : memref<25x80xi32, #tpu.memory_space<vmem>> -> memref<1x80xi32, #tpu.memory_space<vmem>>
        %dma_start3A_173 = tpu.memref_squeeze %dma_start3A_172 : memref<1x80xi32, #tpu.memory_space<vmem>> -> memref<80xi32, #tpu.memory_space<vmem>>
        %dma_start3A_174 = arith.constant 0 : i32
        %dma_start3A_175 = arith.constant 0 : i32
        %dma_start3A_176 = tpu.memref_slice %arg7[%dma_start3A_174, %dma_start3A_175] : memref<10000x128xf32, #tpu.memory_space<vmem_shared>> -> memref<10000x128xf32, #tpu.memory_space<vmem_shared>>
        tpu.enqueue_indirect_dma source(%arg11 : memref<80x128xf32, #tpu.memory_space<vmem>>) target(%dma_start3A_176 : memref<10000x128xf32, #tpu.memory_space<vmem_shared>>) offsets(%dma_start3A_173 : memref<80xi32, #tpu.memory_space<vmem>>) semaphore(%arg17 : memref<!tpu.dma_semaphore, #tpu.memory_space<semaphore_mem>>) {add = true}
        %dma_wait3A_177 = arith.constant 0 : i32
        %dma_wait3A_178 = arith.constant 0 : i32
        %dma_wait3A_179 = tpu.memref_slice %arg2[%dma_wait3A_177, %dma_wait3A_178] : memref<10000x128xf32, #tpu.memory_space<hbm>> -> memref<80x128xf32, #tpu.memory_space<hbm>>
        %dma_wait3A_180 = arith.constant 0 : i32
        %dma_wait3A_181 = arith.constant 0 : i32
        %dma_wait3A_182 = tpu.memref_slice %arg2[%dma_wait3A_180, %dma_wait3A_181] : memref<10000x128xf32, #tpu.memory_space<hbm>> -> memref<80x128xf32, #tpu.memory_space<hbm>>
        tpu.wait_dma2 semaphore(%arg18 : memref<!tpu.dma_semaphore, #tpu.memory_space<semaphore_mem>>) src(%dma_wait3A_182 : memref<80x128xf32, #tpu.memory_space<hbm>>) dst(%arg12 : memref<80x128xf32, #tpu.memory_space<vmem>>)
        %add3A_183 = arith.constant 1 : i32
        %add3A_184 = arith.addi %add3A_164, %add3A_183 : i32
        %dma_start3A_185 = arith.constant 0 : i32
        %dma_start3A_186 = tpu.memref_slice %arg8[%add3A_184, %dma_start3A_185] : memref<25x80xi32, #tpu.memory_space<vmem>> -> memref<1x80xi32, #tpu.memory_space<vmem>>
        %dma_start3A_187 = tpu.memref_squeeze %dma_start3A_186 : memref<1x80xi32, #tpu.memory_space<vmem>> -> memref<80xi32, #tpu.memory_space<vmem>>
        %dma_start3A_188 = arith.constant 0 : i32
        %dma_start3A_189 = arith.constant 0 : i32
        %dma_start3A_190 = tpu.memref_slice %arg2[%dma_start3A_188, %dma_start3A_189] : memref<10000x128xf32, #tpu.memory_space<hbm>> -> memref<10000x128xf32, #tpu.memory_space<hbm>>
        tpu.enqueue_indirect_dma source(%dma_start3A_190 : memref<10000x128xf32, #tpu.memory_space<hbm>>) target(%arg12 : memref<80x128xf32, #tpu.memory_space<vmem>>) offsets(%dma_start3A_187 : memref<80xi32, #tpu.memory_space<vmem>>) semaphore(%arg15 : memref<!tpu.dma_semaphore, #tpu.memory_space<semaphore_mem>>)
        %add3A_191 = arith.constant 2 : i32
        %add3A_192 = arith.addi %mul3A_136, %add3A_191 : i32
        %dma_wait3A_193 = arith.constant 0 : i32
        %dma_wait3A_194 = arith.constant 0 : i32
        %dma_wait3A_195 = tpu.memref_slice %arg2[%dma_wait3A_193, %dma_wait3A_194] : memref<10000x128xf32, #tpu.memory_space<hbm>> -> memref<80x128xf32, #tpu.memory_space<hbm>>
        %dma_wait3A_196 = arith.constant 0 : i32
        %dma_wait3A_197 = arith.constant 0 : i32
        %dma_wait3A_198 = tpu.memref_slice %arg2[%dma_wait3A_196, %dma_wait3A_197] : memref<10000x128xf32, #tpu.memory_space<hbm>> -> memref<80x128xf32, #tpu.memory_space<hbm>>
        tpu.wait_dma2 semaphore(%arg15 : memref<!tpu.dma_semaphore, #tpu.memory_space<semaphore_mem>>) src(%dma_wait3A_198 : memref<80x128xf32, #tpu.memory_space<hbm>>) dst(%arg12 : memref<80x128xf32, #tpu.memory_space<vmem>>)
        %dma_start3A_199 = arith.constant 0 : i32
        %dma_start3A_200 = tpu.memref_slice %arg9[%add3A_192, %dma_start3A_199] : memref<25x80xi32, #tpu.memory_space<vmem>> -> memref<1x80xi32, #tpu.memory_space<vmem>>
        %dma_start3A_201 = tpu.memref_squeeze %dma_start3A_200 : memref<1x80xi32, #tpu.memory_space<vmem>> -> memref<80xi32, #tpu.memory_space<vmem>>
        %dma_start3A_202 = arith.constant 0 : i32
        %dma_start3A_203 = arith.constant 0 : i32
        %dma_start3A_204 = tpu.memref_slice %arg7[%dma_start3A_202, %dma_start3A_203] : memref<10000x128xf32, #tpu.memory_space<vmem_shared>> -> memref<10000x128xf32, #tpu.memory_space<vmem_shared>>
        tpu.enqueue_indirect_dma source(%arg12 : memref<80x128xf32, #tpu.memory_space<vmem>>) target(%dma_start3A_204 : memref<10000x128xf32, #tpu.memory_space<vmem_shared>>) offsets(%dma_start3A_201 : memref<80xi32, #tpu.memory_space<vmem>>) semaphore(%arg18 : memref<!tpu.dma_semaphore, #tpu.memory_space<semaphore_mem>>) {add = true}
        %dma_wait3A_205 = arith.constant 0 : i32
        %dma_wait3A_206 = arith.constant 0 : i32
        %dma_wait3A_207 = tpu.memref_slice %arg2[%dma_wait3A_205, %dma_wait3A_206] : memref<10000x128xf32, #tpu.memory_space<hbm>> -> memref<80x128xf32, #tpu.memory_space<hbm>>
        %dma_wait3A_208 = arith.constant 0 : i32
        %dma_wait3A_209 = arith.constant 0 : i32
        %dma_wait3A_210 = tpu.memref_slice %arg2[%dma_wait3A_208, %dma_wait3A_209] : memref<10000x128xf32, #tpu.memory_space<hbm>> -> memref<80x128xf32, #tpu.memory_space<hbm>>
        tpu.wait_dma2 semaphore(%arg16 : memref<!tpu.dma_semaphore, #tpu.memory_space<semaphore_mem>>) src(%dma_wait3A_210 : memref<80x128xf32, #tpu.memory_space<hbm>>) dst(%arg10 : memref<80x128xf32, #tpu.memory_space<vmem>>)
        %add3A_211 = arith.constant 1 : i32
        %add3A_212 = arith.addi %add3A_192, %add3A_211 : i32
        %dma_start3A_213 = arith.constant 0 : i32
        %dma_start3A_214 = tpu.memref_slice %arg8[%add3A_212, %dma_start3A_213] : memref<25x80xi32, #tpu.memory_space<vmem>> -> memref<1x80xi32, #tpu.memory_space<vmem>>
        %dma_start3A_215 = tpu.memref_squeeze %dma_start3A_214 : memref<1x80xi32, #tpu.memory_space<vmem>> -> memref<80xi32, #tpu.memory_space<vmem>>
        %dma_start3A_216 = arith.constant 0 : i32
        %dma_start3A_217 = arith.constant 0 : i32
        %dma_start3A_218 = tpu.memref_slice %arg2[%dma_start3A_216, %dma_start3A_217] : memref<10000x128xf32, #tpu.memory_space<hbm>> -> memref<10000x128xf32, #tpu.memory_space<hbm>>
        tpu.enqueue_indirect_dma source(%dma_start3A_218 : memref<10000x128xf32, #tpu.memory_space<hbm>>) target(%arg10 : memref<80x128xf32, #tpu.memory_space<vmem>>) offsets(%dma_start3A_215 : memref<80xi32, #tpu.memory_space<vmem>>) semaphore(%arg13 : memref<!tpu.dma_semaphore, #tpu.memory_space<semaphore_mem>>)
        %scan3A_219 = arith.constant 0 : i32
        scf.yield %scan3A_219 : i32
      }
      %scan3A_100 = arith.constant 7 : i32
      %dma_wait3A_101 = arith.constant 0 : i32
      %dma_wait3A_102 = arith.constant 0 : i32
      %dma_wait3A_103 = tpu.memref_slice %arg2[%dma_wait3A_101, %dma_wait3A_102] : memref<10000x128xf32, #tpu.memory_space<hbm>> -> memref<80x128xf32, #tpu.memory_space<hbm>>
      %dma_wait3A_104 = arith.constant 0 : i32
      %dma_wait3A_105 = arith.constant 0 : i32
      %dma_wait3A_106 = tpu.memref_slice %arg2[%dma_wait3A_104, %dma_wait3A_105] : memref<10000x128xf32, #tpu.memory_space<hbm>> -> memref<80x128xf32, #tpu.memory_space<hbm>>
      tpu.wait_dma2 semaphore(%arg13 : memref<!tpu.dma_semaphore, #tpu.memory_space<semaphore_mem>>) src(%dma_wait3A_106 : memref<80x128xf32, #tpu.memory_space<hbm>>) dst(%arg10 : memref<80x128xf32, #tpu.memory_space<vmem>>)
      %dma_start3A_107 = arith.constant 24 : i32
      %dma_start3A_108 = arith.constant 0 : i32
      %dma_start3A_109 = tpu.memref_slice %arg9[%dma_start3A_107, %dma_start3A_108] : memref<25x80xi32, #tpu.memory_space<vmem>> -> memref<1x80xi32, #tpu.memory_space<vmem>>
      %dma_start3A_110 = tpu.memref_squeeze %dma_start3A_109 : memref<1x80xi32, #tpu.memory_space<vmem>> -> memref<80xi32, #tpu.memory_space<vmem>>
      %dma_start3A_111 = arith.constant 0 : i32
      %dma_start3A_112 = arith.constant 0 : i32
      %dma_start3A_113 = tpu.memref_slice %arg7[%dma_start3A_111, %dma_start3A_112] : memref<10000x128xf32, #tpu.memory_space<vmem_shared>> -> memref<10000x128xf32, #tpu.memory_space<vmem_shared>>
      tpu.enqueue_indirect_dma source(%arg10 : memref<80x128xf32, #tpu.memory_space<vmem>>) target(%dma_start3A_113 : memref<10000x128xf32, #tpu.memory_space<vmem_shared>>) offsets(%dma_start3A_110 : memref<80xi32, #tpu.memory_space<vmem>>) semaphore(%arg16 : memref<!tpu.dma_semaphore, #tpu.memory_space<semaphore_mem>>) {add = true}
      %dma_wait3A_114 = arith.constant 0 : i32
      %dma_wait3A_115 = arith.constant 0 : i32
      %dma_wait3A_116 = tpu.memref_slice %arg2[%dma_wait3A_114, %dma_wait3A_115] : memref<10000x128xf32, #tpu.memory_space<hbm>> -> memref<80x128xf32, #tpu.memory_space<hbm>>
      %dma_wait3A_117 = arith.constant 0 : i32
      %dma_wait3A_118 = arith.constant 0 : i32
      %dma_wait3A_119 = tpu.memref_slice %arg2[%dma_wait3A_117, %dma_wait3A_118] : memref<10000x128xf32, #tpu.memory_space<hbm>> -> memref<80x128xf32, #tpu.memory_space<hbm>>
      tpu.wait_dma2 semaphore(%arg17 : memref<!tpu.dma_semaphore, #tpu.memory_space<semaphore_mem>>) src(%dma_wait3A_119 : memref<80x128xf32, #tpu.memory_space<hbm>>) dst(%arg11 : memref<80x128xf32, #tpu.memory_space<vmem>>)
      %dma_wait3A_120 = arith.constant 0 : i32
      %dma_wait3A_121 = arith.constant 0 : i32
      %dma_wait3A_122 = tpu.memref_slice %arg2[%dma_wait3A_120, %dma_wait3A_121] : memref<10000x128xf32, #tpu.memory_space<hbm>> -> memref<80x128xf32, #tpu.memory_space<hbm>>
      %dma_wait3A_123 = arith.constant 0 : i32
      %dma_wait3A_124 = arith.constant 0 : i32
      %dma_wait3A_125 = tpu.memref_slice %arg2[%dma_wait3A_123, %dma_wait3A_124] : memref<10000x128xf32, #tpu.memory_space<hbm>> -> memref<80x128xf32, #tpu.memory_space<hbm>>
      tpu.wait_dma2 semaphore(%arg18 : memref<!tpu.dma_semaphore, #tpu.memory_space<semaphore_mem>>) src(%dma_wait3A_125 : memref<80x128xf32, #tpu.memory_space<hbm>>) dst(%arg12 : memref<80x128xf32, #tpu.memory_space<vmem>>)
      %dma_wait3A_126 = arith.constant 0 : i32
      %dma_wait3A_127 = arith.constant 0 : i32
      %dma_wait3A_128 = tpu.memref_slice %arg2[%dma_wait3A_126, %dma_wait3A_127] : memref<10000x128xf32, #tpu.memory_space<hbm>> -> memref<80x128xf32, #tpu.memory_space<hbm>>
      %dma_wait3A_129 = arith.constant 0 : i32
      %dma_wait3A_130 = arith.constant 0 : i32
      %dma_wait3A_131 = tpu.memref_slice %arg2[%dma_wait3A_129, %dma_wait3A_130] : memref<10000x128xf32, #tpu.memory_space<hbm>> -> memref<80x128xf32, #tpu.memory_space<hbm>>
      tpu.wait_dma2 semaphore(%arg16 : memref<!tpu.dma_semaphore, #tpu.memory_space<semaphore_mem>>) src(%dma_wait3A_131 : memref<80x128xf32, #tpu.memory_space<hbm>>) dst(%arg10 : memref<80x128xf32, #tpu.memory_space<vmem>>)
      %scan3A_132 = arith.constant 0 : i32
      scf.yield %scan3A_132 : i32
    }
    %scan3A_10 = arith.constant 5 : i32
    %barrier3A_11 = arith.constant 0 : index
    tpu.barrier barrier_id(%barrier3A_11)
    %mul3A_12 = arith.constant 624 : i32
    %mul3A_13 = arith.muli %arg1, %mul3A_12 : i32
    %mul3A_14 = arith.constant 624 : i32
    %mul3A_15 = arith.muli %arg1, %mul3A_14 : i32
    "tpu.region"() ({
      %run_scoped3A = tpu.sem_alloc : memref<!tpu.dma_semaphore, #tpu.memory_space<semaphore_mem>>
      %dma_start3A = arith.constant 0 : i32
      %dma_start3A_21 = tpu.memref_slice %arg6[%arg0, %mul3A_15, %dma_start3A] : memref<2x10000x128xf32, #tpu.memory_space<hbm>> -> memref<1x624x128xf32, #tpu.memory_space<hbm>>
      %dma_start3A_22 = tpu.memref_squeeze %dma_start3A_21 : memref<1x624x128xf32, #tpu.memory_space<hbm>> -> memref<624x128xf32, #tpu.memory_space<hbm>>
      %dma_start3A_23 = arith.constant 0 : i32
      %dma_start3A_24 = tpu.memref_slice %arg7[%mul3A_13, %dma_start3A_23] : memref<10000x128xf32, #tpu.memory_space<vmem_shared>> -> memref<624x128xf32, #tpu.memory_space<vmem_shared>>
      tpu.enqueue_dma source(%dma_start3A_24 : memref<624x128xf32, #tpu.memory_space<vmem_shared>>) target(%dma_start3A_22 : memref<624x128xf32, #tpu.memory_space<hbm>>) target_semaphore(%run_scoped3A : memref<!tpu.dma_semaphore, #tpu.memory_space<semaphore_mem>>)
      %dma_wait3A = arith.constant 0 : i32
      %dma_wait3A_25 = tpu.memref_slice %arg6[%arg0, %mul3A_15, %dma_wait3A] : memref<2x10000x128xf32, #tpu.memory_space<hbm>> -> memref<1x624x128xf32, #tpu.memory_space<hbm>>
      %dma_wait3A_26 = tpu.memref_squeeze %dma_wait3A_25 : memref<1x624x128xf32, #tpu.memory_space<hbm>> -> memref<624x128xf32, #tpu.memory_space<hbm>>
      %dma_wait3A_27 = arith.constant 0 : i32
      %dma_wait3A_28 = tpu.memref_slice %arg7[%mul3A_13, %dma_wait3A_27] : memref<10000x128xf32, #tpu.memory_space<vmem_shared>> -> memref<624x128xf32, #tpu.memory_space<vmem_shared>>
      tpu.wait_dma2 semaphore(%run_scoped3A : memref<!tpu.dma_semaphore, #tpu.memory_space<semaphore_mem>>) src(%dma_wait3A_28 : memref<624x128xf32, #tpu.memory_space<vmem_shared>>) dst(%dma_wait3A_26 : memref<624x128xf32, #tpu.memory_space<hbm>>)
      tpu.yield
    }) : () -> ()
    %eq3A_16 = arith.constant 15 : i32
    %eq3A_17 = arith.cmpi eq, %arg1, %eq3A_16 : i32
    %convert_element_type3A_18 = arith.extui %eq3A_17 : i1 to i32
    %cond3A_19 = arith.constant 0 : i32
    %cond3A_20 = arith.cmpi ne, %convert_element_type3A_18, %cond3A_19 : i32
    scf.if %cond3A_20 {
      "tpu.region"() ({
        %run_scoped3A = tpu.sem_alloc : memref<!tpu.dma_semaphore, #tpu.memory_space<semaphore_mem>>
        %dma_start3A = arith.constant 9984 : i32
        %dma_start3A_21 = arith.constant 0 : i32
        %dma_start3A_22 = tpu.memref_slice %arg6[%arg0, %dma_start3A, %dma_start3A_21] : memref<2x10000x128xf32, #tpu.memory_space<hbm>> -> memref<1x16x128xf32, #tpu.memory_space<hbm>>
        %dma_start3A_23 = tpu.memref_squeeze %dma_start3A_22 : memref<1x16x128xf32, #tpu.memory_space<hbm>> -> memref<16x128xf32, #tpu.memory_space<hbm>>
        %dma_start3A_24 = arith.constant 9984 : i32
        %dma_start3A_25 = arith.constant 0 : i32
        %dma_start3A_26 = tpu.memref_slice %arg7[%dma_start3A_24, %dma_start3A_25] : memref<10000x128xf32, #tpu.memory_space<vmem_shared>> -> memref<16x128xf32, #tpu.memory_space<vmem_shared>>
        tpu.enqueue_dma source(%dma_start3A_26 : memref<16x128xf32, #tpu.memory_space<vmem_shared>>) target(%dma_start3A_23 : memref<16x128xf32, #tpu.memory_space<hbm>>) target_semaphore(%run_scoped3A : memref<!tpu.dma_semaphore, #tpu.memory_space<semaphore_mem>>)
        %dma_wait3A = arith.constant 9984 : i32
        %dma_wait3A_27 = arith.constant 0 : i32
        %dma_wait3A_28 = tpu.memref_slice %arg6[%arg0, %dma_wait3A, %dma_wait3A_27] : memref<2x10000x128xf32, #tpu.memory_space<hbm>> -> memref<1x16x128xf32, #tpu.memory_space<hbm>>
        %dma_wait3A_29 = tpu.memref_squeeze %dma_wait3A_28 : memref<1x16x128xf32, #tpu.memory_space<hbm>> -> memref<16x128xf32, #tpu.memory_space<hbm>>
        %dma_wait3A_30 = arith.constant 9984 : i32
        %dma_wait3A_31 = arith.constant 0 : i32
        %dma_wait3A_32 = tpu.memref_slice %arg7[%dma_wait3A_30, %dma_wait3A_31] : memref<10000x128xf32, #tpu.memory_space<vmem_shared>> -> memref<16x128xf32, #tpu.memory_space<vmem_shared>>
        tpu.wait_dma2 semaphore(%run_scoped3A : memref<!tpu.dma_semaphore, #tpu.memory_space<semaphore_mem>>) src(%dma_wait3A_32 : memref<16x128xf32, #tpu.memory_space<vmem_shared>>) dst(%dma_wait3A_29 : memref<16x128xf32, #tpu.memory_space<hbm>>)
        tpu.yield
      }) : () -> ()
    } else {
    }
    return
  }
}

#map = affine_map<(d0, d1) -> (0, 0)>
#map1 = affine_map<(d0, d1) -> (0, 0, 0, 0)>
#map2 = affine_map<(d0, d1) -> (0, 0, 0)>
module attributes {stable_mosaic.version = 14 : i64} {
  func.func @_sc_segsum_body(%arg0: i32, %arg1: i32, %arg2: memref<10000x128xf32, #tpu.memory_space<hbm>>, %arg3: memref<32x5x25x80xi32, #tpu.memory_space<hbm>>, %arg4: memref<32x5x25x80xi32, #tpu.memory_space<hbm>>, %arg5: memref<10000x128xf32, #tpu.memory_space<hbm>>, %arg6: memref<2x10000x128xf32, #tpu.memory_space<hbm>>, %arg7: memref<32x10000xf32, #tpu.memory_space<hbm>>, %arg8: memref<10000x128xf32, #tpu.memory_space<vmem_shared>>, %arg9: memref<25x80xi32, #tpu.memory_space<vmem>>, %arg10: memref<25x80xi32, #tpu.memory_space<vmem>>, %arg11: memref<80x128xf32, #tpu.memory_space<vmem>>, %arg12: memref<80x128xf32, #tpu.memory_space<vmem>>, %arg13: memref<80x128xf32, #tpu.memory_space<vmem>>, %arg14: memref<10000xf32, #tpu.memory_space<vmem>>, %arg15: memref<!tpu.dma_semaphore, #tpu.memory_space<semaphore_mem>>, %arg16: memref<!tpu.dma_semaphore, #tpu.memory_space<semaphore_mem>>, %arg17: memref<!tpu.dma_semaphore, #tpu.memory_space<semaphore_mem>>, %arg18: memref<!tpu.dma_semaphore, #tpu.memory_space<semaphore_mem>>, %arg19: memref<!tpu.dma_semaphore, #tpu.memory_space<semaphore_mem>>, %arg20: memref<!tpu.dma_semaphore, #tpu.memory_space<semaphore_mem>>) attributes {dimension_semantics = [#tpu.dimension_semantics<core_parallel>, #tpu.dimension_semantics<subcore_parallel>], iteration_bounds = array<i64: 2, 16>, scalar_prefetch = 0 : i64, scratch_operands = 13 : i64, tpu.core_type = #tpu.core_type<sc_vector_subcore>, window_params = [{transform_indices = #map}, {transform_indices = #map1}, {transform_indices = #map1}, {transform_indices = #map}, {transform_indices = #map2}, {transform_indices = #map}]} {
    %mul3A = arith.constant 16 : i32
    %mul3A_0 = arith.muli %arg0, %mul3A : i32
    %add3A = arith.addi %mul3A_0, %arg1 : i32
    %mul3A_1 = arith.constant 624 : i32
    %mul3A_2 = arith.muli %arg1, %mul3A_1 : i32
    "tpu.region"() ({
      %run_scoped3A = tpu.sem_alloc : memref<!tpu.dma_semaphore, #tpu.memory_space<semaphore_mem>>
      %dma_start3A = arith.constant 0 : i32
      %dma_start3A_28 = tpu.memref_slice %arg8[%mul3A_2, %dma_start3A] : memref<10000x128xf32, #tpu.memory_space<vmem_shared>> -> memref<624x128xf32, #tpu.memory_space<vmem_shared>>
      %dma_start3A_29 = arith.constant 0 : i32
      %dma_start3A_30 = tpu.memref_slice %arg5[%mul3A_2, %dma_start3A_29] : memref<10000x128xf32, #tpu.memory_space<hbm>> -> memref<624x128xf32, #tpu.memory_space<hbm>>
      tpu.enqueue_dma source(%dma_start3A_30 : memref<624x128xf32, #tpu.memory_space<hbm>>) target(%dma_start3A_28 : memref<624x128xf32, #tpu.memory_space<vmem_shared>>) target_semaphore(%run_scoped3A : memref<!tpu.dma_semaphore, #tpu.memory_space<semaphore_mem>>)
      %dma_wait3A = arith.constant 0 : i32
      %dma_wait3A_31 = tpu.memref_slice %arg8[%mul3A_2, %dma_wait3A] : memref<10000x128xf32, #tpu.memory_space<vmem_shared>> -> memref<624x128xf32, #tpu.memory_space<vmem_shared>>
      %dma_wait3A_32 = arith.constant 0 : i32
      %dma_wait3A_33 = tpu.memref_slice %arg5[%mul3A_2, %dma_wait3A_32] : memref<10000x128xf32, #tpu.memory_space<hbm>> -> memref<624x128xf32, #tpu.memory_space<hbm>>
      tpu.wait_dma2 semaphore(%run_scoped3A : memref<!tpu.dma_semaphore, #tpu.memory_space<semaphore_mem>>) src(%dma_wait3A_33 : memref<624x128xf32, #tpu.memory_space<hbm>>) dst(%dma_wait3A_31 : memref<624x128xf32, #tpu.memory_space<vmem_shared>>)
      tpu.yield
    }) : () -> ()
    %eq3A = arith.constant 15 : i32
    %eq3A_3 = arith.cmpi eq, %arg1, %eq3A : i32
    %convert_element_type3A = arith.extui %eq3A_3 : i1 to i32
    %cond3A = arith.constant 0 : i32
    %cond3A_4 = arith.cmpi ne, %convert_element_type3A, %cond3A : i32
    scf.if %cond3A_4 {
      "tpu.region"() ({
        %run_scoped3A = tpu.sem_alloc : memref<!tpu.dma_semaphore, #tpu.memory_space<semaphore_mem>>
        %dma_start3A = arith.constant 9984 : i32
        %dma_start3A_28 = arith.constant 0 : i32
        %dma_start3A_29 = tpu.memref_slice %arg8[%dma_start3A, %dma_start3A_28] : memref<10000x128xf32, #tpu.memory_space<vmem_shared>> -> memref<16x128xf32, #tpu.memory_space<vmem_shared>>
        %dma_start3A_30 = arith.constant 9984 : i32
        %dma_start3A_31 = arith.constant 0 : i32
        %dma_start3A_32 = tpu.memref_slice %arg5[%dma_start3A_30, %dma_start3A_31] : memref<10000x128xf32, #tpu.memory_space<hbm>> -> memref<16x128xf32, #tpu.memory_space<hbm>>
        tpu.enqueue_dma source(%dma_start3A_32 : memref<16x128xf32, #tpu.memory_space<hbm>>) target(%dma_start3A_29 : memref<16x128xf32, #tpu.memory_space<vmem_shared>>) target_semaphore(%run_scoped3A : memref<!tpu.dma_semaphore, #tpu.memory_space<semaphore_mem>>)
        %dma_wait3A = arith.constant 9984 : i32
        %dma_wait3A_33 = arith.constant 0 : i32
        %dma_wait3A_34 = tpu.memref_slice %arg8[%dma_wait3A, %dma_wait3A_33] : memref<10000x128xf32, #tpu.memory_space<vmem_shared>> -> memref<16x128xf32, #tpu.memory_space<vmem_shared>>
        %dma_wait3A_35 = arith.constant 9984 : i32
        %dma_wait3A_36 = arith.constant 0 : i32
        %dma_wait3A_37 = tpu.memref_slice %arg5[%dma_wait3A_35, %dma_wait3A_36] : memref<10000x128xf32, #tpu.memory_space<hbm>> -> memref<16x128xf32, #tpu.memory_space<hbm>>
        tpu.wait_dma2 semaphore(%run_scoped3A : memref<!tpu.dma_semaphore, #tpu.memory_space<semaphore_mem>>) src(%dma_wait3A_37 : memref<16x128xf32, #tpu.memory_space<hbm>>) dst(%dma_wait3A_34 : memref<16x128xf32, #tpu.memory_space<vmem_shared>>)
        tpu.yield
      }) : () -> ()
    } else {
    }
    %scan3A = arith.constant 0 : i32
    %scan3A_5 = arith.constant 0 : i32
    %scan3A_6 = arith.constant 625 : i32
    %scan3A_7 = arith.addi %scan3A_5, %scan3A_6 : i32
    %scan3A_8 = arith.constant 1 : i32
    %scan3A_9 = scf.for %scan3A_28 = %scan3A_5 to %scan3A_7 step %scan3A_8 iter_args(%scan3A_29 = %scan3A) -> (i32)  : i32 {
      %broadcast_in_dim3A = arith.constant 0.000000e+00 : f32
      %broadcast_in_dim3A_30 = vector.broadcast %broadcast_in_dim3A : f32 to vector<16xf32>
      %mul3A_31 = arith.constant 16 : i32
      %mul3A_32 = arith.muli %scan3A_28, %mul3A_31 : i32
      %swap3A = arith.index_cast %mul3A_32 : i32 to index
      %swap3A_33 = tpu.vector_load %arg14[%swap3A] {strides = array<i32>} : memref<10000xf32, #tpu.memory_space<vmem>>, vector<16xf32>,
      tpu.vector_store %arg14[%swap3A], %broadcast_in_dim3A_30 {strides = array<i32>} : memref<10000xf32, #tpu.memory_space<vmem>>, vector<16xf32>,
      %scan3A_34 = arith.constant 0 : i32
      scf.yield %scan3A_34 : i32
    }
    %scan3A_10 = arith.constant 625 : i32
    %barrier3A = arith.constant 0 : index
    tpu.barrier barrier_id(%barrier3A)
    %scan3A_11 = arith.constant 0 : i32
    %scan3A_12 = arith.constant 0 : i32
    %scan3A_13 = arith.constant 5 : i32
    %scan3A_14 = arith.addi %scan3A_12, %scan3A_13 : i32
    %scan3A_15 = arith.constant 1 : i32
    %scan3A_16 = scf.for %scan3A_28 = %scan3A_12 to %scan3A_14 step %scan3A_15 iter_args(%scan3A_29 = %scan3A_11) -> (i32)  : i32 {
      "tpu.region"() ({
        %run_scoped3A = tpu.sem_alloc : memref<!tpu.dma_semaphore, #tpu.memory_space<semaphore_mem>>
        %dma_start3A_168 = arith.constant 0 : i32
        %dma_start3A_169 = arith.constant 0 : i32
        %dma_start3A_170 = tpu.memref_slice %arg3[%add3A, %scan3A_28, %dma_start3A_168, %dma_start3A_169] : memref<32x5x25x80xi32, #tpu.memory_space<hbm>> -> memref<1x1x25x80xi32, #tpu.memory_space<hbm>>
        %dma_start3A_171 = tpu.memref_squeeze %dma_start3A_170 : memref<1x1x25x80xi32, #tpu.memory_space<hbm>> -> memref<25x80xi32, #tpu.memory_space<hbm>>
        %dma_start3A_172 = arith.constant 0 : i32
        %dma_start3A_173 = arith.constant 0 : i32
        %dma_start3A_174 = tpu.memref_slice %arg3[%add3A, %scan3A_28, %dma_start3A_172, %dma_start3A_173] : memref<32x5x25x80xi32, #tpu.memory_space<hbm>> -> memref<1x1x25x80xi32, #tpu.memory_space<hbm>>
        %dma_start3A_175 = tpu.memref_squeeze %dma_start3A_174 : memref<1x1x25x80xi32, #tpu.memory_space<hbm>> -> memref<25x80xi32, #tpu.memory_space<hbm>>
        tpu.enqueue_dma source(%dma_start3A_175 : memref<25x80xi32, #tpu.memory_space<hbm>>) target(%arg9 : memref<25x80xi32, #tpu.memory_space<vmem>>) target_semaphore(%run_scoped3A : memref<!tpu.dma_semaphore, #tpu.memory_space<semaphore_mem>>)
        %dma_wait3A_176 = arith.constant 0 : i32
        %dma_wait3A_177 = arith.constant 0 : i32
        %dma_wait3A_178 = tpu.memref_slice %arg3[%add3A, %scan3A_28, %dma_wait3A_176, %dma_wait3A_177] : memref<32x5x25x80xi32, #tpu.memory_space<hbm>> -> memref<1x1x25x80xi32, #tpu.memory_space<hbm>>
        %dma_wait3A_179 = tpu.memref_squeeze %dma_wait3A_178 : memref<1x1x25x80xi32, #tpu.memory_space<hbm>> -> memref<25x80xi32, #tpu.memory_space<hbm>>
        %dma_wait3A_180 = arith.constant 0 : i32
        %dma_wait3A_181 = arith.constant 0 : i32
        %dma_wait3A_182 = tpu.memref_slice %arg3[%add3A, %scan3A_28, %dma_wait3A_180, %dma_wait3A_181] : memref<32x5x25x80xi32, #tpu.memory_space<hbm>> -> memref<1x1x25x80xi32, #tpu.memory_space<hbm>>
        %dma_wait3A_183 = tpu.memref_squeeze %dma_wait3A_182 : memref<1x1x25x80xi32, #tpu.memory_space<hbm>> -> memref<25x80xi32, #tpu.memory_space<hbm>>
        tpu.wait_dma2 semaphore(%run_scoped3A : memref<!tpu.dma_semaphore, #tpu.memory_space<semaphore_mem>>) src(%dma_wait3A_183 : memref<25x80xi32, #tpu.memory_space<hbm>>) dst(%arg9 : memref<25x80xi32, #tpu.memory_space<vmem>>)
        tpu.yield
      }) : () -> ()
      "tpu.region"() ({
        %run_scoped3A = tpu.sem_alloc : memref<!tpu.dma_semaphore, #tpu.memory_space<semaphore_mem>>
        %dma_start3A_168 = arith.constant 0 : i32
        %dma_start3A_169 = arith.constant 0 : i32
        %dma_start3A_170 = tpu.memref_slice %arg4[%add3A, %scan3A_28, %dma_start3A_168, %dma_start3A_169] : memref<32x5x25x80xi32, #tpu.memory_space<hbm>> -> memref<1x1x25x80xi32, #tpu.memory_space<hbm>>
        %dma_start3A_171 = tpu.memref_squeeze %dma_start3A_170 : memref<1x1x25x80xi32, #tpu.memory_space<hbm>> -> memref<25x80xi32, #tpu.memory_space<hbm>>
        %dma_start3A_172 = arith.constant 0 : i32
        %dma_start3A_173 = arith.constant 0 : i32
        %dma_start3A_174 = tpu.memref_slice %arg4[%add3A, %scan3A_28, %dma_start3A_172, %dma_start3A_173] : memref<32x5x25x80xi32, #tpu.memory_space<hbm>> -> memref<1x1x25x80xi32, #tpu.memory_space<hbm>>
        %dma_start3A_175 = tpu.memref_squeeze %dma_start3A_174 : memref<1x1x25x80xi32, #tpu.memory_space<hbm>> -> memref<25x80xi32, #tpu.memory_space<hbm>>
        tpu.enqueue_dma source(%dma_start3A_175 : memref<25x80xi32, #tpu.memory_space<hbm>>) target(%arg10 : memref<25x80xi32, #tpu.memory_space<vmem>>) target_semaphore(%run_scoped3A : memref<!tpu.dma_semaphore, #tpu.memory_space<semaphore_mem>>)
        %dma_wait3A_176 = arith.constant 0 : i32
        %dma_wait3A_177 = arith.constant 0 : i32
        %dma_wait3A_178 = tpu.memref_slice %arg4[%add3A, %scan3A_28, %dma_wait3A_176, %dma_wait3A_177] : memref<32x5x25x80xi32, #tpu.memory_space<hbm>> -> memref<1x1x25x80xi32, #tpu.memory_space<hbm>>
        %dma_wait3A_179 = tpu.memref_squeeze %dma_wait3A_178 : memref<1x1x25x80xi32, #tpu.memory_space<hbm>> -> memref<25x80xi32, #tpu.memory_space<hbm>>
        %dma_wait3A_180 = arith.constant 0 : i32
        %dma_wait3A_181 = arith.constant 0 : i32
        %dma_wait3A_182 = tpu.memref_slice %arg4[%add3A, %scan3A_28, %dma_wait3A_180, %dma_wait3A_181] : memref<32x5x25x80xi32, #tpu.memory_space<hbm>> -> memref<1x1x25x80xi32, #tpu.memory_space<hbm>>
        %dma_wait3A_183 = tpu.memref_squeeze %dma_wait3A_182 : memref<1x1x25x80xi32, #tpu.memory_space<hbm>> -> memref<25x80xi32, #tpu.memory_space<hbm>>
        tpu.wait_dma2 semaphore(%run_scoped3A : memref<!tpu.dma_semaphore, #tpu.memory_space<semaphore_mem>>) src(%dma_wait3A_183 : memref<25x80xi32, #tpu.memory_space<hbm>>) dst(%arg10 : memref<25x80xi32, #tpu.memory_space<vmem>>)
        tpu.yield
      }) : () -> ()
      %dma_start3A = arith.constant 0 : i32
      %dma_start3A_30 = arith.constant 0 : i32
      %dma_start3A_31 = tpu.memref_slice %arg9[%dma_start3A, %dma_start3A_30] : memref<25x80xi32, #tpu.memory_space<vmem>> -> memref<1x80xi32, #tpu.memory_space<vmem>>
      %dma_start3A_32 = tpu.memref_squeeze %dma_start3A_31 : memref<1x80xi32, #tpu.memory_space<vmem>> -> memref<80xi32, #tpu.memory_space<vmem>>
      %dma_start3A_33 = arith.constant 0 : i32
      %dma_start3A_34 = arith.constant 0 : i32
      %dma_start3A_35 = tpu.memref_slice %arg2[%dma_start3A_33, %dma_start3A_34] : memref<10000x128xf32, #tpu.memory_space<hbm>> -> memref<10000x128xf32, #tpu.memory_space<hbm>>
      tpu.enqueue_indirect_dma source(%dma_start3A_35 : memref<10000x128xf32, #tpu.memory_space<hbm>>) target(%arg11 : memref<80x128xf32, #tpu.memory_space<vmem>>) offsets(%dma_start3A_32 : memref<80xi32, #tpu.memory_space<vmem>>) semaphore(%arg15 : memref<!tpu.dma_semaphore, #tpu.memory_space<semaphore_mem>>)
      %dma_wait3A = arith.constant 0 : i32
      %dma_wait3A_36 = arith.constant 0 : i32
      %dma_wait3A_37 = tpu.memref_slice %arg2[%dma_wait3A, %dma_wait3A_36] : memref<10000x128xf32, #tpu.memory_space<hbm>> -> memref<80x128xf32, #tpu.memory_space<hbm>>
      %dma_wait3A_38 = arith.constant 0 : i32
      %dma_wait3A_39 = arith.constant 0 : i32
      %dma_wait3A_40 = tpu.memref_slice %arg2[%dma_wait3A_38, %dma_wait3A_39] : memref<10000x128xf32, #tpu.memory_space<hbm>> -> memref<80x128xf32, #tpu.memory_space<hbm>>
      tpu.wait_dma2 semaphore(%arg15 : memref<!tpu.dma_semaphore, #tpu.memory_space<semaphore_mem>>) src(%dma_wait3A_40 : memref<80x128xf32, #tpu.memory_space<hbm>>) dst(%arg11 : memref<80x128xf32, #tpu.memory_space<vmem>>)
      %scan3A_41 = arith.constant 0 : i32
      %scan3A_42 = arith.constant 0 : i32
      %scan3A_43 = arith.constant 5 : i32
      %scan3A_44 = arith.addi %scan3A_42, %scan3A_43 : i32
      %scan3A_45 = arith.constant 1 : i32
      %scan3A_46 = scf.for %scan3A_168 = %scan3A_42 to %scan3A_44 step %scan3A_45 iter_args(%scan3A_169 = %scan3A_41) -> (i32)  : i32 {
        %mul3A_170 = arith.constant 16 : i32
        %mul3A_171 = arith.muli %scan3A_168, %mul3A_170 : i32
        %get3A = arith.constant 0 : i32
        %get3A_172 = arith.index_cast %get3A : i32 to index
        %get3A_173 = arith.index_cast %mul3A_171 : i32 to index
        %get3A_174 = tpu.vector_load %arg10[%get3A_172, %get3A_173] {strides = array<i32>} : memref<25x80xi32, #tpu.memory_space<vmem>>, vector<16xi32>,
        %broadcast_in_dim3A = arith.constant 1.000000e+00 : f32
        %broadcast_in_dim3A_175 = vector.broadcast %broadcast_in_dim3A : f32 to vector<16xf32>
        tpu.vector_store_idx %arg14[%get3A_174], %broadcast_in_dim3A_175 {add = true} : memref<10000xf32, #tpu.memory_space<vmem>>[vector<16xi32>], vector<16xf32>,
        %scan3A_176 = arith.constant 0 : i32
        scf.yield %scan3A_176 : i32
      }
      %scan3A_47 = arith.constant 5 : i32
      %dma_start3A_48 = arith.constant 0 : i32
      %dma_start3A_49 = arith.constant 0 : i32
      %dma_start3A_50 = tpu.memref_slice %arg10[%dma_start3A_48, %dma_start3A_49] : memref<25x80xi32, #tpu.memory_space<vmem>> -> memref<1x80xi32, #tpu.memory_space<vmem>>
      %dma_start3A_51 = tpu.memref_squeeze %dma_start3A_50 : memref<1x80xi32, #tpu.memory_space<vmem>> -> memref<80xi32, #tpu.memory_space<vmem>>
      %dma_start3A_52 = arith.constant 0 : i32
      %dma_start3A_53 = arith.constant 0 : i32
      %dma_start3A_54 = tpu.memref_slice %arg8[%dma_start3A_52, %dma_start3A_53] : memref<10000x128xf32, #tpu.memory_space<vmem_shared>> -> memref<10000x128xf32, #tpu.memory_space<vmem_shared>>
      tpu.enqueue_indirect_dma source(%arg11 : memref<80x128xf32, #tpu.memory_space<vmem>>) target(%dma_start3A_54 : memref<10000x128xf32, #tpu.memory_space<vmem_shared>>) offsets(%dma_start3A_51 : memref<80xi32, #tpu.memory_space<vmem>>) semaphore(%arg18 : memref<!tpu.dma_semaphore, #tpu.memory_space<semaphore_mem>>) {add = true}
      %dma_start3A_55 = arith.constant 1 : i32
      %dma_start3A_56 = arith.constant 0 : i32
      %dma_start3A_57 = tpu.memref_slice %arg9[%dma_start3A_55, %dma_start3A_56] : memref<25x80xi32, #tpu.memory_space<vmem>> -> memref<1x80xi32, #tpu.memory_space<vmem>>
      %dma_start3A_58 = tpu.memref_squeeze %dma_start3A_57 : memref<1x80xi32, #tpu.memory_space<vmem>> -> memref<80xi32, #tpu.memory_space<vmem>>
      %dma_start3A_59 = arith.constant 0 : i32
      %dma_start3A_60 = arith.constant 0 : i32
      %dma_start3A_61 = tpu.memref_slice %arg2[%dma_start3A_59, %dma_start3A_60] : memref<10000x128xf32, #tpu.memory_space<hbm>> -> memref<10000x128xf32, #tpu.memory_space<hbm>>
      tpu.enqueue_indirect_dma source(%dma_start3A_61 : memref<10000x128xf32, #tpu.memory_space<hbm>>) target(%arg12 : memref<80x128xf32, #tpu.memory_space<vmem>>) offsets(%dma_start3A_58 : memref<80xi32, #tpu.memory_space<vmem>>) semaphore(%arg16 : memref<!tpu.dma_semaphore, #tpu.memory_space<semaphore_mem>>)
      %dma_wait3A_62 = arith.constant 0 : i32
      %dma_wait3A_63 = arith.constant 0 : i32
      %dma_wait3A_64 = tpu.memref_slice %arg2[%dma_wait3A_62, %dma_wait3A_63] : memref<10000x128xf32, #tpu.memory_space<hbm>> -> memref<80x128xf32, #tpu.memory_space<hbm>>
      %dma_wait3A_65 = arith.constant 0 : i32
      %dma_wait3A_66 = arith.constant 0 : i32
      %dma_wait3A_67 = tpu.memref_slice %arg2[%dma_wait3A_65, %dma_wait3A_66] : memref<10000x128xf32, #tpu.memory_space<hbm>> -> memref<80x128xf32, #tpu.memory_space<hbm>>
      tpu.wait_dma2 semaphore(%arg16 : memref<!tpu.dma_semaphore, #tpu.memory_space<semaphore_mem>>) src(%dma_wait3A_67 : memref<80x128xf32, #tpu.memory_space<hbm>>) dst(%arg12 : memref<80x128xf32, #tpu.memory_space<vmem>>)
      %scan3A_68 = arith.constant 0 : i32
      %scan3A_69 = arith.constant 0 : i32
      %scan3A_70 = arith.constant 5 : i32
      %scan3A_71 = arith.addi %scan3A_69, %scan3A_70 : i32
      %scan3A_72 = arith.constant 1 : i32
      %scan3A_73 = scf.for %scan3A_168 = %scan3A_69 to %scan3A_71 step %scan3A_72 iter_args(%scan3A_169 = %scan3A_68) -> (i32)  : i32 {
        %mul3A_170 = arith.constant 16 : i32
        %mul3A_171 = arith.muli %scan3A_168, %mul3A_170 : i32
        %get3A = arith.constant 1 : i32
        %get3A_172 = arith.index_cast %get3A : i32 to index
        %get3A_173 = arith.index_cast %mul3A_171 : i32 to index
        %get3A_174 = tpu.vector_load %arg10[%get3A_172, %get3A_173] {strides = array<i32>} : memref<25x80xi32, #tpu.memory_space<vmem>>, vector<16xi32>,
        %broadcast_in_dim3A = arith.constant 1.000000e+00 : f32
        %broadcast_in_dim3A_175 = vector.broadcast %broadcast_in_dim3A : f32 to vector<16xf32>
        tpu.vector_store_idx %arg14[%get3A_174], %broadcast_in_dim3A_175 {add = true} : memref<10000xf32, #tpu.memory_space<vmem>>[vector<16xi32>], vector<16xf32>,
        %scan3A_176 = arith.constant 0 : i32
        scf.yield %scan3A_176 : i32
      }
      %scan3A_74 = arith.constant 5 : i32
      %dma_start3A_75 = arith.constant 1 : i32
      %dma_start3A_76 = arith.constant 0 : i32
      %dma_start3A_77 = tpu.memref_slice %arg10[%dma_start3A_75, %dma_start3A_76] : memref<25x80xi32, #tpu.memory_space<vmem>> -> memref<1x80xi32, #tpu.memory_space<vmem>>
      %dma_start3A_78 = tpu.memref_squeeze %dma_start3A_77 : memref<1x80xi32, #tpu.memory_space<vmem>> -> memref<80xi32, #tpu.memory_space<vmem>>
      %dma_start3A_79 = arith.constant 0 : i32
      %dma_start3A_80 = arith.constant 0 : i32
      %dma_start3A_81 = tpu.memref_slice %arg8[%dma_start3A_79, %dma_start3A_80] : memref<10000x128xf32, #tpu.memory_space<vmem_shared>> -> memref<10000x128xf32, #tpu.memory_space<vmem_shared>>
      tpu.enqueue_indirect_dma source(%arg12 : memref<80x128xf32, #tpu.memory_space<vmem>>) target(%dma_start3A_81 : memref<10000x128xf32, #tpu.memory_space<vmem_shared>>) offsets(%dma_start3A_78 : memref<80xi32, #tpu.memory_space<vmem>>) semaphore(%arg19 : memref<!tpu.dma_semaphore, #tpu.memory_space<semaphore_mem>>) {add = true}
      %dma_start3A_82 = arith.constant 2 : i32
      %dma_start3A_83 = arith.constant 0 : i32
      %dma_start3A_84 = tpu.memref_slice %arg9[%dma_start3A_82, %dma_start3A_83] : memref<25x80xi32, #tpu.memory_space<vmem>> -> memref<1x80xi32, #tpu.memory_space<vmem>>
      %dma_start3A_85 = tpu.memref_squeeze %dma_start3A_84 : memref<1x80xi32, #tpu.memory_space<vmem>> -> memref<80xi32, #tpu.memory_space<vmem>>
      %dma_start3A_86 = arith.constant 0 : i32
      %dma_start3A_87 = arith.constant 0 : i32
      %dma_start3A_88 = tpu.memref_slice %arg2[%dma_start3A_86, %dma_start3A_87] : memref<10000x128xf32, #tpu.memory_space<hbm>> -> memref<10000x128xf32, #tpu.memory_space<hbm>>
      tpu.enqueue_indirect_dma source(%dma_start3A_88 : memref<10000x128xf32, #tpu.memory_space<hbm>>) target(%arg13 : memref<80x128xf32, #tpu.memory_space<vmem>>) offsets(%dma_start3A_85 : memref<80xi32, #tpu.memory_space<vmem>>) semaphore(%arg17 : memref<!tpu.dma_semaphore, #tpu.memory_space<semaphore_mem>>)
      %dma_wait3A_89 = arith.constant 0 : i32
      %dma_wait3A_90 = arith.constant 0 : i32
      %dma_wait3A_91 = tpu.memref_slice %arg2[%dma_wait3A_89, %dma_wait3A_90] : memref<10000x128xf32, #tpu.memory_space<hbm>> -> memref<80x128xf32, #tpu.memory_space<hbm>>
      %dma_wait3A_92 = arith.constant 0 : i32
      %dma_wait3A_93 = arith.constant 0 : i32
      %dma_wait3A_94 = tpu.memref_slice %arg2[%dma_wait3A_92, %dma_wait3A_93] : memref<10000x128xf32, #tpu.memory_space<hbm>> -> memref<80x128xf32, #tpu.memory_space<hbm>>
      tpu.wait_dma2 semaphore(%arg17 : memref<!tpu.dma_semaphore, #tpu.memory_space<semaphore_mem>>) src(%dma_wait3A_94 : memref<80x128xf32, #tpu.memory_space<hbm>>) dst(%arg13 : memref<80x128xf32, #tpu.memory_space<vmem>>)
      %scan3A_95 = arith.constant 0 : i32
      %scan3A_96 = arith.constant 0 : i32
      %scan3A_97 = arith.constant 5 : i32
      %scan3A_98 = arith.addi %scan3A_96, %scan3A_97 : i32
      %scan3A_99 = arith.constant 1 : i32
      %scan3A_100 = scf.for %scan3A_168 = %scan3A_96 to %scan3A_98 step %scan3A_99 iter_args(%scan3A_169 = %scan3A_95) -> (i32)  : i32 {
        %mul3A_170 = arith.constant 16 : i32
        %mul3A_171 = arith.muli %scan3A_168, %mul3A_170 : i32
        %get3A = arith.constant 2 : i32
        %get3A_172 = arith.index_cast %get3A : i32 to index
        %get3A_173 = arith.index_cast %mul3A_171 : i32 to index
        %get3A_174 = tpu.vector_load %arg10[%get3A_172, %get3A_173] {strides = array<i32>} : memref<25x80xi32, #tpu.memory_space<vmem>>, vector<16xi32>,
        %broadcast_in_dim3A = arith.constant 1.000000e+00 : f32
        %broadcast_in_dim3A_175 = vector.broadcast %broadcast_in_dim3A : f32 to vector<16xf32>
        tpu.vector_store_idx %arg14[%get3A_174], %broadcast_in_dim3A_175 {add = true} : memref<10000xf32, #tpu.memory_space<vmem>>[vector<16xi32>], vector<16xf32>,
        %scan3A_176 = arith.constant 0 : i32
        scf.yield %scan3A_176 : i32
      }
      %scan3A_101 = arith.constant 5 : i32
      %dma_start3A_102 = arith.constant 2 : i32
      %dma_start3A_103 = arith.constant 0 : i32
      %dma_start3A_104 = tpu.memref_slice %arg10[%dma_start3A_102, %dma_start3A_103] : memref<25x80xi32, #tpu.memory_space<vmem>> -> memref<1x80xi32, #tpu.memory_space<vmem>>
      %dma_start3A_105 = tpu.memref_squeeze %dma_start3A_104 : memref<1x80xi32, #tpu.memory_space<vmem>> -> memref<80xi32, #tpu.memory_space<vmem>>
      %dma_start3A_106 = arith.constant 0 : i32
      %dma_start3A_107 = arith.constant 0 : i32
      %dma_start3A_108 = tpu.memref_slice %arg8[%dma_start3A_106, %dma_start3A_107] : memref<10000x128xf32, #tpu.memory_space<vmem_shared>> -> memref<10000x128xf32, #tpu.memory_space<vmem_shared>>
      tpu.enqueue_indirect_dma source(%arg13 : memref<80x128xf32, #tpu.memory_space<vmem>>) target(%dma_start3A_108 : memref<10000x128xf32, #tpu.memory_space<vmem_shared>>) offsets(%dma_start3A_105 : memref<80xi32, #tpu.memory_space<vmem>>) semaphore(%arg20 : memref<!tpu.dma_semaphore, #tpu.memory_space<semaphore_mem>>) {add = true}
      %dma_wait3A_109 = arith.constant 0 : i32
      %dma_wait3A_110 = arith.constant 0 : i32
      %dma_wait3A_111 = tpu.memref_slice %arg2[%dma_wait3A_109, %dma_wait3A_110] : memref<10000x128xf32, #tpu.memory_space<hbm>> -> memref<80x128xf32, #tpu.memory_space<hbm>>
      %dma_wait3A_112 = arith.constant 0 : i32
      %dma_wait3A_113 = arith.constant 0 : i32
      %dma_wait3A_114 = tpu.memref_slice %arg2[%dma_wait3A_112, %dma_wait3A_113] : memref<10000x128xf32, #tpu.memory_space<hbm>> -> memref<80x128xf32, #tpu.memory_space<hbm>>
      tpu.wait_dma2 semaphore(%arg18 : memref<!tpu.dma_semaphore, #tpu.memory_space<semaphore_mem>>) src(%dma_wait3A_114 : memref<80x128xf32, #tpu.memory_space<hbm>>) dst(%arg11 : memref<80x128xf32, #tpu.memory_space<vmem>>)
      %dma_start3A_115 = arith.constant 3 : i32
      %dma_start3A_116 = arith.constant 0 : i32
      %dma_start3A_117 = tpu.memref_slice %arg9[%dma_start3A_115, %dma_start3A_116] : memref<25x80xi32, #tpu.memory_space<vmem>> -> memref<1x80xi32, #tpu.memory_space<vmem>>
      %dma_start3A_118 = tpu.memref_squeeze %dma_start3A_117 : memref<1x80xi32, #tpu.memory_space<vmem>> -> memref<80xi32, #tpu.memory_space<vmem>>
      %dma_start3A_119 = arith.constant 0 : i32
      %dma_start3A_120 = arith.constant 0 : i32
      %dma_start3A_121 = tpu.memref_slice %arg2[%dma_start3A_119, %dma_start3A_120] : memref<10000x128xf32, #tpu.memory_space<hbm>> -> memref<10000x128xf32, #tpu.memory_space<hbm>>
      tpu.enqueue_indirect_dma source(%dma_start3A_121 : memref<10000x128xf32, #tpu.memory_space<hbm>>) target(%arg11 : memref<80x128xf32, #tpu.memory_space<vmem>>) offsets(%dma_start3A_118 : memref<80xi32, #tpu.memory_space<vmem>>) semaphore(%arg15 : memref<!tpu.dma_semaphore, #tpu.memory_space<semaphore_mem>>)
      %scan3A_122 = arith.constant 0 : i32
      %scan3A_123 = arith.constant 1 : i32
      %scan3A_124 = arith.constant 7 : i32
      %scan3A_125 = arith.addi %scan3A_123, %scan3A_124 : i32
      %scan3A_126 = arith.constant 1 : i32
      %scan3A_127 = scf.for %scan3A_168 = %scan3A_123 to %scan3A_125 step %scan3A_126 iter_args(%scan3A_169 = %scan3A_122) -> (i32)  : i32 {
        %mul3A_170 = arith.constant 3 : i32
        %mul3A_171 = arith.muli %mul3A_170, %scan3A_168 : i32
        %dma_wait3A_172 = arith.constant 0 : i32
        %dma_wait3A_173 = arith.constant 0 : i32
        %dma_wait3A_174 = tpu.memref_slice %arg2[%dma_wait3A_172, %dma_wait3A_173] : memref<10000x128xf32, #tpu.memory_space<hbm>> -> memref<80x128xf32, #tpu.memory_space<hbm>>
        %dma_wait3A_175 = arith.constant 0 : i32
        %dma_wait3A_176 = arith.constant 0 : i32
        %dma_wait3A_177 = tpu.memref_slice %arg2[%dma_wait3A_175, %dma_wait3A_176] : memref<10000x128xf32, #tpu.memory_space<hbm>> -> memref<80x128xf32, #tpu.memory_space<hbm>>
        tpu.wait_dma2 semaphore(%arg15 : memref<!tpu.dma_semaphore, #tpu.memory_space<semaphore_mem>>) src(%dma_wait3A_177 : memref<80x128xf32, #tpu.memory_space<hbm>>) dst(%arg11 : memref<80x128xf32, #tpu.memory_space<vmem>>)
        %scan3A_178 = arith.constant 0 : i32
        %scan3A_179 = arith.constant 0 : i32
        %scan3A_180 = arith.constant 5 : i32
        %scan3A_181 = arith.addi %scan3A_179, %scan3A_180 : i32
        %scan3A_182 = arith.constant 1 : i32
        %scan3A_183 = scf.for %scan3A_276 = %scan3A_179 to %scan3A_181 step %scan3A_182 iter_args(%scan3A_277 = %scan3A_178) -> (i32)  : i32 {
          %mul3A_278 = arith.constant 16 : i32
          %mul3A_279 = arith.muli %scan3A_276, %mul3A_278 : i32
          %get3A = arith.index_cast %mul3A_171 : i32 to index
          %get3A_280 = arith.index_cast %mul3A_279 : i32 to index
          %get3A_281 = tpu.vector_load %arg10[%get3A, %get3A_280] {strides = array<i32>} : memref<25x80xi32, #tpu.memory_space<vmem>>, vector<16xi32>,
          %broadcast_in_dim3A = arith.constant 1.000000e+00 : f32
          %broadcast_in_dim3A_282 = vector.broadcast %broadcast_in_dim3A : f32 to vector<16xf32>
          tpu.vector_store_idx %arg14[%get3A_281], %broadcast_in_dim3A_282 {add = true} : memref<10000xf32, #tpu.memory_space<vmem>>[vector<16xi32>], vector<16xf32>,
          %scan3A_283 = arith.constant 0 : i32
          scf.yield %scan3A_283 : i32
        }
        %scan3A_184 = arith.constant 5 : i32
        %dma_start3A_185 = arith.constant 0 : i32
        %dma_start3A_186 = tpu.memref_slice %arg10[%mul3A_171, %dma_start3A_185] : memref<25x80xi32, #tpu.memory_space<vmem>> -> memref<1x80xi32, #tpu.memory_space<vmem>>
        %dma_start3A_187 = tpu.memref_squeeze %dma_start3A_186 : memref<1x80xi32, #tpu.memory_space<vmem>> -> memref<80xi32, #tpu.memory_space<vmem>>
        %dma_start3A_188 = arith.constant 0 : i32
        %dma_start3A_189 = arith.constant 0 : i32
        %dma_start3A_190 = tpu.memref_slice %arg8[%dma_start3A_188, %dma_start3A_189] : memref<10000x128xf32, #tpu.memory_space<vmem_shared>> -> memref<10000x128xf32, #tpu.memory_space<vmem_shared>>
        tpu.enqueue_indirect_dma source(%arg11 : memref<80x128xf32, #tpu.memory_space<vmem>>) target(%dma_start3A_190 : memref<10000x128xf32, #tpu.memory_space<vmem_shared>>) offsets(%dma_start3A_187 : memref<80xi32, #tpu.memory_space<vmem>>) semaphore(%arg18 : memref<!tpu.dma_semaphore, #tpu.memory_space<semaphore_mem>>) {add = true}
        %dma_wait3A_191 = arith.constant 0 : i32
        %dma_wait3A_192 = arith.constant 0 : i32
        %dma_wait3A_193 = tpu.memref_slice %arg2[%dma_wait3A_191, %dma_wait3A_192] : memref<10000x128xf32, #tpu.memory_space<hbm>> -> memref<80x128xf32, #tpu.memory_space<hbm>>
        %dma_wait3A_194 = arith.constant 0 : i32
        %dma_wait3A_195 = arith.constant 0 : i32
        %dma_wait3A_196 = tpu.memref_slice %arg2[%dma_wait3A_194, %dma_wait3A_195] : memref<10000x128xf32, #tpu.memory_space<hbm>> -> memref<80x128xf32, #tpu.memory_space<hbm>>
        tpu.wait_dma2 semaphore(%arg19 : memref<!tpu.dma_semaphore, #tpu.memory_space<semaphore_mem>>) src(%dma_wait3A_196 : memref<80x128xf32, #tpu.memory_space<hbm>>) dst(%arg12 : memref<80x128xf32, #tpu.memory_space<vmem>>)
        %add3A_197 = arith.constant 1 : i32
        %add3A_198 = arith.addi %mul3A_171, %add3A_197 : i32
        %dma_start3A_199 = arith.constant 0 : i32
        %dma_start3A_200 = tpu.memref_slice %arg9[%add3A_198, %dma_start3A_199] : memref<25x80xi32, #tpu.memory_space<vmem>> -> memref<1x80xi32, #tpu.memory_space<vmem>>
        %dma_start3A_201 = tpu.memref_squeeze %dma_start3A_200 : memref<1x80xi32, #tpu.memory_space<vmem>> -> memref<80xi32, #tpu.memory_space<vmem>>
        %dma_start3A_202 = arith.constant 0 : i32
        %dma_start3A_203 = arith.constant 0 : i32
        %dma_start3A_204 = tpu.memref_slice %arg2[%dma_start3A_202, %dma_start3A_203] : memref<10000x128xf32, #tpu.memory_space<hbm>> -> memref<10000x128xf32, #tpu.memory_space<hbm>>
        tpu.enqueue_indirect_dma source(%dma_start3A_204 : memref<10000x128xf32, #tpu.memory_space<hbm>>) target(%arg12 : memref<80x128xf32, #tpu.memory_space<vmem>>) offsets(%dma_start3A_201 : memref<80xi32, #tpu.memory_space<vmem>>) semaphore(%arg16 : memref<!tpu.dma_semaphore, #tpu.memory_space<semaphore_mem>>)
        %add3A_205 = arith.constant 1 : i32
        %add3A_206 = arith.addi %mul3A_171, %add3A_205 : i32
        %dma_wait3A_207 = arith.constant 0 : i32
        %dma_wait3A_208 = arith.constant 0 : i32
        %dma_wait3A_209 = tpu.memref_slice %arg2[%dma_wait3A_207, %dma_wait3A_208] : memref<10000x128xf32, #tpu.memory_space<hbm>> -> memref<80x128xf32, #tpu.memory_space<hbm>>
        %dma_wait3A_210 = arith.constant 0 : i32
        %dma_wait3A_211 = arith.constant 0 : i32
        %dma_wait3A_212 = tpu.memref_slice %arg2[%dma_wait3A_210, %dma_wait3A_211] : memref<10000x128xf32, #tpu.memory_space<hbm>> -> memref<80x128xf32, #tpu.memory_space<hbm>>
        tpu.wait_dma2 semaphore(%arg16 : memref<!tpu.dma_semaphore, #tpu.memory_space<semaphore_mem>>) src(%dma_wait3A_212 : memref<80x128xf32, #tpu.memory_space<hbm>>) dst(%arg12 : memref<80x128xf32, #tpu.memory_space<vmem>>)
        %scan3A_213 = arith.constant 0 : i32
        %scan3A_214 = arith.constant 0 : i32
        %scan3A_215 = arith.constant 5 : i32
        %scan3A_216 = arith.addi %scan3A_214, %scan3A_215 : i32
        %scan3A_217 = arith.constant 1 : i32
        %scan3A_218 = scf.for %scan3A_276 = %scan3A_214 to %scan3A_216 step %scan3A_217 iter_args(%scan3A_277 = %scan3A_213) -> (i32)  : i32 {
          %mul3A_278 = arith.constant 16 : i32
          %mul3A_279 = arith.muli %scan3A_276, %mul3A_278 : i32
          %get3A = arith.index_cast %add3A_206 : i32 to index
          %get3A_280 = arith.index_cast %mul3A_279 : i32 to index
          %get3A_281 = tpu.vector_load %arg10[%get3A, %get3A_280] {strides = array<i32>} : memref<25x80xi32, #tpu.memory_space<vmem>>, vector<16xi32>,
          %broadcast_in_dim3A = arith.constant 1.000000e+00 : f32
          %broadcast_in_dim3A_282 = vector.broadcast %broadcast_in_dim3A : f32 to vector<16xf32>
          tpu.vector_store_idx %arg14[%get3A_281], %broadcast_in_dim3A_282 {add = true} : memref<10000xf32, #tpu.memory_space<vmem>>[vector<16xi32>], vector<16xf32>,
          %scan3A_283 = arith.constant 0 : i32
          scf.yield %scan3A_283 : i32
        }
        %scan3A_219 = arith.constant 5 : i32
        %dma_start3A_220 = arith.constant 0 : i32
        %dma_start3A_221 = tpu.memref_slice %arg10[%add3A_206, %dma_start3A_220] : memref<25x80xi32, #tpu.memory_space<vmem>> -> memref<1x80xi32, #tpu.memory_space<vmem>>
        %dma_start3A_222 = tpu.memref_squeeze %dma_start3A_221 : memref<1x80xi32, #tpu.memory_space<vmem>> -> memref<80xi32, #tpu.memory_space<vmem>>
        %dma_start3A_223 = arith.constant 0 : i32
        %dma_start3A_224 = arith.constant 0 : i32
        %dma_start3A_225 = tpu.memref_slice %arg8[%dma_start3A_223, %dma_start3A_224] : memref<10000x128xf32, #tpu.memory_space<vmem_shared>> -> memref<10000x128xf32, #tpu.memory_space<vmem_shared>>
        tpu.enqueue_indirect_dma source(%arg12 : memref<80x128xf32, #tpu.memory_space<vmem>>) target(%dma_start3A_225 : memref<10000x128xf32, #tpu.memory_space<vmem_shared>>) offsets(%dma_start3A_222 : memref<80xi32, #tpu.memory_space<vmem>>) semaphore(%arg19 : memref<!tpu.dma_semaphore, #tpu.memory_space<semaphore_mem>>) {add = true}
        %dma_wait3A_226 = arith.constant 0 : i32
        %dma_wait3A_227 = arith.constant 0 : i32
        %dma_wait3A_228 = tpu.memref_slice %arg2[%dma_wait3A_226, %dma_wait3A_227] : memref<10000x128xf32, #tpu.memory_space<hbm>> -> memref<80x128xf32, #tpu.memory_space<hbm>>
        %dma_wait3A_229 = arith.constant 0 : i32
        %dma_wait3A_230 = arith.constant 0 : i32
        %dma_wait3A_231 = tpu.memref_slice %arg2[%dma_wait3A_229, %dma_wait3A_230] : memref<10000x128xf32, #tpu.memory_space<hbm>> -> memref<80x128xf32, #tpu.memory_space<hbm>>
        tpu.wait_dma2 semaphore(%arg20 : memref<!tpu.dma_semaphore, #tpu.memory_space<semaphore_mem>>) src(%dma_wait3A_231 : memref<80x128xf32, #tpu.memory_space<hbm>>) dst(%arg13 : memref<80x128xf32, #tpu.memory_space<vmem>>)
        %add3A_232 = arith.constant 1 : i32
        %add3A_233 = arith.addi %add3A_206, %add3A_232 : i32
        %dma_start3A_234 = arith.constant 0 : i32
        %dma_start3A_235 = tpu.memref_slice %arg9[%add3A_233, %dma_start3A_234] : memref<25x80xi32, #tpu.memory_space<vmem>> -> memref<1x80xi32, #tpu.memory_space<vmem>>
        %dma_start3A_236 = tpu.memref_squeeze %dma_start3A_235 : memref<1x80xi32, #tpu.memory_space<vmem>> -> memref<80xi32, #tpu.memory_space<vmem>>
        %dma_start3A_237 = arith.constant 0 : i32
        %dma_start3A_238 = arith.constant 0 : i32
        %dma_start3A_239 = tpu.memref_slice %arg2[%dma_start3A_237, %dma_start3A_238] : memref<10000x128xf32, #tpu.memory_space<hbm>> -> memref<10000x128xf32, #tpu.memory_space<hbm>>
        tpu.enqueue_indirect_dma source(%dma_start3A_239 : memref<10000x128xf32, #tpu.memory_space<hbm>>) target(%arg13 : memref<80x128xf32, #tpu.memory_space<vmem>>) offsets(%dma_start3A_236 : memref<80xi32, #tpu.memory_space<vmem>>) semaphore(%arg17 : memref<!tpu.dma_semaphore, #tpu.memory_space<semaphore_mem>>)
        %add3A_240 = arith.constant 2 : i32
        %add3A_241 = arith.addi %mul3A_171, %add3A_240 : i32
        %dma_wait3A_242 = arith.constant 0 : i32
        %dma_wait3A_243 = arith.constant 0 : i32
        %dma_wait3A_244 = tpu.memref_slice %arg2[%dma_wait3A_242, %dma_wait3A_243] : memref<10000x128xf32, #tpu.memory_space<hbm>> -> memref<80x128xf32, #tpu.memory_space<hbm>>
        %dma_wait3A_245 = arith.constant 0 : i32
        %dma_wait3A_246 = arith.constant 0 : i32
        %dma_wait3A_247 = tpu.memref_slice %arg2[%dma_wait3A_245, %dma_wait3A_246] : memref<10000x128xf32, #tpu.memory_space<hbm>> -> memref<80x128xf32, #tpu.memory_space<hbm>>
        tpu.wait_dma2 semaphore(%arg17 : memref<!tpu.dma_semaphore, #tpu.memory_space<semaphore_mem>>) src(%dma_wait3A_247 : memref<80x128xf32, #tpu.memory_space<hbm>>) dst(%arg13 : memref<80x128xf32, #tpu.memory_space<vmem>>)
        %scan3A_248 = arith.constant 0 : i32
        %scan3A_249 = arith.constant 0 : i32
        %scan3A_250 = arith.constant 5 : i32
        %scan3A_251 = arith.addi %scan3A_249, %scan3A_250 : i32
        %scan3A_252 = arith.constant 1 : i32
        %scan3A_253 = scf.for %scan3A_276 = %scan3A_249 to %scan3A_251 step %scan3A_252 iter_args(%scan3A_277 = %scan3A_248) -> (i32)  : i32 {
          %mul3A_278 = arith.constant 16 : i32
          %mul3A_279 = arith.muli %scan3A_276, %mul3A_278 : i32
          %get3A = arith.index_cast %add3A_241 : i32 to index
          %get3A_280 = arith.index_cast %mul3A_279 : i32 to index
          %get3A_281 = tpu.vector_load %arg10[%get3A, %get3A_280] {strides = array<i32>} : memref<25x80xi32, #tpu.memory_space<vmem>>, vector<16xi32>,
          %broadcast_in_dim3A = arith.constant 1.000000e+00 : f32
          %broadcast_in_dim3A_282 = vector.broadcast %broadcast_in_dim3A : f32 to vector<16xf32>
          tpu.vector_store_idx %arg14[%get3A_281], %broadcast_in_dim3A_282 {add = true} : memref<10000xf32, #tpu.memory_space<vmem>>[vector<16xi32>], vector<16xf32>,
          %scan3A_283 = arith.constant 0 : i32
          scf.yield %scan3A_283 : i32
        }
        %scan3A_254 = arith.constant 5 : i32
        %dma_start3A_255 = arith.constant 0 : i32
        %dma_start3A_256 = tpu.memref_slice %arg10[%add3A_241, %dma_start3A_255] : memref<25x80xi32, #tpu.memory_space<vmem>> -> memref<1x80xi32, #tpu.memory_space<vmem>>
        %dma_start3A_257 = tpu.memref_squeeze %dma_start3A_256 : memref<1x80xi32, #tpu.memory_space<vmem>> -> memref<80xi32, #tpu.memory_space<vmem>>
        %dma_start3A_258 = arith.constant 0 : i32
        %dma_start3A_259 = arith.constant 0 : i32
        %dma_start3A_260 = tpu.memref_slice %arg8[%dma_start3A_258, %dma_start3A_259] : memref<10000x128xf32, #tpu.memory_space<vmem_shared>> -> memref<10000x128xf32, #tpu.memory_space<vmem_shared>>
        tpu.enqueue_indirect_dma source(%arg13 : memref<80x128xf32, #tpu.memory_space<vmem>>) target(%dma_start3A_260 : memref<10000x128xf32, #tpu.memory_space<vmem_shared>>) offsets(%dma_start3A_257 : memref<80xi32, #tpu.memory_space<vmem>>) semaphore(%arg20 : memref<!tpu.dma_semaphore, #tpu.memory_space<semaphore_mem>>) {add = true}
        %dma_wait3A_261 = arith.constant 0 : i32
        %dma_wait3A_262 = arith.constant 0 : i32
        %dma_wait3A_263 = tpu.memref_slice %arg2[%dma_wait3A_261, %dma_wait3A_262] : memref<10000x128xf32, #tpu.memory_space<hbm>> -> memref<80x128xf32, #tpu.memory_space<hbm>>
        %dma_wait3A_264 = arith.constant 0 : i32
        %dma_wait3A_265 = arith.constant 0 : i32
        %dma_wait3A_266 = tpu.memref_slice %arg2[%dma_wait3A_264, %dma_wait3A_265] : memref<10000x128xf32, #tpu.memory_space<hbm>> -> memref<80x128xf32, #tpu.memory_space<hbm>>
        tpu.wait_dma2 semaphore(%arg18 : memref<!tpu.dma_semaphore, #tpu.memory_space<semaphore_mem>>) src(%dma_wait3A_266 : memref<80x128xf32, #tpu.memory_space<hbm>>) dst(%arg11 : memref<80x128xf32, #tpu.memory_space<vmem>>)
        %add3A_267 = arith.constant 1 : i32
        %add3A_268 = arith.addi %add3A_241, %add3A_267 : i32
        %dma_start3A_269 = arith.constant 0 : i32
        %dma_start3A_270 = tpu.memref_slice %arg9[%add3A_268, %dma_start3A_269] : memref<25x80xi32, #tpu.memory_space<vmem>> -> memref<1x80xi32, #tpu.memory_space<vmem>>
        %dma_start3A_271 = tpu.memref_squeeze %dma_start3A_270 : memref<1x80xi32, #tpu.memory_space<vmem>> -> memref<80xi32, #tpu.memory_space<vmem>>
        %dma_start3A_272 = arith.constant 0 : i32
        %dma_start3A_273 = arith.constant 0 : i32
        %dma_start3A_274 = tpu.memref_slice %arg2[%dma_start3A_272, %dma_start3A_273] : memref<10000x128xf32, #tpu.memory_space<hbm>> -> memref<10000x128xf32, #tpu.memory_space<hbm>>
        tpu.enqueue_indirect_dma source(%dma_start3A_274 : memref<10000x128xf32, #tpu.memory_space<hbm>>) target(%arg11 : memref<80x128xf32, #tpu.memory_space<vmem>>) offsets(%dma_start3A_271 : memref<80xi32, #tpu.memory_space<vmem>>) semaphore(%arg15 : memref<!tpu.dma_semaphore, #tpu.memory_space<semaphore_mem>>)
        %scan3A_275 = arith.constant 0 : i32
        scf.yield %scan3A_275 : i32
      }
      %scan3A_128 = arith.constant 7 : i32
      %dma_wait3A_129 = arith.constant 0 : i32
      %dma_wait3A_130 = arith.constant 0 : i32
      %dma_wait3A_131 = tpu.memref_slice %arg2[%dma_wait3A_129, %dma_wait3A_130] : memref<10000x128xf32, #tpu.memory_space<hbm>> -> memref<80x128xf32, #tpu.memory_space<hbm>>
      %dma_wait3A_132 = arith.constant 0 : i32
      %dma_wait3A_133 = arith.constant 0 : i32
      %dma_wait3A_134 = tpu.memref_slice %arg2[%dma_wait3A_132, %dma_wait3A_133] : memref<10000x128xf32, #tpu.memory_space<hbm>> -> memref<80x128xf32, #tpu.memory_space<hbm>>
      tpu.wait_dma2 semaphore(%arg15 : memref<!tpu.dma_semaphore, #tpu.memory_space<semaphore_mem>>) src(%dma_wait3A_134 : memref<80x128xf32, #tpu.memory_space<hbm>>) dst(%arg11 : memref<80x128xf32, #tpu.memory_space<vmem>>)
      %scan3A_135 = arith.constant 0 : i32
      %scan3A_136 = arith.constant 0 : i32
      %scan3A_137 = arith.constant 5 : i32
      %scan3A_138 = arith.addi %scan3A_136, %scan3A_137 : i32
      %scan3A_139 = arith.constant 1 : i32
      %scan3A_140 = scf.for %scan3A_168 = %scan3A_136 to %scan3A_138 step %scan3A_139 iter_args(%scan3A_169 = %scan3A_135) -> (i32)  : i32 {
        %mul3A_170 = arith.constant 16 : i32
        %mul3A_171 = arith.muli %scan3A_168, %mul3A_170 : i32
        %get3A = arith.constant 24 : i32
        %get3A_172 = arith.index_cast %get3A : i32 to index
        %get3A_173 = arith.index_cast %mul3A_171 : i32 to index
        %get3A_174 = tpu.vector_load %arg10[%get3A_172, %get3A_173] {strides = array<i32>} : memref<25x80xi32, #tpu.memory_space<vmem>>, vector<16xi32>,
        %broadcast_in_dim3A = arith.constant 1.000000e+00 : f32
        %broadcast_in_dim3A_175 = vector.broadcast %broadcast_in_dim3A : f32 to vector<16xf32>
        tpu.vector_store_idx %arg14[%get3A_174], %broadcast_in_dim3A_175 {add = true} : memref<10000xf32, #tpu.memory_space<vmem>>[vector<16xi32>], vector<16xf32>,
        %scan3A_176 = arith.constant 0 : i32
        scf.yield %scan3A_176 : i32
      }
      %scan3A_141 = arith.constant 5 : i32
      %dma_start3A_142 = arith.constant 24 : i32
      %dma_start3A_143 = arith.constant 0 : i32
      %dma_start3A_144 = tpu.memref_slice %arg10[%dma_start3A_142, %dma_start3A_143] : memref<25x80xi32, #tpu.memory_space<vmem>> -> memref<1x80xi32, #tpu.memory_space<vmem>>
      %dma_start3A_145 = tpu.memref_squeeze %dma_start3A_144 : memref<1x80xi32, #tpu.memory_space<vmem>> -> memref<80xi32, #tpu.memory_space<vmem>>
      %dma_start3A_146 = arith.constant 0 : i32
      %dma_start3A_147 = arith.constant 0 : i32
      %dma_start3A_148 = tpu.memref_slice %arg8[%dma_start3A_146, %dma_start3A_147] : memref<10000x128xf32, #tpu.memory_space<vmem_shared>> -> memref<10000x128xf32, #tpu.memory_space<vmem_shared>>
      tpu.enqueue_indirect_dma source(%arg11 : memref<80x128xf32, #tpu.memory_space<vmem>>) target(%dma_start3A_148 : memref<10000x128xf32, #tpu.memory_space<vmem_shared>>) offsets(%dma_start3A_145 : memref<80xi32, #tpu.memory_space<vmem>>) semaphore(%arg18 : memref<!tpu.dma_semaphore, #tpu.memory_space<semaphore_mem>>) {add = true}
      %dma_wait3A_149 = arith.constant 0 : i32
      %dma_wait3A_150 = arith.constant 0 : i32
      %dma_wait3A_151 = tpu.memref_slice %arg2[%dma_wait3A_149, %dma_wait3A_150] : memref<10000x128xf32, #tpu.memory_space<hbm>> -> memref<80x128xf32, #tpu.memory_space<hbm>>
      %dma_wait3A_152 = arith.constant 0 : i32
      %dma_wait3A_153 = arith.constant 0 : i32
      %dma_wait3A_154 = tpu.memref_slice %arg2[%dma_wait3A_152, %dma_wait3A_153] : memref<10000x128xf32, #tpu.memory_space<hbm>> -> memref<80x128xf32, #tpu.memory_space<hbm>>
      tpu.wait_dma2 semaphore(%arg19 : memref<!tpu.dma_semaphore, #tpu.memory_space<semaphore_mem>>) src(%dma_wait3A_154 : memref<80x128xf32, #tpu.memory_space<hbm>>) dst(%arg12 : memref<80x128xf32, #tpu.memory_space<vmem>>)
      %dma_wait3A_155 = arith.constant 0 : i32
      %dma_wait3A_156 = arith.constant 0 : i32
      %dma_wait3A_157 = tpu.memref_slice %arg2[%dma_wait3A_155, %dma_wait3A_156] : memref<10000x128xf32, #tpu.memory_space<hbm>> -> memref<80x128xf32, #tpu.memory_space<hbm>>
      %dma_wait3A_158 = arith.constant 0 : i32
      %dma_wait3A_159 = arith.constant 0 : i32
      %dma_wait3A_160 = tpu.memref_slice %arg2[%dma_wait3A_158, %dma_wait3A_159] : memref<10000x128xf32, #tpu.memory_space<hbm>> -> memref<80x128xf32, #tpu.memory_space<hbm>>
      tpu.wait_dma2 semaphore(%arg20 : memref<!tpu.dma_semaphore, #tpu.memory_space<semaphore_mem>>) src(%dma_wait3A_160 : memref<80x128xf32, #tpu.memory_space<hbm>>) dst(%arg13 : memref<80x128xf32, #tpu.memory_space<vmem>>)
      %dma_wait3A_161 = arith.constant 0 : i32
      %dma_wait3A_162 = arith.constant 0 : i32
      %dma_wait3A_163 = tpu.memref_slice %arg2[%dma_wait3A_161, %dma_wait3A_162] : memref<10000x128xf32, #tpu.memory_space<hbm>> -> memref<80x128xf32, #tpu.memory_space<hbm>>
      %dma_wait3A_164 = arith.constant 0 : i32
      %dma_wait3A_165 = arith.constant 0 : i32
      %dma_wait3A_166 = tpu.memref_slice %arg2[%dma_wait3A_164, %dma_wait3A_165] : memref<10000x128xf32, #tpu.memory_space<hbm>> -> memref<80x128xf32, #tpu.memory_space<hbm>>
      tpu.wait_dma2 semaphore(%arg18 : memref<!tpu.dma_semaphore, #tpu.memory_space<semaphore_mem>>) src(%dma_wait3A_166 : memref<80x128xf32, #tpu.memory_space<hbm>>) dst(%arg11 : memref<80x128xf32, #tpu.memory_space<vmem>>)
      %scan3A_167 = arith.constant 0 : i32
      scf.yield %scan3A_167 : i32
    }
    %scan3A_17 = arith.constant 5 : i32
    %barrier3A_18 = arith.constant 0 : index
    tpu.barrier barrier_id(%barrier3A_18)
    %mul3A_19 = arith.constant 624 : i32
    %mul3A_20 = arith.muli %arg1, %mul3A_19 : i32
    %mul3A_21 = arith.constant 624 : i32
    %mul3A_22 = arith.muli %arg1, %mul3A_21 : i32
    "tpu.region"() ({
      %run_scoped3A = tpu.sem_alloc : memref<!tpu.dma_semaphore, #tpu.memory_space<semaphore_mem>>
      %dma_start3A = arith.constant 0 : i32
      %dma_start3A_28 = tpu.memref_slice %arg6[%arg0, %mul3A_22, %dma_start3A] : memref<2x10000x128xf32, #tpu.memory_space<hbm>> -> memref<1x624x128xf32, #tpu.memory_space<hbm>>
      %dma_start3A_29 = tpu.memref_squeeze %dma_start3A_28 : memref<1x624x128xf32, #tpu.memory_space<hbm>> -> memref<624x128xf32, #tpu.memory_space<hbm>>
      %dma_start3A_30 = arith.constant 0 : i32
      %dma_start3A_31 = tpu.memref_slice %arg8[%mul3A_20, %dma_start3A_30] : memref<10000x128xf32, #tpu.memory_space<vmem_shared>> -> memref<624x128xf32, #tpu.memory_space<vmem_shared>>
      tpu.enqueue_dma source(%dma_start3A_31 : memref<624x128xf32, #tpu.memory_space<vmem_shared>>) target(%dma_start3A_29 : memref<624x128xf32, #tpu.memory_space<hbm>>) target_semaphore(%run_scoped3A : memref<!tpu.dma_semaphore, #tpu.memory_space<semaphore_mem>>)
      %dma_wait3A = arith.constant 0 : i32
      %dma_wait3A_32 = tpu.memref_slice %arg6[%arg0, %mul3A_22, %dma_wait3A] : memref<2x10000x128xf32, #tpu.memory_space<hbm>> -> memref<1x624x128xf32, #tpu.memory_space<hbm>>
      %dma_wait3A_33 = tpu.memref_squeeze %dma_wait3A_32 : memref<1x624x128xf32, #tpu.memory_space<hbm>> -> memref<624x128xf32, #tpu.memory_space<hbm>>
      %dma_wait3A_34 = arith.constant 0 : i32
      %dma_wait3A_35 = tpu.memref_slice %arg8[%mul3A_20, %dma_wait3A_34] : memref<10000x128xf32, #tpu.memory_space<vmem_shared>> -> memref<624x128xf32, #tpu.memory_space<vmem_shared>>
      tpu.wait_dma2 semaphore(%run_scoped3A : memref<!tpu.dma_semaphore, #tpu.memory_space<semaphore_mem>>) src(%dma_wait3A_35 : memref<624x128xf32, #tpu.memory_space<vmem_shared>>) dst(%dma_wait3A_33 : memref<624x128xf32, #tpu.memory_space<hbm>>)
      tpu.yield
    }) : () -> ()
    "tpu.region"() ({
      %run_scoped3A = tpu.sem_alloc : memref<!tpu.dma_semaphore, #tpu.memory_space<semaphore_mem>>
      %dma_start3A = arith.constant 0 : i32
      %dma_start3A_28 = tpu.memref_slice %arg7[%add3A, %dma_start3A] : memref<32x10000xf32, #tpu.memory_space<hbm>> -> memref<1x10000xf32, #tpu.memory_space<hbm>>
      %dma_start3A_29 = tpu.memref_squeeze %dma_start3A_28 : memref<1x10000xf32, #tpu.memory_space<hbm>> -> memref<10000xf32, #tpu.memory_space<hbm>>
      %dma_start3A_30 = arith.constant 0 : i32
      %dma_start3A_31 = tpu.memref_slice %arg7[%add3A, %dma_start3A_30] : memref<32x10000xf32, #tpu.memory_space<hbm>> -> memref<1x10000xf32, #tpu.memory_space<hbm>>
      %dma_start3A_32 = tpu.memref_squeeze %dma_start3A_31 : memref<1x10000xf32, #tpu.memory_space<hbm>> -> memref<10000xf32, #tpu.memory_space<hbm>>
      tpu.enqueue_dma source(%arg14 : memref<10000xf32, #tpu.memory_space<vmem>>) target(%dma_start3A_32 : memref<10000xf32, #tpu.memory_space<hbm>>) target_semaphore(%run_scoped3A : memref<!tpu.dma_semaphore, #tpu.memory_space<semaphore_mem>>)
      %dma_wait3A = arith.constant 0 : i32
      %dma_wait3A_33 = tpu.memref_slice %arg7[%add3A, %dma_wait3A] : memref<32x10000xf32, #tpu.memory_space<hbm>> -> memref<1x10000xf32, #tpu.memory_space<hbm>>
      %dma_wait3A_34 = tpu.memref_squeeze %dma_wait3A_33 : memref<1x10000xf32, #tpu.memory_space<hbm>> -> memref<10000xf32, #tpu.memory_space<hbm>>
      %dma_wait3A_35 = arith.constant 0 : i32
      %dma_wait3A_36 = tpu.memref_slice %arg7[%add3A, %dma_wait3A_35] : memref<32x10000xf32, #tpu.memory_space<hbm>> -> memref<1x10000xf32, #tpu.memory_space<hbm>>
      %dma_wait3A_37 = tpu.memref_squeeze %dma_wait3A_36 : memref<1x10000xf32, #tpu.memory_space<hbm>> -> memref<10000xf32, #tpu.memory_space<hbm>>
      tpu.wait_dma2 semaphore(%run_scoped3A : memref<!tpu.dma_semaphore, #tpu.memory_space<semaphore_mem>>) src(%arg14 : memref<10000xf32, #tpu.memory_space<vmem>>) dst(%dma_wait3A_37 : memref<10000xf32, #tpu.memory_space<hbm>>)
      tpu.yield
    }) : () -> ()
    %eq3A_23 = arith.constant 15 : i32
    %eq3A_24 = arith.cmpi eq, %arg1, %eq3A_23 : i32
    %convert_element_type3A_25 = arith.extui %eq3A_24 : i1 to i32
    %cond3A_26 = arith.constant 0 : i32
    %cond3A_27 = arith.cmpi ne, %convert_element_type3A_25, %cond3A_26 : i32
    scf.if %cond3A_27 {
      "tpu.region"() ({
        %run_scoped3A = tpu.sem_alloc : memref<!tpu.dma_semaphore, #tpu.memory_space<semaphore_mem>>
        %dma_start3A = arith.constant 9984 : i32
        %dma_start3A_28 = arith.constant 0 : i32
        %dma_start3A_29 = tpu.memref_slice %arg6[%arg0, %dma_start3A, %dma_start3A_28] : memref<2x10000x128xf32, #tpu.memory_space<hbm>> -> memref<1x16x128xf32, #tpu.memory_space<hbm>>
        %dma_start3A_30 = tpu.memref_squeeze %dma_start3A_29 : memref<1x16x128xf32, #tpu.memory_space<hbm>> -> memref<16x128xf32, #tpu.memory_space<hbm>>
        %dma_start3A_31 = arith.constant 9984 : i32
        %dma_start3A_32 = arith.constant 0 : i32
        %dma_start3A_33 = tpu.memref_slice %arg8[%dma_start3A_31, %dma_start3A_32] : memref<10000x128xf32, #tpu.memory_space<vmem_shared>> -> memref<16x128xf32, #tpu.memory_space<vmem_shared>>
        tpu.enqueue_dma source(%dma_start3A_33 : memref<16x128xf32, #tpu.memory_space<vmem_shared>>) target(%dma_start3A_30 : memref<16x128xf32, #tpu.memory_space<hbm>>) target_semaphore(%run_scoped3A : memref<!tpu.dma_semaphore, #tpu.memory_space<semaphore_mem>>)
        %dma_wait3A = arith.constant 9984 : i32
        %dma_wait3A_34 = arith.constant 0 : i32
        %dma_wait3A_35 = tpu.memref_slice %arg6[%arg0, %dma_wait3A, %dma_wait3A_34] : memref<2x10000x128xf32, #tpu.memory_space<hbm>> -> memref<1x16x128xf32, #tpu.memory_space<hbm>>
        %dma_wait3A_36 = tpu.memref_squeeze %dma_wait3A_35 : memref<1x16x128xf32, #tpu.memory_space<hbm>> -> memref<16x128xf32, #tpu.memory_space<hbm>>
        %dma_wait3A_37 = arith.constant 9984 : i32
        %dma_wait3A_38 = arith.constant 0 : i32
        %dma_wait3A_39 = tpu.memref_slice %arg8[%dma_wait3A_37, %dma_wait3A_38] : memref<10000x128xf32, #tpu.memory_space<vmem_shared>> -> memref<16x128xf32, #tpu.memory_space<vmem_shared>>
        tpu.wait_dma2 semaphore(%run_scoped3A : memref<!tpu.dma_semaphore, #tpu.memory_space<semaphore_mem>>) src(%dma_wait3A_39 : memref<16x128xf32, #tpu.memory_space<vmem_shared>>) dst(%dma_wait3A_36 : memref<16x128xf32, #tpu.memory_space<hbm>>)
        tpu.yield
      }) : () -> ()
    } else {
    }
    return
  }
}

module attributes {stable_mosaic.version = 14 : i64} {
  func.func @_tc_sub_body(%arg0: i32, %arg1: memref<400x128xf32, #tpu.memory_space<vmem>>, %arg2: memref<400x128xf32, #tpu.memory_space<vmem>>, %arg3: memref<400x128xf32, #tpu.memory_space<vmem>>) attributes {dimension_semantics = [#tpu.dimension_semantics<arbitrary>], iteration_bounds = array<i64: 25>, scalar_prefetch = 0 : i64, scratch_operands = 0 : i64, tpu.core_type = #tpu.core_type<tc>, window_params = [{transform_indices = @transform_0, window_bounds = array<i64: 400, 128>}, {transform_indices = @transform_1, window_bounds = array<i64: 400, 128>}, {transform_indices = @transform_2, window_bounds = array<i64: 400, 128>}]} {
    %get3A = arith.constant 0 : index
    %get3A_0 = arith.constant 0 : index
    %get3A_1 = vector.load %arg1[%get3A, %get3A_0] : memref<400x128xf32, #tpu.memory_space<vmem>>, vector<400x128xf32>
    %get3A_2 = arith.constant 0 : index
    %get3A_3 = arith.constant 0 : index
    %get3A_4 = vector.load %arg2[%get3A_2, %get3A_3] : memref<400x128xf32, #tpu.memory_space<vmem>>, vector<400x128xf32>
    %sub3A = arith.subf %get3A_1, %get3A_4 : vector<400x128xf32>
    %swap3A = arith.constant 0 : index
    %swap3A_5 = arith.constant 0 : index
    %swap3A_6 = vector.load %arg3[%swap3A, %swap3A_5] : memref<400x128xf32, #tpu.memory_space<vmem>>, vector<400x128xf32>
    tpu.vector_store %arg3[%swap3A, %swap3A_5], %sub3A {strides = array<i32>} : memref<400x128xf32, #tpu.memory_space<vmem>>, vector<400x128xf32>,
    return
  }
  func.func @transform_0(%arg0: i32) -> (i32, i32) {
    %c0_i32 = arith.constant 0 : i32
    %c0_i32_0 = arith.constant 0 : i32
    return %arg0, %c0_i32 : i32, i32
  }
  func.func @transform_1(%arg0: i32) -> (i32, i32) {
    %c0_i32 = arith.constant 0 : i32
    %c0_i32_0 = arith.constant 0 : i32
    return %arg0, %c0_i32 : i32, i32
  }
  func.func @transform_2(%arg0: i32) -> (i32, i32) {
    %c0_i32 = arith.constant 0 : i32
    %c0_i32_0 = arith.constant 0 : i32
    return %arg0, %c0_i32 : i32, i32
  }
}

module attributes {stable_mosaic.version = 14 : i64} {
  func.func @_tc_layer0_body(%arg0: i32, %arg1: memref<400x128xf32, #tpu.memory_space<vmem>>, %arg2: memref<400x128xf32, #tpu.memory_space<vmem>>, %arg3: memref<2x400x128xf32, #tpu.memory_space<vmem>>, %arg4: memref<400x32xf32, #tpu.memory_space<vmem>>, %arg5: memref<128x128xf32, #tpu.memory_space<vmem>>, %arg6: memref<128x128xf32, #tpu.memory_space<vmem>>, %arg7: memref<128xf32, #tpu.memory_space<vmem>>, %arg8: memref<400x128xf32, #tpu.memory_space<vmem>>, %arg9: memref<400x128xf32, #tpu.memory_space<vmem>>, %arg10: memref<400x128xf32, #tpu.memory_space<vmem>>) attributes {dimension_semantics = [#tpu.dimension_semantics<arbitrary>], iteration_bounds = array<i64: 25>, scalar_prefetch = 0 : i64, scratch_operands = 0 : i64, tpu.core_type = #tpu.core_type<tc>, window_params = [{transform_indices = @transform_0, window_bounds = array<i64: 400, 128>}, {transform_indices = @transform_1, window_bounds = array<i64: 400, 128>}, {transform_indices = @transform_2, window_bounds = array<i64: 2, 400, 128>}, {transform_indices = @transform_3, window_bounds = array<i64: 400, 32>}, {pipeline_mode = #tpu.pipeline_mode<synchronous>, transform_indices = @transform_4, window_bounds = array<i64: 128, 128>}, {pipeline_mode = #tpu.pipeline_mode<synchronous>, transform_indices = @transform_5, window_bounds = array<i64: 128, 128>}, {pipeline_mode = #tpu.pipeline_mode<synchronous>, transform_indices = @transform_6, window_bounds = array<i64: 128>}, {transform_indices = @transform_7, window_bounds = array<i64: 400, 128>}, {transform_indices = @transform_8, window_bounds = array<i64: 400, 128>}, {transform_indices = @transform_9, window_bounds = array<i64: 400, 128>}]} {
    %get3A = arith.constant 0 : index
    %get3A_0 = arith.constant 0 : index
    %get3A_1 = arith.constant 0 : index
    %get3A_2 = vector.load %arg3[%get3A, %get3A_0, %get3A_1] : memref<2x400x128xf32, #tpu.memory_space<vmem>>, vector<2x400x128xf32>
    %get3A_3 = arith.constant 0 : index
    %get3A_4 = arith.constant 0 : index
    %get3A_5 = vector.load %arg4[%get3A_3, %get3A_4] : memref<400x32xf32, #tpu.memory_space<vmem>>, vector<400x32xf32>
    %reduce_sum3A = arith.constant dense<0.000000e+00> : vector<400xf32>
    %reduce_sum3A_6 = vector.multi_reduction <add>, %get3A_5, %reduce_sum3A [1] : vector<400x32xf32> to vector<400xf32>
    %max3A = arith.constant 1.000000e+00 : f32
    %max3A_7 = vector.broadcast %max3A : f32 to vector<400xf32>
    %max3A_8 = arith.maximumf %reduce_sum3A_6, %max3A_7 : vector<400xf32>
    %get3A_9 = arith.constant 0 : index
    %get3A_10 = arith.constant 0 : index
    %get3A_11 = vector.load %arg2[%get3A_9, %get3A_10] : memref<400x128xf32, #tpu.memory_space<vmem>>, vector<400x128xf32>
    %slice3A = vector.extract_strided_slice %get3A_2 {offsets = [0, 0, 0], sizes = [1, 400, 128], strides = [1, 1, 1]} : vector<2x400x128xf32> to vector<1x400x128xf32>
    %squeeze3A = vector.shape_cast %slice3A : vector<1x400x128xf32> to vector<400x128xf32>
    %slice3A_12 = vector.extract_strided_slice %get3A_2 {offsets = [1, 0, 0], sizes = [1, 400, 128], strides = [1, 1, 1]} : vector<2x400x128xf32> to vector<1x400x128xf32>
    %squeeze3A_13 = vector.shape_cast %slice3A_12 : vector<1x400x128xf32> to vector<400x128xf32>
    %add3A = arith.addf %squeeze3A, %squeeze3A_13 : vector<400x128xf32>
    %div3A = arith.constant 1.000000e+00 : f32
    %div3A_14 = vector.broadcast %div3A : f32 to vector<400xf32>
    %div3A_15 = arith.divf %div3A_14, %max3A_8 : vector<400xf32>
    %broadcast_in_dim3A = vector.shape_cast %div3A_15 : vector<400xf32> to vector<400x1xf32>
    %mul3A = vector.broadcast %broadcast_in_dim3A : vector<400x1xf32> to vector<400x128xf32>
    %mul3A_16 = arith.mulf %add3A, %mul3A : vector<400x128xf32>
    %add3A_17 = arith.addf %get3A_11, %mul3A_16 : vector<400x128xf32>
    %get3A_18 = arith.constant 0 : index
    %get3A_19 = arith.constant 0 : index
    %get3A_20 = vector.load %arg1[%get3A_18, %get3A_19] : memref<400x128xf32, #tpu.memory_space<vmem>>, vector<400x128xf32>
    %get3A_21 = arith.constant 0 : index
    %get3A_22 = arith.constant 0 : index
    %get3A_23 = vector.load %arg5[%get3A_21, %get3A_22] : memref<128x128xf32, #tpu.memory_space<vmem>>, vector<128x128xf32>
    %dot_general3A = arith.constant dense<0.000000e+00> : vector<400x128xf32>
    %dot_general3A_24 = tpu.matmul %get3A_20, %get3A_23, %dot_general3A {dimension_numbers = #tpu.dot_dimension_numbers<[1], [0], [0], [1], [0, 0, 1, 1], [], []>, transpose_lhs_hint = false} : vector<400x128xf32>, vector<128x128xf32>, vector<400x128xf32> -> vector<400x128xf32>
    %get3A_25 = arith.constant 0 : index
    %get3A_26 = arith.constant 0 : index
    %get3A_27 = vector.load %arg6[%get3A_25, %get3A_26] : memref<128x128xf32, #tpu.memory_space<vmem>>, vector<128x128xf32>
    %dot_general3A_28 = arith.constant dense<0.000000e+00> : vector<400x128xf32>
    %dot_general3A_29 = tpu.matmul %add3A_17, %get3A_27, %dot_general3A_28 {dimension_numbers = #tpu.dot_dimension_numbers<[1], [0], [0], [1], [0, 0, 1, 1], [], []>, transpose_lhs_hint = false} : vector<400x128xf32>, vector<128x128xf32>, vector<400x128xf32> -> vector<400x128xf32>
    %add3A_30 = arith.addf %dot_general3A_24, %dot_general3A_29 : vector<400x128xf32>
    %get3A_31 = arith.constant 0 : index
    %get3A_32 = vector.load %arg7[%get3A_31] : memref<128xf32, #tpu.memory_space<vmem>>, vector<128xf32>
    %broadcast_in_dim3A_33 = vector.shape_cast %get3A_32 : vector<128xf32> to vector<1x128xf32>
    %add3A_34 = vector.broadcast %broadcast_in_dim3A_33 : vector<1x128xf32> to vector<400x128xf32>
    %add3A_35 = arith.addf %add3A_30, %add3A_34 : vector<400x128xf32>
    %max3A_36 = arith.constant 0.000000e+00 : f32
    %max3A_37 = vector.broadcast %max3A_36 : f32 to vector<400x128xf32>
    %max3A_38 = arith.maximumf %add3A_35, %max3A_37 : vector<400x128xf32>
    %swap3A = arith.constant 0 : index
    %swap3A_39 = arith.constant 0 : index
    %swap3A_40 = vector.load %arg9[%swap3A, %swap3A_39] : memref<400x128xf32, #tpu.memory_space<vmem>>, vector<400x128xf32>
    tpu.vector_store %arg9[%swap3A, %swap3A_39], %max3A_38 {strides = array<i32>} : memref<400x128xf32, #tpu.memory_space<vmem>>, vector<400x128xf32>,
    %get3A_41 = arith.constant 0 : index
    %get3A_42 = arith.constant 0 : index
    %get3A_43 = vector.load %arg8[%get3A_41, %get3A_42] : memref<400x128xf32, #tpu.memory_space<vmem>>, vector<400x128xf32>
    %sub3A = arith.subf %max3A_38, %get3A_43 : vector<400x128xf32>
    %swap3A_44 = arith.constant 0 : index
    %swap3A_45 = arith.constant 0 : index
    %swap3A_46 = vector.load %arg10[%swap3A_44, %swap3A_45] : memref<400x128xf32, #tpu.memory_space<vmem>>, vector<400x128xf32>
    tpu.vector_store %arg10[%swap3A_44, %swap3A_45], %sub3A {strides = array<i32>} : memref<400x128xf32, #tpu.memory_space<vmem>>, vector<400x128xf32>,
    return
  }
  func.func @transform_0(%arg0: i32) -> (i32, i32) {
    %c0_i32 = arith.constant 0 : i32
    %c0_i32_0 = arith.constant 0 : i32
    return %arg0, %c0_i32 : i32, i32
  }
  func.func @transform_1(%arg0: i32) -> (i32, i32) {
    %c0_i32 = arith.constant 0 : i32
    %c0_i32_0 = arith.constant 0 : i32
    return %arg0, %c0_i32 : i32, i32
  }
  func.func @transform_2(%arg0: i32) -> (i32, i32, i32) {
    %c0_i32 = arith.constant 0 : i32
    %c0_i32_0 = arith.constant 0 : i32
    %c0_i32_1 = arith.constant 0 : i32
    return %c0_i32, %arg0, %c0_i32_0 : i32, i32, i32
  }
  func.func @transform_3(%arg0: i32) -> (i32, i32) {
    %c0_i32 = arith.constant 0 : i32
    %c0_i32_0 = arith.constant 0 : i32
    return %arg0, %c0_i32 : i32, i32
  }
  func.func @transform_4(%arg0: i32) -> (i32, i32) {
    %c0_i32 = arith.constant 0 : i32
    %c0_i32_0 = arith.constant 0 : i32
    %c0_i32_1 = arith.constant 0 : i32
    return %c0_i32, %c0_i32_0 : i32, i32
  }
  func.func @transform_5(%arg0: i32) -> (i32, i32) {
    %c0_i32 = arith.constant 0 : i32
    %c0_i32_0 = arith.constant 0 : i32
    %c0_i32_1 = arith.constant 0 : i32
    return %c0_i32, %c0_i32_0 : i32, i32
  }
  func.func @transform_6(%arg0: i32) -> i32 {
    %c0_i32 = arith.constant 0 : i32
    %c0_i32_0 = arith.constant 0 : i32
    return %c0_i32 : i32
  }
  func.func @transform_7(%arg0: i32) -> (i32, i32) {
    %c0_i32 = arith.constant 0 : i32
    %c0_i32_0 = arith.constant 0 : i32
    return %arg0, %c0_i32 : i32, i32
  }
  func.func @transform_8(%arg0: i32) -> (i32, i32) {
    %c0_i32 = arith.constant 0 : i32
    %c0_i32_0 = arith.constant 0 : i32
    return %arg0, %c0_i32 : i32, i32
  }
  func.func @transform_9(%arg0: i32) -> (i32, i32) {
    %c0_i32 = arith.constant 0 : i32
    %c0_i32_0 = arith.constant 0 : i32
    return %arg0, %c0_i32 : i32, i32
  }
}

module attributes {stable_mosaic.version = 14 : i64} {
  func.func @_tc_layer1_body(%arg0: i32, %arg1: memref<400x128xf32, #tpu.memory_space<vmem>>, %arg2: memref<400x128xf32, #tpu.memory_space<vmem>>, %arg3: memref<2x400x128xf32, #tpu.memory_space<vmem>>, %arg4: memref<400x32xf32, #tpu.memory_space<vmem>>, %arg5: memref<128x64xf32, #tpu.memory_space<vmem>>, %arg6: memref<128x64xf32, #tpu.memory_space<vmem>>, %arg7: memref<64xf32, #tpu.memory_space<vmem>>, %arg8: memref<400x64xf32, #tpu.memory_space<vmem>>) attributes {dimension_semantics = [#tpu.dimension_semantics<arbitrary>], iteration_bounds = array<i64: 25>, scalar_prefetch = 0 : i64, scratch_operands = 0 : i64, tpu.core_type = #tpu.core_type<tc>, window_params = [{transform_indices = @transform_0, window_bounds = array<i64: 400, 128>}, {transform_indices = @transform_1, window_bounds = array<i64: 400, 128>}, {transform_indices = @transform_2, window_bounds = array<i64: 2, 400, 128>}, {transform_indices = @transform_3, window_bounds = array<i64: 400, 32>}, {pipeline_mode = #tpu.pipeline_mode<synchronous>, transform_indices = @transform_4, window_bounds = array<i64: 128, 64>}, {pipeline_mode = #tpu.pipeline_mode<synchronous>, transform_indices = @transform_5, window_bounds = array<i64: 128, 64>}, {pipeline_mode = #tpu.pipeline_mode<synchronous>, transform_indices = @transform_6, window_bounds = array<i64: 64>}, {transform_indices = @transform_7, window_bounds = array<i64: 400, 64>}]} {
    %get3A = arith.constant 0 : index
    %get3A_0 = arith.constant 0 : index
    %get3A_1 = arith.constant 0 : index
    %get3A_2 = vector.load %arg3[%get3A, %get3A_0, %get3A_1] : memref<2x400x128xf32, #tpu.memory_space<vmem>>, vector<2x400x128xf32>
    %get3A_3 = arith.constant 0 : index
    %get3A_4 = arith.constant 0 : index
    %get3A_5 = vector.load %arg4[%get3A_3, %get3A_4] : memref<400x32xf32, #tpu.memory_space<vmem>>, vector<400x32xf32>
    %reduce_sum3A = arith.constant dense<0.000000e+00> : vector<400xf32>
    %reduce_sum3A_6 = vector.multi_reduction <add>, %get3A_5, %reduce_sum3A [1] : vector<400x32xf32> to vector<400xf32>
    %max3A = arith.constant 1.000000e+00 : f32
    %max3A_7 = vector.broadcast %max3A : f32 to vector<400xf32>
    %max3A_8 = arith.maximumf %reduce_sum3A_6, %max3A_7 : vector<400xf32>
    %get3A_9 = arith.constant 0 : index
    %get3A_10 = arith.constant 0 : index
    %get3A_11 = vector.load %arg2[%get3A_9, %get3A_10] : memref<400x128xf32, #tpu.memory_space<vmem>>, vector<400x128xf32>
    %slice3A = vector.extract_strided_slice %get3A_2 {offsets = [0, 0, 0], sizes = [1, 400, 128], strides = [1, 1, 1]} : vector<2x400x128xf32> to vector<1x400x128xf32>
    %squeeze3A = vector.shape_cast %slice3A : vector<1x400x128xf32> to vector<400x128xf32>
    %slice3A_12 = vector.extract_strided_slice %get3A_2 {offsets = [1, 0, 0], sizes = [1, 400, 128], strides = [1, 1, 1]} : vector<2x400x128xf32> to vector<1x400x128xf32>
    %squeeze3A_13 = vector.shape_cast %slice3A_12 : vector<1x400x128xf32> to vector<400x128xf32>
    %add3A = arith.addf %squeeze3A, %squeeze3A_13 : vector<400x128xf32>
    %div3A = arith.constant 1.000000e+00 : f32
    %div3A_14 = vector.broadcast %div3A : f32 to vector<400xf32>
    %div3A_15 = arith.divf %div3A_14, %max3A_8 : vector<400xf32>
    %broadcast_in_dim3A = vector.shape_cast %div3A_15 : vector<400xf32> to vector<400x1xf32>
    %mul3A = vector.broadcast %broadcast_in_dim3A : vector<400x1xf32> to vector<400x128xf32>
    %mul3A_16 = arith.mulf %add3A, %mul3A : vector<400x128xf32>
    %add3A_17 = arith.addf %get3A_11, %mul3A_16 : vector<400x128xf32>
    %get3A_18 = arith.constant 0 : index
    %get3A_19 = arith.constant 0 : index
    %get3A_20 = vector.load %arg1[%get3A_18, %get3A_19] : memref<400x128xf32, #tpu.memory_space<vmem>>, vector<400x128xf32>
    %get3A_21 = arith.constant 0 : index
    %get3A_22 = arith.constant 0 : index
    %get3A_23 = vector.load %arg5[%get3A_21, %get3A_22] : memref<128x64xf32, #tpu.memory_space<vmem>>, vector<128x64xf32>
    %dot_general3A = arith.constant dense<0.000000e+00> : vector<400x64xf32>
    %dot_general3A_24 = tpu.matmul %get3A_20, %get3A_23, %dot_general3A {dimension_numbers = #tpu.dot_dimension_numbers<[1], [0], [0], [1], [0, 0, 1, 1], [], []>, transpose_lhs_hint = false} : vector<400x128xf32>, vector<128x64xf32>, vector<400x64xf32> -> vector<400x64xf32>
    %get3A_25 = arith.constant 0 : index
    %get3A_26 = arith.constant 0 : index
    %get3A_27 = vector.load %arg6[%get3A_25, %get3A_26] : memref<128x64xf32, #tpu.memory_space<vmem>>, vector<128x64xf32>
    %dot_general3A_28 = arith.constant dense<0.000000e+00> : vector<400x64xf32>
    %dot_general3A_29 = tpu.matmul %add3A_17, %get3A_27, %dot_general3A_28 {dimension_numbers = #tpu.dot_dimension_numbers<[1], [0], [0], [1], [0, 0, 1, 1], [], []>, transpose_lhs_hint = false} : vector<400x128xf32>, vector<128x64xf32>, vector<400x64xf32> -> vector<400x64xf32>
    %add3A_30 = arith.addf %dot_general3A_24, %dot_general3A_29 : vector<400x64xf32>
    %get3A_31 = arith.constant 0 : index
    %get3A_32 = vector.load %arg7[%get3A_31] : memref<64xf32, #tpu.memory_space<vmem>>, vector<64xf32>
    %broadcast_in_dim3A_33 = vector.shape_cast %get3A_32 : vector<64xf32> to vector<1x64xf32>
    %add3A_34 = vector.broadcast %broadcast_in_dim3A_33 : vector<1x64xf32> to vector<400x64xf32>
    %add3A_35 = arith.addf %add3A_30, %add3A_34 : vector<400x64xf32>
    %swap3A = arith.constant 0 : index
    %swap3A_36 = arith.constant 0 : index
    %swap3A_37 = vector.load %arg8[%swap3A, %swap3A_36] : memref<400x64xf32, #tpu.memory_space<vmem>>, vector<400x64xf32>
    tpu.vector_store %arg8[%swap3A, %swap3A_36], %add3A_35 {strides = array<i32>} : memref<400x64xf32, #tpu.memory_space<vmem>>, vector<400x64xf32>,
    return
  }
  func.func @transform_0(%arg0: i32) -> (i32, i32) {
    %c0_i32 = arith.constant 0 : i32
    %c0_i32_0 = arith.constant 0 : i32
    return %arg0, %c0_i32 : i32, i32
  }
  func.func @transform_1(%arg0: i32) -> (i32, i32) {
    %c0_i32 = arith.constant 0 : i32
    %c0_i32_0 = arith.constant 0 : i32
    return %arg0, %c0_i32 : i32, i32
  }
  func.func @transform_2(%arg0: i32) -> (i32, i32, i32) {
    %c0_i32 = arith.constant 0 : i32
    %c0_i32_0 = arith.constant 0 : i32
    %c0_i32_1 = arith.constant 0 : i32
    return %c0_i32, %arg0, %c0_i32_0 : i32, i32, i32
  }
  func.func @transform_3(%arg0: i32) -> (i32, i32) {
    %c0_i32 = arith.constant 0 : i32
    %c0_i32_0 = arith.constant 0 : i32
    return %arg0, %c0_i32 : i32, i32
  }
  func.func @transform_4(%arg0: i32) -> (i32, i32) {
    %c0_i32 = arith.constant 0 : i32
    %c0_i32_0 = arith.constant 0 : i32
    %c0_i32_1 = arith.constant 0 : i32
    return %c0_i32, %c0_i32_0 : i32, i32
  }
  func.func @transform_5(%arg0: i32) -> (i32, i32) {
    %c0_i32 = arith.constant 0 : i32
    %c0_i32_0 = arith.constant 0 : i32
    %c0_i32_1 = arith.constant 0 : i32
    return %c0_i32, %c0_i32_0 : i32, i32
  }
  func.func @transform_6(%arg0: i32) -> i32 {
    %c0_i32 = arith.constant 0 : i32
    %c0_i32_0 = arith.constant 0 : i32
    return %c0_i32 : i32
  }
  func.func @transform_7(%arg0: i32) -> (i32, i32) {
    %c0_i32 = arith.constant 0 : i32
    %c0_i32_0 = arith.constant 0 : i32
    return %arg0, %c0_i32 : i32, i32
  }
}

</mosaic_0001>

<sc_bundles>
// kernel: kernel.10.cloned.1.call-start
scs
__scs_entry_jumppad:
0x0: {  	(pc) =	sbr.rel $0x88, $3  }
0x1: {  	(tag) =	ssettag $0x0;
	lr =	simm.s32 $0x1  }
0x2: {  	[smem:$0x3F97] =	sst lr;
	_ =	strace $0xD0000000  }
0x3: {  	_ = 	snop  }
0x4: {  	_ = 	snop  }
0x5: {  	_ = 	snop  }
0x6: {  	_ = 	snop  }
0x7: {  	_ = 	snop  }
__scs_overlays_trampoline_lowered:
0x8: {  	[smem:$0x3FA6] =	sst s0  }
0x9: {  	[smem:$0x3FA7] =	sst s1  }
0xa: {  	[smem:$0x3FA8] =	sst s2  }
0xb: {  	[smem:$0x3FA9] =	sst s3  }
0xc: {  	[smem:$0x3FAA] =	sst s4  }
0xd: {  	[smem:$0x3FAB] =	sst s5  }
0xe: {  	[smem:$0x3FAC] =	sst s6  }
0xf: {  	[smem:$0x3FAD] =	sst s7  }
0x10: {  	[smem:$0x3FAE] =	sst s8  }
0x11: {  	[smem:$0x3FAF] =	sst s9;
	s0 =	simm.s32 @!p0 $0x0  }
0x12: {  	s1 =	sld [smem:$0x3F95];
	s0 =	simm.s32 @p0 $0x1  }
0x13: {  	[smem:$0x3FB0] =	sst s0;
	s0 =	simm.s32 @!p1 $0x0  }
0x14: {  	s2 =	sld [smem:$0x3F94];
	s0 =	simm.s32 @p1 $0x1  }
0x15: {  	[smem:$0x3FB1] =	sst s0;
	s0 =	simm.s32 @!p2 $0x0  }
0x16: {  	s3 =	sld [smem:$0x3FDB];
	s0 =	simm.s32 @p2 $0x1  }
0x17: {  	s4 =	simm.s32 $0x1BF5;
	[smem:$0x3FB3] =	sst s0  }
0x18: {  	s0 =	sld [smem:$0x3F96];
	_ =	swait.ge [sflag:s4], $0x0  }
0x19: {  	s7 =	sld [smem:$0x3F97]  }
0x1a: {  	s8 =	sadd.s32 $0xFFFFE003, lr  }
0x1b: {  	s9 =	sadd.s32 $0xFFFFFEF7, lr;
	s5 =	simm.s32 $0xFFFFFFFF;
	p2 =	slt.u32 s8, $0xFFFFF086  }
0x1c: {  	p1 =	slt.u32 s9, $0xF7A;
	s5 =	simm.s32 @!p2 $0x0  }
0x1d: {  	s5 =	simm.s32 @p1 $0x1;
	p0 =	seq.s32 s7, s2  }
0x1e: {  	s7 =	smul.u32 @!p0 $0xF7A, s2;
	p2 =	seq.s32 @!p0 s5, $0x0  }
0x1f: {  	s9 =	smul.u32 $0xF7A, s1;
	s8 =	simm.s32 @!p0 $0x1BF5;
	p2 =	por !p2, p0  }
0x20: {  	[sflag:s8] =	ssyncset.s32 @!p0 $0xFFFFF086;
	s6 =	sadd.s32 @!p0 s3, s7;
	s7 =	simm.s32 @!p0 $0x108  }
0x21: {  	s3 =	sadd.s32 s3, s9;
	s6 =	sadd.s32 @!p0 $0x88, s6;
	s7 =	simm.s32 @p2 $0x1082  }
0x22: {  	[simem:s7], [sflag:s8] =	dma.local @!p0 [hbm:s6], $0xF7A  }
0x23: {  	s9 =	sor.u32 $0xD0000000, s2;
	s6 =	simm.s32 $0x108;
	_ =	swait.ge @!p0 [sflag:s8], $0x0  }
0x24: {  	s3 =	sadd.s32 $0x88, s3;
	s6 =	simm.s32 @!p1 $0x1082;
	[sflag:s4] =	ssyncset.s32 $0xFFFFF086  }
0x25: {  	[simem:s6], [sflag:s4] =	dma.local [hbm:s3], $0xF7A  }
0x26: {  	[smem:$0x3F97] =	sst s1;
	(tag) =	ssettag s2;
	_ =	strace s9  }
0x27: {  	s1 =	sld [smem:$0x3FA7]  }
0x28: {  	s2 =	sld [smem:$0x3FA8]  }
0x29: {  	s4 =	sld [smem:$0x3FAA]  }
0x2a: {  	p0 =	seq.s32 s5, $0x0;
	s5 =	sld [smem:$0x3FAB]  }
0x2b: {  	s6 =	sld [smem:$0x3FAC]  }
0x2c: {  	s7 =	sld [smem:$0x3FAD]  }
0x2d: {  	s3 =	simm.s32 $0x108;
	s8 =	sld [smem:$0x3FAE]  }
0x2e: {  	s3 =	simm.s32 @!p0 $0x1082;
	s9 =	sld [smem:$0x3FAF]  }
0x2f: {  	lr =	sadd.s32 s0, s3;
	s0 =	sld [smem:$0x3FA6]  }
0x30: {  	s3 =	sld [smem:$0x3FA9]  }
0x31: {  	[smem:$0x3FB2] =	sst s10  }
0x32: {  	s10 =	sld [smem:$0x3FB0];
	_ =	sdelay $0x3  }
0x33: {  	p0 =	seq.s32 s10, $0x1;
	s10 =	sld [smem:$0x3FB2];
	_ =	sdelay $0x3  }
0x34: {  	[smem:$0x3FB2] =	sst s10  }
0x35: {  	s10 =	sld [smem:$0x3FB1];
	_ =	sdelay $0x3  }
0x36: {  	p1 =	seq.s32 s10, $0x1;
	s10 =	sld [smem:$0x3FB2];
	_ =	sdelay $0x3  }
0x37: {  	[smem:$0x3FB2] =	sst s10  }
0x38: {  	s10 =	sld [smem:$0x3FB3]  }
0x39: {  	_ = 	snop;
	(pc) =	sbr.ind lr, $3  }
0x3a: {  	_ = 	snop  }
0x3b: {  	_ = 	snop  }
0x3c: {  	p2 =	seq.s32 s10, $0x1;
	s10 =	sld [smem:$0x3FB2]  }
0x3d: {  	_ =	shalt  }
0x3e: {  	_ =	shalt  }
0x3f: {  	_ =	shalt  }
0x40: {  	_ =	shalt  }
0x41: {  	_ =	shalt  }
0x42: {  	_ =	shalt  }
0x43: {  	_ =	shalt  }
0x44: {  	_ =	shalt  }
0x45: {  	_ =	shalt  }
0x46: {  	_ =	shalt  }
0x47: {  	_ =	shalt  }
0x48: {  	_ =	shalt  }
0x49: {  	_ =	shalt  }
0x4a: {  	_ =	shalt  }
0x4b: {  	_ =	shalt  }
0x4c: {  	_ =	shalt  }
0x4d: {  	_ =	shalt  }
0x4e: {  	_ =	shalt  }
0x4f: {  	_ =	shalt  }
0x50: {  	_ =	shalt  }
0x51: {  	_ =	shalt  }
0x52: {  	_ =	shalt  }
0x53: {  	_ =	shalt  }
0x54: {  	_ =	shalt  }
0x55: {  	_ =	shalt  }
0x56: {  	_ =	shalt  }
0x57: {  	_ =	shalt  }
0x58: {  	_ =	shalt  }
0x59: {  	_ =	shalt  }
0x5a: {  	_ =	shalt  }
0x5b: {  	_ =	shalt  }
0x5c: {  	_ =	shalt  }
0x5d: {  	_ =	shalt  }
0x5e: {  	_ =	shalt  }
0x5f: {  	_ =	shalt  }
0x60: {  	_ =	shalt  }
0x61: {  	_ =	shalt  }
0x62: {  	_ =	shalt  }
0x63: {  	_ =	shalt  }
0x64: {  	_ =	shalt  }
0x65: {  	_ =	shalt  }
0x66: {  	_ =	shalt  }
0x67: {  	_ =	shalt  }
0x68: {  	_ =	shalt  }
0x69: {  	_ =	shalt  }
0x6a: {  	_ =	shalt  }
0x6b: {  	_ =	shalt  }
0x6c: {  	_ =	shalt  }
0x6d: {  	_ =	shalt  }
0x6e: {  	_ =	shalt  }
0x6f: {  	_ =	shalt  }
0x70: {  	_ =	shalt  }
0x71: {  	_ =	shalt  }
0x72: {  	_ =	shalt  }
0x73: {  	_ =	shalt  }
0x74: {  	_ =	shalt  }
0x75: {  	_ =	shalt  }
0x76: {  	_ =	shalt  }
0x77: {  	_ =	shalt  }
0x78: {  	_ =	shalt  }
0x79: {  	_ =	shalt  }
0x7a: {  	_ =	shalt  }
0x7b: {  	_ =	shalt  }
0x7c: {  	_ =	shalt  }
0x7d: {  	_ =	shalt  }
0x7e: {  	_ =	shalt  }
0x7f: {  	_ =	shalt  }
0x80: {  	_ =	shalt  }
0x81: {  	_ =	shalt  }
0x82: {  	_ =	shalt  }
0x83: {  	_ =	shalt  }
0x84: {  	_ =	shalt  }
0x85: {  	_ =	shalt  }
0x86: {  	_ =	shalt  }
0x87: {  	_ =	shalt  }
.Lfunc_end0:
.L_simem_size_0:
called_computation.1_lowered:
.L_overlay_start_0:
0x88: {  	s2 =	sld [smem:$0x3FD9]  }
0x89: {  	s3 =	sld [smem:$0x3FFE];
	_ =	sdelay $0x1  }
0x8a: {  	s1 =	srdreg.scid  }
0x8b: {  	s0 =	sand.u32 $0x1, s1  }
0x8c: {  	s16 =	sshll.u32 s0, $0xA;
	s2 =	sadd.s32 s3, s2  }
0x8d: {  	s2 =	sadd.s32 s2, s16  }
0x8e: {  	[smem:$0x3FBE] =	sst s2  }
0x8f: {  	_ = 	snop  }
0x90: {  	(tm) =	ssettm $0x1  }
0x91: {  	s17 =	sld [smem:$0x3FFB];
	_ =	sdelay $0x3  }
0x92: {  	_ =	strace s17  }
0x93: {  	s2 =	sld [smem:$0x3FFC];
	_ =	sdelay $0x3  }
0x94: {  	_ =	strace s2  }
0x95: {  	s2 =	sld [smem:$0x3FFD];
	_ =	sdelay $0x3  }
0x96: {  	_ =	strace s2  }
0x97: {  	_ =	strace $0x8FFFFFFF  }
0x98: {  	s18 =	sld [smem:$0x3FDB];
	_ =	sdelay $0x1  }
0x99: {  	s19 =	simm.s32 $_scs_section_size  }
0x9a: {  	s4 =	simm.s32 $_size__tile_overlayer_lowered;
	s5 =	simm.s32 $_tile_overlayer_lowered  }
0x9b: {  	s22 =	simm.s32 $0x1BFF;
	s21 =	sshll.u32 s5, $0x1;
	s2 =	sadd.s32 s19, s18  }
0x9c: {  	s6 =	simm.s32 $0x0;
	s20 =	sshll.u32 s4, $0x1;
	s4 =	sadd.s32 s21, s2  }
0x9d: {  	[timem:s6], [sflag:s22] =	dma.local [hbm:s4], s20  }
0x9e: {  	_ =	swait.ge [sflag:s22], s20  }
0x9f: {  	s3 =	ssub.s32 $0x0, s20;
	[sflag:s22] =	ssyncset.done $0x0  }
0xa0: {  	[sflag:s22] =	ssyncadd.s32 s3;
	_ =	sdelay $0x1  }
0xa1: {  	s23 =	simm.s32 $0x1B8B  }
0xa2: {  	_ =	swait.ge [sflag:s23], $0x1  }
0xa3: {  	[sflag:s23] =	ssyncset.done $0x0  }
0xa4: {  	s25 =	simm.s32 $0x1B8E;
	s24 =	sld [smem:$0x3FFE];
	[sflag:s23] =	ssyncadd.s32 $0xFFFFFFFF  }
0xa5: {  	s26 =	simm.s32 $execute0_lowered;
	[smem:$0x3FD2] =	sst s25  }
0xa6: {  	s4 =	sshll.u32 s26, $0x1;
	_ =	strace $0x80000049;
	[dreg:$0x1] =	wrdreg $0xFFFFFFFF  }
0xa7: {  	s28 =	simm.s32 $_size_execute0_lowered;
	s2 =	sadd.s32 s2, s4;
	[dreg:$0x0] =	wrdreg $0x0  }
0xa8: {  	s4 =	sshll.u32 s28, $0x1;
	[dreg:$0x2] =	wrdreg s2  }
0xa9: {  	[dreg:$0x3] =	wrdreg s4  }
0xaa: {  	[dreg:$0x4] =	wrdreg $0xC0  }
0xab: {  	_ =	task [dreg:s6], $0x5FFFF  }
0xac: {  	[dreg:$0x1] =	wrdreg $0xFFFFFFFF  }
0xad: {  	[dreg:$0x0] =	wrdreg $0x60  }
0xae: {  	[dreg:$0x2] =	wrdreg s24  }
0xaf: {  	[dreg:$0x3] =	wrdreg $0x0  }
0xb0: {  	[dreg:$0x4] =	wrdreg $0x9  }
0xb1: {  	_ =	task.clear_ibuf [dreg:s6], $0x5FFFF;
	_ =	strace $0x90000049  }
0xb2: {  	s29 =	simm.s32 $0x9;
	_ =	strace $0x8000004B  }
0xb3: {  	_ =	swait.ge [sflag:s29], $0x1  }
0xb4: {  	[sflag:s29] =	ssyncadd.s32 $0xFFFFFFFF  }
0xb5: {  	_ =	strace $0x9000004B  }
0xb6: {  	_ =	sfence  }
0xb7: {  	s30 =	sld [smem:$0x0];
	_ =	sdelay $0x2  }
0xb8: {  	s31 =	sshll.u32 s1, $0xD;
	s1 =	sshrl.u32 s1, $0x2  }
0xb9: {  	s3 =	sand.u32 $0x4000, s31;
	s1 =	sadd.s32 s1, s30  }
0xba: {  	s0 =	sor.u32 s3, s0;
	s1 =	sshll.u32 s1, $0x11  }
0xbb: {  	s0 =	sor.u32 s1, s0  }
0xbc: {  	s0 =	sadd.s32 $0x8F2B, s0  }
0xbd: {  	[sflag:s0] =	ssyncadd.remote.s32 $0x1  }
0xbe: {  	_ =	sfence.sel $0xFFFF  }
0xbf: {  	[dreg:$0x0] =	wrdreg $0xFFFFFFFF;
	(pc) =	sbr.abs _section_cstart, $3  }
0xc0: {  	[dreg:$0x1] =	wrdreg $0xFFFFFFFF  }
0xc1: {  	_ =	task.clear_ibuf [dreg:s6], $0x2FFFF;
	_ =	strace $0x9FFFFFFF  }
0xc2: {  	(tm) =	ssettm $0x7FFFFFFF  }
0xc3: {  	_ =	shalt  }
tec
execute0_lowered:
.L_overlay_start_1:
0x0: {  	(tag) =	ssettag $0x1  }
0x1: {  	s0 =	srdreg.scid;
	s12 =	stileid.u32  }
0x2: {  	s0 =	sand.u32 $0x1, s0;
	s3 =	smul.u32 $0x5000, s12  }
0x3: {  	s1 =	smul.u32 $0x50000, s0  }
0x4: {  	s5 =	rddreg [dreg:$0x0]  }
0x5: {  	s2 =	rddreg [dreg:$0x1];
	s1 =	sadd.s32 s3, s1;
	s3 =	simm.s32 $0x0  }
0x6: {  	s20 =	simm.s32 $0x13900;
	[smem:$0x7FF] =	sst s3  }
0x7: {  	s21 =	simm.s32 $0x14900;
	_ =	strace $0x8000004A;
	[dreg:$0x5] =	wrdreg s20  }
0x8: {  	s22 =	simm.s32 $0x13980;
	[dreg:$0x6] =	wrdreg s21  }
0x9: {  	s23 =	simm.s32 $0x14980;
	s24 =	simm.s32 $0x13A00;
	[dreg:$0x7] =	wrdreg s22  }
0xa: {  	s25 =	simm.s32 $0x14A00;
	s6 =	smul.u32 $0x13800, s12;
	[dreg:$0x8] =	wrdreg s23  }
0xb: {  	s26 =	simm.s32 $0x13A80;
	s9 =	ssub.s32 $0x2, s0;
	[dreg:$0x9] =	wrdreg s24  }
0xc: {  	s7 =	sshrl.u32 s6, $0x3;
	s10 =	sshrl.u32 s9, $0x1;
	[dreg:$0xa] =	wrdreg s25  }
0xd: {  	s9 =	ssub.s32 s9, s10;
	s10 =	simm.s32 $0x14A80;
	[dreg:$0xb] =	wrdreg s26  }
0xe: {  	s13 =	simm.s32 $0x13B00;
	s7 =	sadd.s32 s7, s5;
	[dreg:$0xc] =	wrdreg s10  }
0xf: {  	s7 =	sadd.s32 $0x52A00, s7;
	[dreg:$0xd] =	wrdreg s13  }
0x10: {  	s14 =	simm.s32 $0x14B00;
	[smem:$0x7EB] =	sst s7  }
0x11: {  	s15 =	simm.s32 $0x13B80;
	s17 =	simm.s32 $0x14B80;
	[dreg:$0xe] =	wrdreg s14  }
0x12: {  	s18 =	simm.s32 $0x13C00;
	s19 =	simm.s32 $0x14C00;
	[dreg:$0xf] =	wrdreg s15  }
0x13: {  	s28 =	simm.s32 $0x14280;
	s29 =	simm.s32 $0x15280;
	[dreg:$0x10] =	wrdreg s17  }
0x14: {  	s11 =	smul.u32 $0x4E000, s12;
	s16 =	sshll.u32 s12, $0x6;
	[dreg:$0x11] =	wrdreg s18  }
0x15: {  	p0 =	sne.s32 s12, $0xF;
	s12 =	simm.s32 $0x14E80;
	[dreg:$0x12] =	wrdreg s19  }
0x16: {  	s30 =	simm.s32 $0x14300;
	s20 =	simm.s32 $0x13C80;
	[dreg:$0x1c] =	wrdreg s12  }
0x17: {  	s31 =	simm.s32 $0x15300;
	s21 =	simm.s32 $0x14C80;
	[dreg:$0x13] =	wrdreg s20  }
0x18: {  	s8 =	sadd.s32 $0xA0E00, s5;
	s23 =	simm.s32 $0x13D00;
	[dreg:$0x14] =	wrdreg s21  }
0x19: {  	s0 =	smul.u32 $0x138800, s0;
	s24 =	simm.s32 $0x14D00;
	[dreg:$0x15] =	wrdreg s23  }
0x1a: {  	s11 =	sshrl.u32 s11, $0x2;
	s25 =	simm.s32 $0x13D80;
	[dreg:$0x16] =	wrdreg s24  }
0x1b: {  	s1 =	sshrl.u32 s1, $0x3;
	s26 =	simm.s32 $0x14D80;
	[dreg:$0x17] =	wrdreg s25  }
0x1c: {  	s22 =	sadd.s32 s6, s0;
	s6 =	simm.s32 $0x14E00;
	[dreg:$0x18] =	wrdreg s26  }
0x1d: {  	s1 =	sadd.s32 s1, s5;
	s14 =	simm.s32 $0x13F00;
	[dreg:$0x1a] =	wrdreg s6  }
0x1e: {  	s10 =	sadd.s32 s11, s2;
	s15 =	simm.s32 $0x14F00;
	[dreg:$0x1d] =	wrdreg s14  }
0x1f: {  	s11 =	sor.u32 $0x1C07, s16;
	s16 =	simm.s32 $0x13F80;
	[dreg:$0x1e] =	wrdreg s15  }
0x20: {  	s7 =	sadd.s32 $0x138000, s2;
	s17 =	simm.s32 $0x14F80;
	[dreg:$0x1f] =	wrdreg s16  }
0x21: {  	s0 =	sshrl.u32 s0, $0x3;
	s18 =	simm.s32 $0x14000;
	[smem:$0x7F0] =	sst s17  }
0x22: {  	s12 =	simm.s32 $0x7;
	s19 =	simm.s32 $0x15000;
	[smem:$0x7F1] =	sst s18  }
0x23: {  	s4 =	sadd.s32 $0x17800, s1;
	s1 =	sadd.s32 $0x3800, s1;
	[smem:$0x7F2] =	sst s19  }
0x24: {  	s0 =	sadd.s32 s8, s0;
	s13 =	sshrl.u32 s10, $0x3;
	[smem:$0x7FB] =	sst s11  }
0x25: {  	s10 =	sshrl.u32 @!p0 s7, $0x3;
	s14 =	simm.s32 $0x13880;
	[dreg:$0x3] =	wrdreg s4  }
0x26: {  	s15 =	simm.s32 $0x14880;
	s20 =	simm.s32 $0x14080;
	[dreg:$0x4] =	wrdreg s1  }
0x27: {  	s16 =	simm.s32 $0x50;
	s21 =	simm.s32 $0x15080;
	[smem:$0x7F3] =	sst s20  }
0x28: {  	s17 =	simm.s32 $0x15880;
	s23 =	simm.s32 $0x15100;
	[smem:$0x7F4] =	sst s21  }
0x29: {  	s18 =	simm.s32 $0x1;
	s24 =	simm.s32 $0x14180;
	[smem:$0x7F6] =	sst s23  }
0x2a: {  	s19 =	simm.s32 $0x18080;
	s25 =	simm.s32 $0x15180;
	[smem:$0x7F7] =	sst s24  }
0x2b: {  	s26 =	simm.s32 $0x14200;
	s7 =	simm.s32 $0x15400;
	[smem:$0x7F8] =	sst s25  }
0x2c: {  	s6 =	simm.s32 $0x0;
	s4 =	sadd.s32 $0x79C00, s5;
	[smem:$0x7F9] =	sst s26  }
0x2d: {  	s5 =	sadd.s32 $0x79A00, s5;
	s0 =	sadd.s32 $0x27000, s0;
	[smem:$0x7FA] =	sst s6  }
0x2e: {  	s20 =	simm.s32 $0x2;
	s21 =	simm.s32 $0x1A880;
	[smem:$0x7FC] =	sst s13  }
0x2f: {  	s23 =	simm.s32 $0x4;
	s24 =	simm.s32 $0x5;
	[smem:$0x7FD] =	sst s10  }
0x30: {  	s25 =	simm.s32 $0x6;
	s26 =	simm.s32 $0x15200;
	[smem:$0x7EC] =	sst s5  }
0x31: {  	s5 =	sshrl.u32 s22, $0x3;
	[smem:$0x7EE] =	sst s0;
	s22 =	simm.s32 $0x14100  }
0x32: {  	s1 =	simm.s32 $0x14380;
	s5 =	sadd.s32 s8, s5;
	[smem:$0x7F5] =	sst s22  }
0x33: {  	s0 =	simm.s32 $0x15380;
	s8 =	smax.u32 s9, $0x1;
	[smem:$0x7ED] =	sst s5  }
0x34: {  	s9 =	simm.s32 $0x13E80;
	s22 =	simm.s32 $0x3;
	[smem:$0x7EF] =	sst s8  }
0x35: {  	s5 =	simm.s32 $0x13E00;
	[dreg:$0x1b] =	wrdreg s9;
	s8 =	simm.s32 $0x14480  }
0x36: {  	s9 =	simm.s32 $0x15480;
	[dreg:$0x19] =	wrdreg s5;
	s5 =	simm.s32 $0x14400  }
.LBB2_1:
0x37: {  	s6 =	sld [smem:$0x7EB];
	_ =	sdelay $0x2  }
0x38: {  	[spmem:s13], [sflag:s11] =	dma.local [hbm:s6], $0x2700  }
0x39: {  	_ =	swait.ge [sflag:s12], $0x2700  }
0x3a: {  	s6 =	sld [smem:$0x7EC]  }
0x3b: {  	[sflag:s12] =	ssyncset.done $0x0  }
0x3c: {  	[sflag:s12] =	ssyncadd.s32 $0xFFFFD900  }
0x3d: {  	[spmem:s10], [sflag:s11] =	dma.local @!p0 [hbm:s6], $0x100  }
0x3e: {  	s6 =	simm.s32 @!p0 $0x7  }
0x3f: {  	_ =	swait.ge @!p0 [sflag:s6], $0x100  }
0x40: {  	[sflag:s6] =	ssyncset.done @!p0 $0x0  }
0x41: {  	[sflag:s6] =	ssyncadd.s32 @!p0 $0xFFFFFF00  }
0x42: {  	[bflag:$0x0] =	sbarrier.arrive $0xFFFF  }
0x43: {  	s13 =	rddreg [dreg:$0x4]  }
0x44: {  	s6 =	sadd.s32 $0x0, s13  }
0x45: {  	[tilespmem:s14], [sflag:$0x7] =	stream.linear.gather [hbm4b:s6+s3], $0xC80, $0x38;
	[tilespmem:$0x1D080] =	vst v63  }
0x46: {  	_ =	swait.ge [sflag:s12], $0xC80  }
0x47: {  	s10 =	rddreg [dreg:$0x3];
	[sflag:s12] =	ssyncset.done $0x0  }
0x48: {  	[sflag:s12] =	ssyncadd.s32 $0xFFFFF380;
	s6 =	sadd.s32 $0x0, s10  }
0x49: {  	[tilespmem:s15], [sflag:$0x7] =	stream.linear.gather [hbm4b:s6+s3], $0xC80, $0x38;
	[tilespmem:$0x1D080] =	vst v63  }
0x4a: {  	_ =	swait.ge [sflag:s12], $0xC80  }
0x4b: {  	[sflag:s12] =	ssyncset.done $0x0  }
0x4c: {  	[sflag:s12] =	ssyncadd.s32 $0xFFFFF380  }
0x4d: {  	[tilespmem:s17], [sflag:$0x1] =	stream.indirect.gather [hbm4b:s4+s16], $0x80, s14, s16, $0xb8;
	[tilespmem:$0x1D080] =	vst v63  }
0x4e: {  	_ =	swait.ge [sflag:s18], $0x2800  }
0x4f: {  	[sflag:s18] =	ssyncset.done $0x0  }
0x50: {  	[sflag:s18] =	ssyncadd.s32 $0xFFFFD800  }
0x51: {  	[spmem:s2] =	stream.indirect.scatter.add.f32 [tilespmem:s17], [sflag:$0x4], $0x80, s15, s16, $0xb8;
	[tilespmem:$0x1D080] =	vst v63  }
0x52: {  	s11 =	rddreg [dreg:$0x5]  }
0x53: {  	[tilespmem:s19], [sflag:$0x2] =	stream.indirect.gather [hbm4b:s4+s16], $0x80, s11, s16, $0xb8;
	[tilespmem:$0x1D080] =	vst v63  }
0x54: {  	_ =	swait.ge [sflag:s20], $0x2800  }
0x55: {  	[sflag:s20] =	ssyncset.done $0x0  }
0x56: {  	s13 =	rddreg [dreg:$0x6];
	[sflag:s20] =	ssyncadd.s32 $0xFFFFD800  }
0x57: {  	[spmem:s2] =	stream.indirect.scatter.add.f32 [tilespmem:s19], [sflag:$0x5], $0x80, s13, s16, $0xb8;
	[tilespmem:$0x1D080] =	vst v63  }
0x58: {  	s10 =	rddreg [dreg:$0x7]  }
0x59: {  	[tilespmem:s21], [sflag:$0x3] =	stream.indirect.gather [hbm4b:s4+s16], $0x80, s10, s16, $0xb8;
	[tilespmem:$0x1D080] =	vst v63  }
0x5a: {  	_ =	swait.ge [sflag:s22], $0x2800  }
0x5b: {  	[sflag:s22] =	ssyncset.done $0x0  }
0x5c: {  	s13 =	rddreg [dreg:$0x8];
	[sflag:s22] =	ssyncadd.s32 $0xFFFFD800  }
0x5d: {  	[spmem:s2] =	stream.indirect.scatter.add.f32 [tilespmem:s21], [sflag:$0x6], $0x80, s13, s16, $0xb8;
	[tilespmem:$0x1D080] =	vst v63  }
0x5e: {  	_ =	swait.ge [sflag:s23], $0x2800  }
0x5f: {  	[sflag:s23] =	ssyncset.done $0x0  }
0x60: {  	s10 =	rddreg [dreg:$0x9];
	[sflag:s23] =	ssyncadd.s32 $0xFFFFD800  }
0x61: {  	[tilespmem:s17], [sflag:$0x1] =	stream.indirect.gather [hbm4b:s4+s16], $0x80, s10, s16, $0xb8;
	[tilespmem:$0x1D080] =	vst v63  }
0x62: {  	_ =	swait.ge [sflag:s18], $0x2800  }
0x63: {  	[sflag:s18] =	ssyncset.done $0x0  }
0x64: {  	s11 =	rddreg [dreg:$0xa];
	[sflag:s18] =	ssyncadd.s32 $0xFFFFD800  }
0x65: {  	[spmem:s2] =	stream.indirect.scatter.add.f32 [tilespmem:s17], [sflag:$0x4], $0x80, s11, s16, $0xb8;
	[tilespmem:$0x1D080] =	vst v63  }
0x66: {  	_ =	swait.ge [sflag:s24], $0x2800  }
0x67: {  	[sflag:s24] =	ssyncset.done $0x0  }
0x68: {  	s13 =	rddreg [dreg:$0xb];
	[sflag:s24] =	ssyncadd.s32 $0xFFFFD800  }
0x69: {  	[tilespmem:s19], [sflag:$0x2] =	stream.indirect.gather [hbm4b:s4+s16], $0x80, s13, s16, $0xb8;
	[tilespmem:$0x1D080] =	vst v63  }
0x6a: {  	_ =	swait.ge [sflag:s20], $0x2800  }
0x6b: {  	[sflag:s20] =	ssyncset.done $0x0  }
0x6c: {  	s10 =	rddreg [dreg:$0xc];
	[sflag:s20] =	ssyncadd.s32 $0xFFFFD800  }
0x6d: {  	[spmem:s2] =	stream.indirect.scatter.add.f32 [tilespmem:s19], [sflag:$0x5], $0x80, s10, s16, $0xb8;
	[tilespmem:$0x1D080] =	vst v63  }
0x6e: {  	_ =	swait.ge [sflag:s25], $0x2800  }
0x6f: {  	[sflag:s25] =	ssyncset.done $0x0  }
0x70: {  	s11 =	rddreg [dreg:$0xd];
	[sflag:s25] =	ssyncadd.s32 $0xFFFFD800  }
0x71: {  	[tilespmem:s21], [sflag:$0x3] =	stream.indirect.gather [hbm4b:s4+s16], $0x80, s11, s16, $0xb8;
	[tilespmem:$0x1D080] =	vst v63  }
0x72: {  	_ =	swait.ge [sflag:s22], $0x2800  }
0x73: {  	[sflag:s22] =	ssyncset.done $0x0  }
0x74: {  	s13 =	rddreg [dreg:$0xe];
	[sflag:s22] =	ssyncadd.s32 $0xFFFFD800  }
0x75: {  	[spmem:s2] =	stream.indirect.scatter.add.f32 [tilespmem:s21], [sflag:$0x6], $0x80, s13, s16, $0xb8;
	[tilespmem:$0x1D080] =	vst v63  }
0x76: {  	_ =	swait.ge [sflag:s23], $0x2800  }
0x77: {  	[sflag:s23] =	ssyncset.done $0x0  }
0x78: {  	s10 =	rddreg [dreg:$0xf];
	[sflag:s23] =	ssyncadd.s32 $0xFFFFD800  }
0x79: {  	[tilespmem:s17], [sflag:$0x1] =	stream.indirect.gather [hbm4b:s4+s16], $0x80, s10, s16, $0xb8;
	[tilespmem:$0x1D080] =	vst v63  }
0x7a: {  	_ =	swait.ge [sflag:s18], $0x2800  }
0x7b: {  	[sflag:s18] =	ssyncset.done $0x0  }
0x7c: {  	s11 =	rddreg [dreg:$0x10];
	[sflag:s18] =	ssyncadd.s32 $0xFFFFD800  }
0x7d: {  	[spmem:s2] =	stream.indirect.scatter.add.f32 [tilespmem:s17], [sflag:$0x4], $0x80, s11, s16, $0xb8;
	[tilespmem:$0x1D080] =	vst v63  }
0x7e: {  	_ =	swait.ge [sflag:s24], $0x2800  }
0x7f: {  	[sflag:s24] =	ssyncset.done $0x0  }
0x80: {  	s13 =	rddreg [dreg:$0x11];
	[sflag:s24] =	ssyncadd.s32 $0xFFFFD800  }
0x81: {  	[tilespmem:s19], [sflag:$0x2] =	stream.indirect.gather [hbm4b:s4+s16], $0x80, s13, s16, $0xb8;
	[tilespmem:$0x1D080] =	vst v63  }
0x82: {  	_ =	swait.ge [sflag:s20], $0x2800  }
0x83: {  	[sflag:s20] =	ssyncset.done $0x0  }
0x84: {  	s10 =	rddreg [dreg:$0x12];
	[sflag:s20] =	ssyncadd.s32 $0xFFFFD800  }
0x85: {  	[spmem:s2] =	stream.indirect.scatter.add.f32 [tilespmem:s19], [sflag:$0x5], $0x80, s10, s16, $0xb8;
	[tilespmem:$0x1D080] =	vst v63  }
0x86: {  	_ =	swait.ge [sflag:s25], $0x2800  }
0x87: {  	[sflag:s25] =	ssyncset.done $0x0  }
0x88: {  	s11 =	rddreg [dreg:$0x13];
	[sflag:s25] =	ssyncadd.s32 $0xFFFFD800  }
0x89: {  	[tilespmem:s21], [sflag:$0x3] =	stream.indirect.gather [hbm4b:s4+s16], $0x80, s11, s16, $0xb8;
	[tilespmem:$0x1D080] =	vst v63  }
0x8a: {  	_ =	swait.ge [sflag:s22], $0x2800  }
0x8b: {  	[sflag:s22] =	ssyncset.done $0x0  }
0x8c: {  	s13 =	rddreg [dreg:$0x14];
	[sflag:s22] =	ssyncadd.s32 $0xFFFFD800  }
0x8d: {  	[spmem:s2] =	stream.indirect.scatter.add.f32 [tilespmem:s21], [sflag:$0x6], $0x80, s13, s16, $0xb8;
	[tilespmem:$0x1D080] =	vst v63  }
0x8e: {  	_ =	swait.ge [sflag:s23], $0x2800  }
0x8f: {  	[sflag:s23] =	ssyncset.done $0x0  }
0x90: {  	s10 =	rddreg [dreg:$0x15];
	[sflag:s23] =	ssyncadd.s32 $0xFFFFD800  }
0x91: {  	[tilespmem:s17], [sflag:$0x1] =	stream.indirect.gather [hbm4b:s4+s16], $0x80, s10, s16, $0xb8;
	[tilespmem:$0x1D080] =	vst v63  }
0x92: {  	_ =	swait.ge [sflag:s18], $0x2800  }
0x93: {  	[sflag:s18] =	ssyncset.done $0x0  }
0x94: {  	s11 =	rddreg [dreg:$0x16];
	[sflag:s18] =	ssyncadd.s32 $0xFFFFD800  }
0x95: {  	[spmem:s2] =	stream.indirect.scatter.add.f32 [tilespmem:s17], [sflag:$0x4], $0x80, s11, s16, $0xb8;
	[tilespmem:$0x1D080] =	vst v63  }
0x96: {  	_ =	swait.ge [sflag:s24], $0x2800  }
0x97: {  	[sflag:s24] =	ssyncset.done $0x0  }
0x98: {  	s13 =	rddreg [dreg:$0x17];
	[sflag:s24] =	ssyncadd.s32 $0xFFFFD800  }
0x99: {  	[tilespmem:s19], [sflag:$0x2] =	stream.indirect.gather [hbm4b:s4+s16], $0x80, s13, s16, $0xb8;
	[tilespmem:$0x1D080] =	vst v63  }
0x9a: {  	_ =	swait.ge [sflag:s20], $0x2800  }
0x9b: {  	[sflag:s20] =	ssyncset.done $0x0  }
0x9c: {  	s10 =	rddreg [dreg:$0x18];
	[sflag:s20] =	ssyncadd.s32 $0xFFFFD800  }
0x9d: {  	[spmem:s2] =	stream.indirect.scatter.add.f32 [tilespmem:s19], [sflag:$0x5], $0x80, s10, s16, $0xb8;
	[tilespmem:$0x1D080] =	vst v63  }
0x9e: {  	_ =	swait.ge [sflag:s25], $0x2800  }
0x9f: {  	[sflag:s25] =	ssyncset.done $0x0  }
0xa0: {  	s11 =	rddreg [dreg:$0x19];
	[sflag:s25] =	ssyncadd.s32 $0xFFFFD800  }
0xa1: {  	[tilespmem:s21], [sflag:$0x3] =	stream.indirect.gather [hbm4b:s4+s16], $0x80, s11, s16, $0xb8;
	[tilespmem:$0x1D080] =	vst v63  }
0xa2: {  	_ =	swait.ge [sflag:s22], $0x2800  }
0xa3: {  	[sflag:s22] =	ssyncset.done $0x0  }
0xa4: {  	s13 =	rddreg [dreg:$0x1a];
	[sflag:s22] =	ssyncadd.s32 $0xFFFFD800  }
0xa5: {  	[spmem:s2] =	stream.indirect.scatter.add.f32 [tilespmem:s21], [sflag:$0x6], $0x80, s13, s16, $0xb8;
	[tilespmem:$0x1D080] =	vst v63  }
0xa6: {  	_ =	swait.ge [sflag:s23], $0x2800  }
0xa7: {  	[sflag:s23] =	ssyncset.done $0x0  }
0xa8: {  	s10 =	rddreg [dreg:$0x1b];
	[sflag:s23] =	ssyncadd.s32 $0xFFFFD800  }
0xa9: {  	[tilespmem:s17], [sflag:$0x1] =	stream.indirect.gather [hbm4b:s4+s16], $0x80, s10, s16, $0xb8;
	[tilespmem:$0x1D080] =	vst v63  }
0xaa: {  	_ =	swait.ge [sflag:s18], $0x2800  }
0xab: {  	[sflag:s18] =	ssyncset.done $0x0  }
0xac: {  	s11 =	rddreg [dreg:$0x1c];
	[sflag:s18] =	ssyncadd.s32 $0xFFFFD800  }
0xad: {  	[spmem:s2] =	stream.indirect.scatter.add.f32 [tilespmem:s17], [sflag:$0x4], $0x80, s11, s16, $0xb8;
	[tilespmem:$0x1D080] =	vst v63  }
0xae: {  	_ =	swait.ge [sflag:s24], $0x2800  }
0xaf: {  	[sflag:s24] =	ssyncset.done $0x0  }
0xb0: {  	s13 =	rddreg [dreg:$0x1d];
	[sflag:s24] =	ssyncadd.s32 $0xFFFFD800  }
0xb1: {  	[tilespmem:s19], [sflag:$0x2] =	stream.indirect.gather [hbm4b:s4+s16], $0x80, s13, s16, $0xb8;
	[tilespmem:$0x1D080] =	vst v63  }
0xb2: {  	_ =	swait.ge [sflag:s20], $0x2800  }
0xb3: {  	[sflag:s20] =	ssyncset.done $0x0  }
0xb4: {  	s10 =	rddreg [dreg:$0x1e];
	[sflag:s20] =	ssyncadd.s32 $0xFFFFD800  }
0xb5: {  	[spmem:s2] =	stream.indirect.scatter.add.f32 [tilespmem:s19], [sflag:$0x5], $0x80, s10, s16, $0xb8;
	[tilespmem:$0x1D080] =	vst v63  }
0xb6: {  	_ =	swait.ge [sflag:s25], $0x2800  }
0xb7: {  	[sflag:s25] =	ssyncset.done $0x0  }
0xb8: {  	s11 =	rddreg [dreg:$0x1f];
	[sflag:s25] =	ssyncadd.s32 $0xFFFFD800  }
0xb9: {  	[tilespmem:s21], [sflag:$0x3] =	stream.indirect.gather [hbm4b:s4+s16], $0x80, s11, s16, $0xb8;
	[tilespmem:$0x1D080] =	vst v63  }
0xba: {  	_ =	swait.ge [sflag:s22], $0x2800  }
0xbb: {  	s13 =	sld [smem:$0x7F0]  }
0xbc: {  	[sflag:s22] =	ssyncset.done $0x0  }
0xbd: {  	[sflag:s22] =	ssyncadd.s32 $0xFFFFD800  }
0xbe: {  	[spmem:s2] =	stream.indirect.scatter.add.f32 [tilespmem:s21], [sflag:$0x6], $0x80, s13, s16, $0xb8;
	[tilespmem:$0x1D080] =	vst v63  }
0xbf: {  	_ =	swait.ge [sflag:s23], $0x2800  }
0xc0: {  	s10 =	sld [smem:$0x7F1]  }
0xc1: {  	[sflag:s23] =	ssyncset.done $0x0  }
0xc2: {  	[sflag:s23] =	ssyncadd.s32 $0xFFFFD800  }
0xc3: {  	[tilespmem:s17], [sflag:$0x1] =	stream.indirect.gather [hbm4b:s4+s16], $0x80, s10, s16, $0xb8;
	[tilespmem:$0x1D080] =	vst v63  }
0xc4: {  	_ =	swait.ge [sflag:s18], $0x2800  }
0xc5: {  	s11 =	sld [smem:$0x7F2]  }
0xc6: {  	[sflag:s18] =	ssyncset.done $0x0  }
0xc7: {  	[sflag:s18] =	ssyncadd.s32 $0xFFFFD800  }
0xc8: {  	[spmem:s2] =	stream.indirect.scatter.add.f32 [tilespmem:s17], [sflag:$0x4], $0x80, s11, s16, $0xb8;
	[tilespmem:$0x1D080] =	vst v63  }
0xc9: {  	_ =	swait.ge [sflag:s24], $0x2800  }
0xca: {  	s13 =	sld [smem:$0x7F3]  }
0xcb: {  	[sflag:s24] =	ssyncset.done $0x0  }
0xcc: {  	[sflag:s24] =	ssyncadd.s32 $0xFFFFD800  }
0xcd: {  	[tilespmem:s19], [sflag:$0x2] =	stream.indirect.gather [hbm4b:s4+s16], $0x80, s13, s16, $0xb8;
	[tilespmem:$0x1D080] =	vst v63  }
0xce: {  	_ =	swait.ge [sflag:s20], $0x2800  }
0xcf: {  	s10 =	sld [smem:$0x7F4]  }
0xd0: {  	[sflag:s20] =	ssyncset.done $0x0  }
0xd1: {  	[sflag:s20] =	ssyncadd.s32 $0xFFFFD800  }
0xd2: {  	[spmem:s2] =	stream.indirect.scatter.add.f32 [tilespmem:s19], [sflag:$0x5], $0x80, s10, s16, $0xb8;
	[tilespmem:$0x1D080] =	vst v63  }
0xd3: {  	_ =	swait.ge [sflag:s25], $0x2800  }
0xd4: {  	s11 =	sld [smem:$0x7F5]  }
0xd5: {  	[sflag:s25] =	ssyncset.done $0x0  }
0xd6: {  	[sflag:s25] =	ssyncadd.s32 $0xFFFFD800  }
0xd7: {  	[tilespmem:s21], [sflag:$0x3] =	stream.indirect.gather [hbm4b:s4+s16], $0x80, s11, s16, $0xb8;
	[tilespmem:$0x1D080] =	vst v63  }
0xd8: {  	_ =	swait.ge [sflag:s22], $0x2800  }
0xd9: {  	s13 =	sld [smem:$0x7F6]  }
0xda: {  	[sflag:s22] =	ssyncset.done $0x0  }
0xdb: {  	[sflag:s22] =	ssyncadd.s32 $0xFFFFD800  }
0xdc: {  	[spmem:s2] =	stream.indirect.scatter.add.f32 [tilespmem:s21], [sflag:$0x6], $0x80, s13, s16, $0xb8;
	[tilespmem:$0x1D080] =	vst v63  }
0xdd: {  	_ =	swait.ge [sflag:s23], $0x2800  }
0xde: {  	s10 =	sld [smem:$0x7F7]  }
0xdf: {  	[sflag:s23] =	ssyncset.done $0x0  }
0xe0: {  	[sflag:s23] =	ssyncadd.s32 $0xFFFFD800  }
0xe1: {  	[tilespmem:s17], [sflag:$0x1] =	stream.indirect.gather [hbm4b:s4+s16], $0x80, s10, s16, $0xb8;
	[tilespmem:$0x1D080] =	vst v63  }
0xe2: {  	_ =	swait.ge [sflag:s18], $0x2800  }
0xe3: {  	s11 =	sld [smem:$0x7F8]  }
0xe4: {  	[sflag:s18] =	ssyncset.done $0x0  }
0xe5: {  	[sflag:s18] =	ssyncadd.s32 $0xFFFFD800  }
0xe6: {  	[spmem:s2] =	stream.indirect.scatter.add.f32 [tilespmem:s17], [sflag:$0x4], $0x80, s11, s16, $0xb8;
	[tilespmem:$0x1D080] =	vst v63  }
0xe7: {  	_ =	swait.ge [sflag:s24], $0x2800  }
0xe8: {  	s13 =	sld [smem:$0x7F9]  }
0xe9: {  	[sflag:s24] =	ssyncset.done $0x0  }
0xea: {  	[sflag:s24] =	ssyncadd.s32 $0xFFFFD800  }
0xeb: {  	[tilespmem:s19], [sflag:$0x2] =	stream.indirect.gather [hbm4b:s4+s16], $0x80, s13, s16, $0xb8;
	[tilespmem:$0x1D080] =	vst v63  }
0xec: {  	_ =	swait.ge [sflag:s20], $0x2800  }
0xed: {  	[sflag:s20] =	ssyncset.done $0x0  }
0xee: {  	[sflag:s20] =	ssyncadd.s32 $0xFFFFD800  }
0xef: {  	[spmem:s2] =	stream.indirect.scatter.add.f32 [tilespmem:s19], [sflag:$0x5], $0x80, s26, s16, $0xb8;
	[tilespmem:$0x1D080] =	vst v63  }
0xf0: {  	_ =	swait.ge [sflag:s25], $0x2800  }
0xf1: {  	[sflag:s25] =	ssyncset.done $0x0  }
0xf2: {  	[sflag:s25] =	ssyncadd.s32 $0xFFFFD800  }
0xf3: {  	[tilespmem:s21], [sflag:$0x3] =	stream.indirect.gather [hbm4b:s4+s16], $0x80, s28, s16, $0xb8;
	[tilespmem:$0x1D080] =	vst v63  }
0xf4: {  	_ =	swait.ge [sflag:s22], $0x2800  }
0xf5: {  	[sflag:s22] =	ssyncset.done $0x0  }
0xf6: {  	[sflag:s22] =	ssyncadd.s32 $0xFFFFD800  }
0xf7: {  	[spmem:s2] =	stream.indirect.scatter.add.f32 [tilespmem:s21], [sflag:$0x6], $0x80, s29, s16, $0xb8;
	[tilespmem:$0x1D080] =	vst v63  }
0xf8: {  	_ =	swait.ge [sflag:s23], $0x2800  }
0xf9: {  	[sflag:s23] =	ssyncset.done $0x0  }
0xfa: {  	[sflag:s23] =	ssyncadd.s32 $0xFFFFD800  }
0xfb: {  	[tilespmem:s17], [sflag:$0x1] =	stream.indirect.gather [hbm4b:s4+s16], $0x80, s30, s16, $0xb8;
	[tilespmem:$0x1D080] =	vst v63  }
0xfc: {  	_ =	swait.ge [sflag:s18], $0x2800  }
0xfd: {  	[sflag:s18] =	ssyncset.done $0x0  }
0xfe: {  	[sflag:s18] =	ssyncadd.s32 $0xFFFFD800  }
0xff: {  	[spmem:s2] =	stream.indirect.scatter.add.f32 [tilespmem:s17], [sflag:$0x4], $0x80, s31, s16, $0xb8;
	[tilespmem:$0x1D080] =	vst v63  }
0x100: {  	_ =	swait.ge [sflag:s24], $0x2800  }
0x101: {  	[sflag:s24] =	ssyncset.done $0x0  }
0x102: {  	[sflag:s24] =	ssyncadd.s32 $0xFFFFD800  }
0x103: {  	[tilespmem:s19], [sflag:$0x2] =	stream.indirect.gather [hbm4b:s4+s16], $0x80, s1, s16, $0xb8;
	[tilespmem:$0x1D080] =	vst v63  }
0x104: {  	_ =	swait.ge [sflag:s20], $0x2800  }
0x105: {  	[sflag:s20] =	ssyncset.done $0x0  }
0x106: {  	[sflag:s20] =	ssyncadd.s32 $0xFFFFD800  }
0x107: {  	[spmem:s2] =	stream.indirect.scatter.add.f32 [tilespmem:s19], [sflag:$0x5], $0x80, s0, s16, $0xb8;
	[tilespmem:$0x1D080] =	vst v63  }
0x108: {  	_ =	swait.ge [sflag:s25], $0x2800  }
0x109: {  	[sflag:s25] =	ssyncset.done $0x0  }
0x10a: {  	[sflag:s25] =	ssyncadd.s32 $0xFFFFD800  }
0x10b: {  	[tilespmem:s21], [sflag:$0x3] =	stream.indirect.gather [hbm4b:s4+s16], $0x80, s5, s16, $0xb8;
	[tilespmem:$0x1D080] =	vst v63  }
0x10c: {  	_ =	swait.ge [sflag:s22], $0x2800  }
0x10d: {  	[sflag:s22] =	ssyncset.done $0x0  }
0x10e: {  	[sflag:s22] =	ssyncadd.s32 $0xFFFFD800  }
0x10f: {  	[spmem:s2] =	stream.indirect.scatter.add.f32 [tilespmem:s21], [sflag:$0x6], $0x80, s7, s16, $0xb8;
	[tilespmem:$0x1D080] =	vst v63  }
0x110: {  	_ =	swait.ge [sflag:s23], $0x2800  }
0x111: {  	[sflag:s23] =	ssyncset.done $0x0  }
0x112: {  	[sflag:s23] =	ssyncadd.s32 $0xFFFFD800  }
0x113: {  	[tilespmem:s17], [sflag:$0x1] =	stream.indirect.gather [hbm4b:s4+s16], $0x80, s8, s16, $0xb8;
	[tilespmem:$0x1D080] =	vst v63  }
0x114: {  	_ =	swait.ge [sflag:s18], $0x2800  }
0x115: {  	[sflag:s18] =	ssyncset.done $0x0  }
0x116: {  	[sflag:s18] =	ssyncadd.s32 $0xFFFFD800  }
0x117: {  	[spmem:s2] =	stream.indirect.scatter.add.f32 [tilespmem:s17], [sflag:$0x4], $0x80, s9, s16, $0xb8;
	[tilespmem:$0x1D080] =	vst v63  }
0x118: {  	_ =	swait.ge [sflag:s24], $0x2800  }
0x119: {  	[sflag:s24] =	ssyncset.done $0x0  }
0x11a: {  	[sflag:s24] =	ssyncadd.s32 $0xFFFFD800  }
0x11b: {  	_ =	swait.ge [sflag:s25], $0x2800  }
0x11c: {  	[sflag:s25] =	ssyncset.done $0x0  }
0x11d: {  	[sflag:s25] =	ssyncadd.s32 $0xFFFFD800  }
0x11e: {  	s11 =	simm.s32 $0x200;
	_ =	swait.ge [sflag:s23], $0x2800  }
0x11f: {  	s13 =	simm.s32 $0x400;
	s6 =	rddreg [dreg:$0x4];
	[sflag:s23] =	ssyncset.done $0x0  }
.LBB2_2:
0x120: {  	[sflag:s23] =	ssyncadd.s32 $0xFFFFD800;
	s6 =	sadd.s32 s11, s6  }
0x121: {  	[tilespmem:s14], [sflag:$0x7] =	stream.linear.gather [hbm4b:s6+s3], $0xC80, $0x38;
	[tilespmem:$0x1D080] =	vst v63  }
0x122: {  	_ =	swait.ge [sflag:s12], $0xC80  }
0x123: {  	s6 =	rddreg [dreg:$0x3];
	[sflag:s12] =	ssyncset.done $0x0  }
0x124: {  	[sflag:s12] =	ssyncadd.s32 $0xFFFFF380;
	s6 =	sadd.s32 s11, s6  }
0x125: {  	[tilespmem:s15], [sflag:$0x7] =	stream.linear.gather [hbm4b:s6+s3], $0xC80, $0x38;
	[tilespmem:$0x1D080] =	vst v63  }
0x126: {  	_ =	swait.ge [sflag:s12], $0xC80  }
0x127: {  	[sflag:s12] =	ssyncset.done $0x0  }
0x128: {  	[sflag:s12] =	ssyncadd.s32 $0xFFFFF380  }
0x129: {  	[tilespmem:s17], [sflag:$0x1] =	stream.indirect.gather [hbm4b:s4+s16], $0x80, s14, s16, $0xb8;
	[tilespmem:$0x1D080] =	vst v63  }
0x12a: {  	_ =	swait.ge [sflag:s18], $0x2800  }
0x12b: {  	[sflag:s18] =	ssyncset.done $0x0  }
0x12c: {  	s10 =	smov.u32 s13;
	[sflag:s18] =	ssyncadd.s32 $0xFFFFD800  }
0x12d: {  	[spmem:s2] =	stream.indirect.scatter.add.f32 [tilespmem:s17], [sflag:$0x4], $0x80, s15, s16, $0xb8;
	[tilespmem:$0x1D080] =	vst v63  }
0x12e: {  	s11 =	smov.u32 s10;
	s10 =	rddreg [dreg:$0x5]  }
0x12f: {  	[tilespmem:s19], [sflag:$0x2] =	stream.indirect.gather [hbm4b:s4+s16], $0x80, s10, s16, $0xb8;
	[tilespmem:$0x1D080] =	vst v63  }
0x130: {  	_ =	swait.ge [sflag:s20], $0x2800  }
0x131: {  	[sflag:s20] =	ssyncset.done $0x0  }
0x132: {  	s6 =	rddreg [dreg:$0x6];
	[sflag:s20] =	ssyncadd.s32 $0xFFFFD800  }
0x133: {  	[spmem:s2] =	stream.indirect.scatter.add.f32 [tilespmem:s19], [sflag:$0x5], $0x80, s6, s16, $0xb8;
	[tilespmem:$0x1D080] =	vst v63  }
0x134: {  	s10 =	rddreg [dreg:$0x7]  }
0x135: {  	[tilespmem:s21], [sflag:$0x3] =	stream.indirect.gather [hbm4b:s4+s16], $0x80, s10, s16, $0xb8;
	[tilespmem:$0x1D080] =	vst v63  }
0x136: {  	_ =	swait.ge [sflag:s22], $0x2800  }
0x137: {  	[sflag:s22] =	ssyncset.done $0x0  }
0x138: {  	s10 =	rddreg [dreg:$0x8];
	[sflag:s22] =	ssyncadd.s32 $0xFFFFD800  }
0x139: {  	[spmem:s2] =	stream.indirect.scatter.add.f32 [tilespmem:s21], [sflag:$0x6], $0x80, s10, s16, $0xb8;
	[tilespmem:$0x1D080] =	vst v63  }
0x13a: {  	_ =	swait.ge [sflag:s23], $0x2800  }
0x13b: {  	[sflag:s23] =	ssyncset.done $0x0  }
0x13c: {  	s10 =	rddreg [dreg:$0x9];
	[sflag:s23] =	ssyncadd.s32 $0xFFFFD800  }
0x13d: {  	[tilespmem:s17], [sflag:$0x1] =	stream.indirect.gather [hbm4b:s4+s16], $0x80, s10, s16, $0xb8;
	[tilespmem:$0x1D080] =	vst v63  }
0x13e: {  	_ =	swait.ge [sflag:s18], $0x2800  }
0x13f: {  	[sflag:s18] =	ssyncset.done $0x0  }
0x140: {  	s10 =	rddreg [dreg:$0xa];
	[sflag:s18] =	ssyncadd.s32 $0xFFFFD800  }
0x141: {  	[spmem:s2] =	stream.indirect.scatter.add.f32 [tilespmem:s17], [sflag:$0x4], $0x80, s10, s16, $0xb8;
	[tilespmem:$0x1D080] =	vst v63  }
0x142: {  	_ =	swait.ge [sflag:s24], $0x2800  }
0x143: {  	[sflag:s24] =	ssyncset.done $0x0  }
0x144: {  	s10 =	rddreg [dreg:$0xb];
	[sflag:s24] =	ssyncadd.s32 $0xFFFFD800  }
0x145: {  	[tilespmem:s19], [sflag:$0x2] =	stream.indirect.gather [hbm4b:s4+s16], $0x80, s10, s16, $0xb8;
	[tilespmem:$0x1D080] =	vst v63  }
0x146: {  	_ =	swait.ge [sflag:s20], $0x2800  }
0x147: {  	[sflag:s20] =	ssyncset.done $0x0  }
0x148: {  	s10 =	rddreg [dreg:$0xc];
	[sflag:s20] =	ssyncadd.s32 $0xFFFFD800  }
0x149: {  	[spmem:s2] =	stream.indirect.scatter.add.f32 [tilespmem:s19], [sflag:$0x5], $0x80, s10, s16, $0xb8;
	[tilespmem:$0x1D080] =	vst v63  }
0x14a: {  	_ =	swait.ge [sflag:s25], $0x2800  }
0x14b: {  	[sflag:s25] =	ssyncset.done $0x0  }
0x14c: {  	s10 =	rddreg [dreg:$0xd];
	[sflag:s25] =	ssyncadd.s32 $0xFFFFD800  }
0x14d: {  	[tilespmem:s21], [sflag:$0x3] =	stream.indirect.gather [hbm4b:s4+s16], $0x80, s10, s16, $0xb8;
	[tilespmem:$0x1D080] =	vst v63  }
0x14e: {  	_ =	swait.ge [sflag:s22], $0x2800  }
0x14f: {  	[sflag:s22] =	ssyncset.done $0x0  }
0x150: {  	s10 =	rddreg [dreg:$0xe];
	[sflag:s22] =	ssyncadd.s32 $0xFFFFD800  }
0x151: {  	[spmem:s2] =	stream.indirect.scatter.add.f32 [tilespmem:s21], [sflag:$0x6], $0x80, s10, s16, $0xb8;
	[tilespmem:$0x1D080] =	vst v63  }
0x152: {  	_ =	swait.ge [sflag:s23], $0x2800  }
0x153: {  	[sflag:s23] =	ssyncset.done $0x0  }
0x154: {  	s10 =	rddreg [dreg:$0xf];
	[sflag:s23] =	ssyncadd.s32 $0xFFFFD800  }
0x155: {  	[tilespmem:s17], [sflag:$0x1] =	stream.indirect.gather [hbm4b:s4+s16], $0x80, s10, s16, $0xb8;
	[tilespmem:$0x1D080] =	vst v63  }
0x156: {  	_ =	swait.ge [sflag:s18], $0x2800  }
0x157: {  	[sflag:s18] =	ssyncset.done $0x0  }
0x158: {  	s10 =	rddreg [dreg:$0x10];
	[sflag:s18] =	ssyncadd.s32 $0xFFFFD800  }
0x159: {  	[spmem:s2] =	stream.indirect.scatter.add.f32 [tilespmem:s17], [sflag:$0x4], $0x80, s10, s16, $0xb8;
	[tilespmem:$0x1D080] =	vst v63  }
0x15a: {  	_ =	swait.ge [sflag:s24], $0x2800  }
0x15b: {  	[sflag:s24] =	ssyncset.done $0x0  }
0x15c: {  	s10 =	rddreg [dreg:$0x11];
	[sflag:s24] =	ssyncadd.s32 $0xFFFFD800  }
0x15d: {  	[tilespmem:s19], [sflag:$0x2] =	stream.indirect.gather [hbm4b:s4+s16], $0x80, s10, s16, $0xb8;
	[tilespmem:$0x1D080] =	vst v63  }
0x15e: {  	_ =	swait.ge [sflag:s20], $0x2800  }
0x15f: {  	[sflag:s20] =	ssyncset.done $0x0  }
0x160: {  	s10 =	rddreg [dreg:$0x12];
	[sflag:s20] =	ssyncadd.s32 $0xFFFFD800  }
0x161: {  	[spmem:s2] =	stream.indirect.scatter.add.f32 [tilespmem:s19], [sflag:$0x5], $0x80, s10, s16, $0xb8;
	[tilespmem:$0x1D080] =	vst v63  }
0x162: {  	_ =	swait.ge [sflag:s25], $0x2800  }
0x163: {  	[sflag:s25] =	ssyncset.done $0x0  }
0x164: {  	s10 =	rddreg [dreg:$0x13];
	[sflag:s25] =	ssyncadd.s32 $0xFFFFD800  }
0x165: {  	[tilespmem:s21], [sflag:$0x3] =	stream.indirect.gather [hbm4b:s4+s16], $0x80, s10, s16, $0xb8;
	[tilespmem:$0x1D080] =	vst v63  }
0x166: {  	_ =	swait.ge [sflag:s22], $0x2800  }
0x167: {  	[sflag:s22] =	ssyncset.done $0x0  }
0x168: {  	s10 =	rddreg [dreg:$0x14];
	[sflag:s22] =	ssyncadd.s32 $0xFFFFD800  }
0x169: {  	[spmem:s2] =	stream.indirect.scatter.add.f32 [tilespmem:s21], [sflag:$0x6], $0x80, s10, s16, $0xb8;
	[tilespmem:$0x1D080] =	vst v63  }
0x16a: {  	_ =	swait.ge [sflag:s23], $0x2800  }
0x16b: {  	[sflag:s23] =	ssyncset.done $0x0  }
0x16c: {  	s10 =	rddreg [dreg:$0x15];
	[sflag:s23] =	ssyncadd.s32 $0xFFFFD800  }
0x16d: {  	[tilespmem:s17], [sflag:$0x1] =	stream.indirect.gather [hbm4b:s4+s16], $0x80, s10, s16, $0xb8;
	[tilespmem:$0x1D080] =	vst v63  }
0x16e: {  	_ =	swait.ge [sflag:s18], $0x2800  }
0x16f: {  	[sflag:s18] =	ssyncset.done $0x0  }
0x170: {  	s10 =	rddreg [dreg:$0x16];
	[sflag:s18] =	ssyncadd.s32 $0xFFFFD800  }
0x171: {  	[spmem:s2] =	stream.indirect.scatter.add.f32 [tilespmem:s17], [sflag:$0x4], $0x80, s10, s16, $0xb8;
	[tilespmem:$0x1D080] =	vst v63  }
0x172: {  	_ =	swait.ge [sflag:s24], $0x2800  }
0x173: {  	[sflag:s24] =	ssyncset.done $0x0  }
0x174: {  	s10 =	rddreg [dreg:$0x17];
	[sflag:s24] =	ssyncadd.s32 $0xFFFFD800  }
0x175: {  	[tilespmem:s19], [sflag:$0x2] =	stream.indirect.gather [hbm4b:s4+s16], $0x80, s10, s16, $0xb8;
	[tilespmem:$0x1D080] =	vst v63  }
0x176: {  	_ =	swait.ge [sflag:s20], $0x2800  }
0x177: {  	[sflag:s20] =	ssyncset.done $0x0  }
0x178: {  	s10 =	rddreg [dreg:$0x18];
	[sflag:s20] =	ssyncadd.s32 $0xFFFFD800  }
0x179: {  	[spmem:s2] =	stream.indirect.scatter.add.f32 [tilespmem:s19], [sflag:$0x5], $0x80, s10, s16, $0xb8;
	[tilespmem:$0x1D080] =	vst v63  }
0x17a: {  	_ =	swait.ge [sflag:s25], $0x2800  }
0x17b: {  	[sflag:s25] =	ssyncset.done $0x0  }
0x17c: {  	s10 =	rddreg [dreg:$0x19];
	[sflag:s25] =	ssyncadd.s32 $0xFFFFD800  }
0x17d: {  	[tilespmem:s21], [sflag:$0x3] =	stream.indirect.gather [hbm4b:s4+s16], $0x80, s10, s16, $0xb8;
	[tilespmem:$0x1D080] =	vst v63  }
0x17e: {  	_ =	swait.ge [sflag:s22], $0x2800  }
0x17f: {  	[sflag:s22] =	ssyncset.done $0x0  }
0x180: {  	s10 =	rddreg [dreg:$0x1a];
	[sflag:s22] =	ssyncadd.s32 $0xFFFFD800  }
0x181: {  	[spmem:s2] =	stream.indirect.scatter.add.f32 [tilespmem:s21], [sflag:$0x6], $0x80, s10, s16, $0xb8;
	[tilespmem:$0x1D080] =	vst v63  }
0x182: {  	_ =	swait.ge [sflag:s23], $0x2800  }
0x183: {  	[sflag:s23] =	ssyncset.done $0x0  }
0x184: {  	s10 =	rddreg [dreg:$0x1b];
	[sflag:s23] =	ssyncadd.s32 $0xFFFFD800  }
0x185: {  	[tilespmem:s17], [sflag:$0x1] =	stream.indirect.gather [hbm4b:s4+s16], $0x80, s10, s16, $0xb8;
	[tilespmem:$0x1D080] =	vst v63  }
0x186: {  	_ =	swait.ge [sflag:s18], $0x2800  }
0x187: {  	[sflag:s18] =	ssyncset.done $0x0  }
0x188: {  	s10 =	rddreg [dreg:$0x1c];
	[sflag:s18] =	ssyncadd.s32 $0xFFFFD800  }
0x189: {  	[spmem:s2] =	stream.indirect.scatter.add.f32 [tilespmem:s17], [sflag:$0x4], $0x80, s10, s16, $0xb8;
	[tilespmem:$0x1D080] =	vst v63  }
0x18a: {  	_ =	swait.ge [sflag:s24], $0x2800  }
0x18b: {  	[sflag:s24] =	ssyncset.done $0x0  }
0x18c: {  	s10 =	rddreg [dreg:$0x1d];
	[sflag:s24] =	ssyncadd.s32 $0xFFFFD800  }
0x18d: {  	[tilespmem:s19], [sflag:$0x2] =	stream.indirect.gather [hbm4b:s4+s16], $0x80, s10, s16, $0xb8;
	[tilespmem:$0x1D080] =	vst v63  }
0x18e: {  	_ =	swait.ge [sflag:s20], $0x2800  }
0x18f: {  	[sflag:s20] =	ssyncset.done $0x0  }
0x190: {  	s10 =	rddreg [dreg:$0x1e];
	[sflag:s20] =	ssyncadd.s32 $0xFFFFD800  }
0x191: {  	[spmem:s2] =	stream.indirect.scatter.add.f32 [tilespmem:s19], [sflag:$0x5], $0x80, s10, s16, $0xb8;
	[tilespmem:$0x1D080] =	vst v63  }
0x192: {  	_ =	swait.ge [sflag:s25], $0x2800  }
0x193: {  	[sflag:s25] =	ssyncset.done $0x0  }
0x194: {  	s10 =	rddreg [dreg:$0x1f];
	[sflag:s25] =	ssyncadd.s32 $0xFFFFD800  }
0x195: {  	[tilespmem:s21], [sflag:$0x3] =	stream.indirect.gather [hbm4b:s4+s16], $0x80, s10, s16, $0xb8;
	[tilespmem:$0x1D080] =	vst v63  }
0x196: {  	_ =	swait.ge [sflag:s22], $0x2800  }
0x197: {  	s10 =	sld [smem:$0x7F0]  }
0x198: {  	[sflag:s22] =	ssyncset.done $0x0  }
0x199: {  	[sflag:s22] =	ssyncadd.s32 $0xFFFFD800  }
0x19a: {  	[spmem:s2] =	stream.indirect.scatter.add.f32 [tilespmem:s21], [sflag:$0x6], $0x80, s10, s16, $0xb8;
	[tilespmem:$0x1D080] =	vst v63  }
0x19b: {  	_ =	swait.ge [sflag:s23], $0x2800  }
0x19c: {  	s10 =	sld [smem:$0x7F1]  }
0x19d: {  	[sflag:s23] =	ssyncset.done $0x0  }
0x19e: {  	[sflag:s23] =	ssyncadd.s32 $0xFFFFD800  }
0x19f: {  	[tilespmem:s17], [sflag:$0x1] =	stream.indirect.gather [hbm4b:s4+s16], $0x80, s10, s16, $0xb8;
	[tilespmem:$0x1D080] =	vst v63  }
0x1a0: {  	_ =	swait.ge [sflag:s18], $0x2800  }
0x1a1: {  	s10 =	sld [smem:$0x7F2]  }
0x1a2: {  	[sflag:s18] =	ssyncset.done $0x0  }
0x1a3: {  	[sflag:s18] =	ssyncadd.s32 $0xFFFFD800  }
0x1a4: {  	[spmem:s2] =	stream.indirect.scatter.add.f32 [tilespmem:s17], [sflag:$0x4], $0x80, s10, s16, $0xb8;
	[tilespmem:$0x1D080] =	vst v63  }
0x1a5: {  	_ =	swait.ge [sflag:s24], $0x2800  }
0x1a6: {  	s10 =	sld [smem:$0x7F3]  }
0x1a7: {  	[sflag:s24] =	ssyncset.done $0x0  }
0x1a8: {  	[sflag:s24] =	ssyncadd.s32 $0xFFFFD800  }
0x1a9: {  	[tilespmem:s19], [sflag:$0x2] =	stream.indirect.gather [hbm4b:s4+s16], $0x80, s10, s16, $0xb8;
	[tilespmem:$0x1D080] =	vst v63  }
0x1aa: {  	_ =	swait.ge [sflag:s20], $0x2800  }
0x1ab: {  	s10 =	sld [smem:$0x7F4]  }
0x1ac: {  	[sflag:s20] =	ssyncset.done $0x0  }
0x1ad: {  	[sflag:s20] =	ssyncadd.s32 $0xFFFFD800  }
0x1ae: {  	[spmem:s2] =	stream.indirect.scatter.add.f32 [tilespmem:s19], [sflag:$0x5], $0x80, s10, s16, $0xb8;
	[tilespmem:$0x1D080] =	vst v63  }
0x1af: {  	_ =	swait.ge [sflag:s25], $0x2800  }
0x1b0: {  	s10 =	sld [smem:$0x7F5]  }
0x1b1: {  	[sflag:s25] =	ssyncset.done $0x0  }
0x1b2: {  	[sflag:s25] =	ssyncadd.s32 $0xFFFFD800  }
0x1b3: {  	[tilespmem:s21], [sflag:$0x3] =	stream.indirect.gather [hbm4b:s4+s16], $0x80, s10, s16, $0xb8;
	[tilespmem:$0x1D080] =	vst v63  }
0x1b4: {  	_ =	swait.ge [sflag:s22], $0x2800  }
0x1b5: {  	s10 =	sld [smem:$0x7F6]  }
0x1b6: {  	[sflag:s22] =	ssyncset.done $0x0  }
0x1b7: {  	[sflag:s22] =	ssyncadd.s32 $0xFFFFD800  }
0x1b8: {  	[spmem:s2] =	stream.indirect.scatter.add.f32 [tilespmem:s21], [sflag:$0x6], $0x80, s10, s16, $0xb8;
	[tilespmem:$0x1D080] =	vst v63  }
0x1b9: {  	_ =	swait.ge [sflag:s23], $0x2800  }
0x1ba: {  	s10 =	sld [smem:$0x7F7]  }
0x1bb: {  	[sflag:s23] =	ssyncset.done $0x0  }
0x1bc: {  	[sflag:s23] =	ssyncadd.s32 $0xFFFFD800  }
0x1bd: {  	[tilespmem:s17], [sflag:$0x1] =	stream.indirect.gather [hbm4b:s4+s16], $0x80, s10, s16, $0xb8;
	[tilespmem:$0x1D080] =	vst v63  }
0x1be: {  	_ =	swait.ge [sflag:s18], $0x2800  }
0x1bf: {  	s10 =	sld [smem:$0x7F8]  }
0x1c0: {  	[sflag:s18] =	ssyncset.done $0x0  }
0x1c1: {  	[sflag:s18] =	ssyncadd.s32 $0xFFFFD800  }
0x1c2: {  	[spmem:s2] =	stream.indirect.scatter.add.f32 [tilespmem:s17], [sflag:$0x4], $0x80, s10, s16, $0xb8;
	[tilespmem:$0x1D080] =	vst v63  }
0x1c3: {  	_ =	swait.ge [sflag:s24], $0x2800  }
0x1c4: {  	s10 =	sld [smem:$0x7F9]  }
0x1c5: {  	[sflag:s24] =	ssyncset.done $0x0  }
0x1c6: {  	[sflag:s24] =	ssyncadd.s32 $0xFFFFD800  }
0x1c7: {  	[tilespmem:s19], [sflag:$0x2] =	stream.indirect.gather [hbm4b:s4+s16], $0x80, s10, s16, $0xb8;
	[tilespmem:$0x1D080] =	vst v63  }
0x1c8: {  	_ =	swait.ge [sflag:s20], $0x2800  }
0x1c9: {  	[sflag:s20] =	ssyncset.done $0x0  }
0x1ca: {  	[sflag:s20] =	ssyncadd.s32 $0xFFFFD800  }
0x1cb: {  	[spmem:s2] =	stream.indirect.scatter.add.f32 [tilespmem:s19], [sflag:$0x5], $0x80, s26, s16, $0xb8;
	[tilespmem:$0x1D080] =	vst v63  }
0x1cc: {  	_ =	swait.ge [sflag:s25], $0x2800  }
0x1cd: {  	[sflag:s25] =	ssyncset.done $0x0  }
0x1ce: {  	[sflag:s25] =	ssyncadd.s32 $0xFFFFD800  }
0x1cf: {  	[tilespmem:s21], [sflag:$0x3] =	stream.indirect.gather [hbm4b:s4+s16], $0x80, s28, s16, $0xb8;
	[tilespmem:$0x1D080] =	vst v63  }
0x1d0: {  	_ =	swait.ge [sflag:s22], $0x2800  }
0x1d1: {  	[sflag:s22] =	ssyncset.done $0x0  }
0x1d2: {  	[sflag:s22] =	ssyncadd.s32 $0xFFFFD800  }
0x1d3: {  	[spmem:s2] =	stream.indirect.scatter.add.f32 [tilespmem:s21], [sflag:$0x6], $0x80, s29, s16, $0xb8;
	[tilespmem:$0x1D080] =	vst v63  }
0x1d4: {  	_ =	swait.ge [sflag:s23], $0x2800  }
0x1d5: {  	[sflag:s23] =	ssyncset.done $0x0  }
0x1d6: {  	[sflag:s23] =	ssyncadd.s32 $0xFFFFD800  }
0x1d7: {  	[tilespmem:s17], [sflag:$0x1] =	stream.indirect.gather [hbm4b:s4+s16], $0x80, s30, s16, $0xb8;
	[tilespmem:$0x1D080] =	vst v63  }
0x1d8: {  	_ =	swait.ge [sflag:s18], $0x2800  }
0x1d9: {  	[sflag:s18] =	ssyncset.done $0x0  }
0x1da: {  	[sflag:s18] =	ssyncadd.s32 $0xFFFFD800  }
0x1db: {  	[spmem:s2] =	stream.indirect.scatter.add.f32 [tilespmem:s17], [sflag:$0x4], $0x80, s31, s16, $0xb8;
	[tilespmem:$0x1D080] =	vst v63  }
0x1dc: {  	_ =	swait.ge [sflag:s24], $0x2800  }
0x1dd: {  	[sflag:s24] =	ssyncset.done $0x0  }
0x1de: {  	[sflag:s24] =	ssyncadd.s32 $0xFFFFD800  }
0x1df: {  	[tilespmem:s19], [sflag:$0x2] =	stream.indirect.gather [hbm4b:s4+s16], $0x80, s1, s16, $0xb8;
	[tilespmem:$0x1D080] =	vst v63  }
0x1e0: {  	_ =	swait.ge [sflag:s20], $0x2800  }
0x1e1: {  	[sflag:s20] =	ssyncset.done $0x0  }
0x1e2: {  	[sflag:s20] =	ssyncadd.s32 $0xFFFFD800  }
0x1e3: {  	[spmem:s2] =	stream.indirect.scatter.add.f32 [tilespmem:s19], [sflag:$0x5], $0x80, s0, s16, $0xb8;
	[tilespmem:$0x1D080] =	vst v63  }
0x1e4: {  	_ =	swait.ge [sflag:s25], $0x2800  }
0x1e5: {  	[sflag:s25] =	ssyncset.done $0x0  }
0x1e6: {  	[sflag:s25] =	ssyncadd.s32 $0xFFFFD800  }
0x1e7: {  	[tilespmem:s21], [sflag:$0x3] =	stream.indirect.gather [hbm4b:s4+s16], $0x80, s5, s16, $0xb8;
	[tilespmem:$0x1D080] =	vst v63  }
0x1e8: {  	_ =	swait.ge [sflag:s22], $0x2800  }
0x1e9: {  	[sflag:s22] =	ssyncset.done $0x0  }
0x1ea: {  	[sflag:s22] =	ssyncadd.s32 $0xFFFFD800  }
0x1eb: {  	[spmem:s2] =	stream.indirect.scatter.add.f32 [tilespmem:s21], [sflag:$0x6], $0x80, s7, s16, $0xb8;
	[tilespmem:$0x1D080] =	vst v63  }
0x1ec: {  	_ =	swait.ge [sflag:s23], $0x2800  }
0x1ed: {  	[sflag:s23] =	ssyncset.done $0x0  }
0x1ee: {  	[sflag:s23] =	ssyncadd.s32 $0xFFFFD800  }
0x1ef: {  	[tilespmem:s17], [sflag:$0x1] =	stream.indirect.gather [hbm4b:s4+s16], $0x80, s8, s16, $0xb8;
	[tilespmem:$0x1D080] =	vst v63  }
0x1f0: {  	_ =	swait.ge [sflag:s18], $0x2800  }
0x1f1: {  	[sflag:s18] =	ssyncset.done $0x0  }
0x1f2: {  	[sflag:s18] =	ssyncadd.s32 $0xFFFFD800  }
0x1f3: {  	[spmem:s2] =	stream.indirect.scatter.add.f32 [tilespmem:s17], [sflag:$0x4], $0x80, s9, s16, $0xb8;
	[tilespmem:$0x1D080] =	vst v63  }
0x1f4: {  	_ =	swait.ge [sflag:s24], $0x2800  }
0x1f5: {  	[sflag:s24] =	ssyncset.done $0x0  }
0x1f6: {  	p1 =	sne.s32 s13, $0x800;
	[sflag:s24] =	ssyncadd.s32 $0xFFFFD800  }
.Ltmp0:
0x1f7: {  	_ =	swait.ge [sflag:s25], $0x2800;
	(pc) =	sbr.rel @p1 .LBB2_2-.Ltmp0, $4  }
0x1f8: {  	[sflag:s25] =	ssyncset.done $0x0  }
0x1f9: {  	[sflag:s25] =	ssyncadd.s32 $0xFFFFD800  }
0x1fa: {  	_ =	swait.ge [sflag:s23], $0x2800  }
0x1fb: {  	s13 =	sadd.s32 $0x200, s13;
	s6 =	rddreg [dreg:$0x4];
	[sflag:s23] =	ssyncset.done $0x0  }
0x1fc: {  	[sflag:s23] =	ssyncadd.s32 $0xFFFFD800;
	s6 =	sadd.s32 s11, s6  }
0x1fd: {  	[tilespmem:s14], [sflag:$0x7] =	stream.linear.gather [hbm4b:s6+s3], $0xC80, $0x38;
	[tilespmem:$0x1D080] =	vst v63  }
0x1fe: {  	_ =	swait.ge [sflag:s12], $0xC80  }
0x1ff: {  	s13 =	rddreg [dreg:$0x3];
	[sflag:s12] =	ssyncset.done $0x0  }
0x200: {  	[sflag:s12] =	ssyncadd.s32 $0xFFFFF380;
	s6 =	sadd.s32 s11, s13  }
0x201: {  	[tilespmem:s15], [sflag:$0x7] =	stream.linear.gather [hbm4b:s6+s3], $0xC80, $0x38;
	[tilespmem:$0x1D080] =	vst v63  }
0x202: {  	_ =	swait.ge [sflag:s12], $0xC80  }
0x203: {  	[sflag:s12] =	ssyncset.done $0x0  }
0x204: {  	[sflag:s12] =	ssyncadd.s32 $0xFFFFF380  }
0x205: {  	[tilespmem:s17], [sflag:$0x1] =	stream.indirect.gather [hbm4b:s4+s16], $0x80, s14, s16, $0xb8;
	[tilespmem:$0x1D080] =	vst v63  }
0x206: {  	_ =	swait.ge [sflag:s18], $0x2800  }
0x207: {  	[sflag:s18] =	ssyncset.done $0x0  }
0x208: {  	[sflag:s18] =	ssyncadd.s32 $0xFFFFD800  }
0x209: {  	[spmem:s2] =	stream.indirect.scatter.add.f32 [tilespmem:s17], [sflag:$0x4], $0x80, s15, s16, $0xb8;
	[tilespmem:$0x1D080] =	vst v63  }
0x20a: {  	s10 =	rddreg [dreg:$0x5]  }
0x20b: {  	[tilespmem:s19], [sflag:$0x2] =	stream.indirect.gather [hbm4b:s4+s16], $0x80, s10, s16, $0xb8;
	[tilespmem:$0x1D080] =	vst v63  }
0x20c: {  	_ =	swait.ge [sflag:s20], $0x2800  }
0x20d: {  	[sflag:s20] =	ssyncset.done $0x0  }
0x20e: {  	s11 =	rddreg [dreg:$0x6];
	[sflag:s20] =	ssyncadd.s32 $0xFFFFD800  }
0x20f: {  	[spmem:s2] =	stream.indirect.scatter.add.f32 [tilespmem:s19], [sflag:$0x5], $0x80, s11, s16, $0xb8;
	[tilespmem:$0x1D080] =	vst v63  }
0x210: {  	s10 =	rddreg [dreg:$0x7]  }
0x211: {  	[tilespmem:s21], [sflag:$0x3] =	stream.indirect.gather [hbm4b:s4+s16], $0x80, s10, s16, $0xb8;
	[tilespmem:$0x1D080] =	vst v63  }
0x212: {  	_ =	swait.ge [sflag:s22], $0x2800  }
0x213: {  	[sflag:s22] =	ssyncset.done $0x0  }
0x214: {  	s13 =	rddreg [dreg:$0x8];
	[sflag:s22] =	ssyncadd.s32 $0xFFFFD800  }
0x215: {  	[spmem:s2] =	stream.indirect.scatter.add.f32 [tilespmem:s21], [sflag:$0x6], $0x80, s13, s16, $0xb8;
	[tilespmem:$0x1D080] =	vst v63  }
0x216: {  	_ =	swait.ge [sflag:s23], $0x2800  }
0x217: {  	[sflag:s23] =	ssyncset.done $0x0  }
0x218: {  	s10 =	rddreg [dreg:$0x9];
	[sflag:s23] =	ssyncadd.s32 $0xFFFFD800  }
0x219: {  	[tilespmem:s17], [sflag:$0x1] =	stream.indirect.gather [hbm4b:s4+s16], $0x80, s10, s16, $0xb8;
	[tilespmem:$0x1D080] =	vst v63  }
0x21a: {  	_ =	swait.ge [sflag:s18], $0x2800  }
0x21b: {  	[sflag:s18] =	ssyncset.done $0x0  }
0x21c: {  	s11 =	rddreg [dreg:$0xa];
	[sflag:s18] =	ssyncadd.s32 $0xFFFFD800  }
0x21d: {  	[spmem:s2] =	stream.indirect.scatter.add.f32 [tilespmem:s17], [sflag:$0x4], $0x80, s11, s16, $0xb8;
	[tilespmem:$0x1D080] =	vst v63  }
0x21e: {  	_ =	swait.ge [sflag:s24], $0x2800  }
0x21f: {  	[sflag:s24] =	ssyncset.done $0x0  }
0x220: {  	s13 =	rddreg [dreg:$0xb];
	[sflag:s24] =	ssyncadd.s32 $0xFFFFD800  }
0x221: {  	[tilespmem:s19], [sflag:$0x2] =	stream.indirect.gather [hbm4b:s4+s16], $0x80, s13, s16, $0xb8;
	[tilespmem:$0x1D080] =	vst v63  }
0x222: {  	_ =	swait.ge [sflag:s20], $0x2800  }
0x223: {  	[sflag:s20] =	ssyncset.done $0x0  }
0x224: {  	s10 =	rddreg [dreg:$0xc];
	[sflag:s20] =	ssyncadd.s32 $0xFFFFD800  }
0x225: {  	[spmem:s2] =	stream.indirect.scatter.add.f32 [tilespmem:s19], [sflag:$0x5], $0x80, s10, s16, $0xb8;
	[tilespmem:$0x1D080] =	vst v63  }
0x226: {  	_ =	swait.ge [sflag:s25], $0x2800  }
0x227: {  	[sflag:s25] =	ssyncset.done $0x0  }
0x228: {  	s11 =	rddreg [dreg:$0xd];
	[sflag:s25] =	ssyncadd.s32 $0xFFFFD800  }
0x229: {  	[tilespmem:s21], [sflag:$0x3] =	stream.indirect.gather [hbm4b:s4+s16], $0x80, s11, s16, $0xb8;
	[tilespmem:$0x1D080] =	vst v63  }
0x22a: {  	_ =	swait.ge [sflag:s22], $0x2800  }
0x22b: {  	[sflag:s22] =	ssyncset.done $0x0  }
0x22c: {  	s13 =	rddreg [dreg:$0xe];
	[sflag:s22] =	ssyncadd.s32 $0xFFFFD800  }
0x22d: {  	[spmem:s2] =	stream.indirect.scatter.add.f32 [tilespmem:s21], [sflag:$0x6], $0x80, s13, s16, $0xb8;
	[tilespmem:$0x1D080] =	vst v63  }
0x22e: {  	_ =	swait.ge [sflag:s23], $0x2800  }
0x22f: {  	[sflag:s23] =	ssyncset.done $0x0  }
0x230: {  	s10 =	rddreg [dreg:$0xf];
	[sflag:s23] =	ssyncadd.s32 $0xFFFFD800  }
0x231: {  	[tilespmem:s17], [sflag:$0x1] =	stream.indirect.gather [hbm4b:s4+s16], $0x80, s10, s16, $0xb8;
	[tilespmem:$0x1D080] =	vst v63  }
0x232: {  	_ =	swait.ge [sflag:s18], $0x2800  }
0x233: {  	[sflag:s18] =	ssyncset.done $0x0  }
0x234: {  	s11 =	rddreg [dreg:$0x10];
	[sflag:s18] =	ssyncadd.s32 $0xFFFFD800  }
0x235: {  	[spmem:s2] =	stream.indirect.scatter.add.f32 [tilespmem:s17], [sflag:$0x4], $0x80, s11, s16, $0xb8;
	[tilespmem:$0x1D080] =	vst v63  }
0x236: {  	_ =	swait.ge [sflag:s24], $0x2800  }
0x237: {  	[sflag:s24] =	ssyncset.done $0x0  }
0x238: {  	s13 =	rddreg [dreg:$0x11];
	[sflag:s24] =	ssyncadd.s32 $0xFFFFD800  }
0x239: {  	[tilespmem:s19], [sflag:$0x2] =	stream.indirect.gather [hbm4b:s4+s16], $0x80, s13, s16, $0xb8;
	[tilespmem:$0x1D080] =	vst v63  }
0x23a: {  	_ =	swait.ge [sflag:s20], $0x2800  }
0x23b: {  	[sflag:s20] =	ssyncset.done $0x0  }
0x23c: {  	s10 =	rddreg [dreg:$0x12];
	[sflag:s20] =	ssyncadd.s32 $0xFFFFD800  }
0x23d: {  	[spmem:s2] =	stream.indirect.scatter.add.f32 [tilespmem:s19], [sflag:$0x5], $0x80, s10, s16, $0xb8;
	[tilespmem:$0x1D080] =	vst v63  }
0x23e: {  	_ =	swait.ge [sflag:s25], $0x2800  }
0x23f: {  	[sflag:s25] =	ssyncset.done $0x0  }
0x240: {  	s11 =	rddreg [dreg:$0x13];
	[sflag:s25] =	ssyncadd.s32 $0xFFFFD800  }
0x241: {  	[tilespmem:s21], [sflag:$0x3] =	stream.indirect.gather [hbm4b:s4+s16], $0x80, s11, s16, $0xb8;
	[tilespmem:$0x1D080] =	vst v63  }
0x242: {  	_ =	swait.ge [sflag:s22], $0x2800  }
0x243: {  	[sflag:s22] =	ssyncset.done $0x0  }
0x244: {  	s13 =	rddreg [dreg:$0x14];
	[sflag:s22] =	ssyncadd.s32 $0xFFFFD800  }
0x245: {  	[spmem:s2] =	stream.indirect.scatter.add.f32 [tilespmem:s21], [sflag:$0x6], $0x80, s13, s16, $0xb8;
	[tilespmem:$0x1D080] =	vst v63  }
0x246: {  	_ =	swait.ge [sflag:s23], $0x2800  }
0x247: {  	[sflag:s23] =	ssyncset.done $0x0  }
0x248: {  	s10 =	rddreg [dreg:$0x15];
	[sflag:s23] =	ssyncadd.s32 $0xFFFFD800  }
0x249: {  	[tilespmem:s17], [sflag:$0x1] =	stream.indirect.gather [hbm4b:s4+s16], $0x80, s10, s16, $0xb8;
	[tilespmem:$0x1D080] =	vst v63  }
0x24a: {  	_ =	swait.ge [sflag:s18], $0x2800  }
0x24b: {  	[sflag:s18] =	ssyncset.done $0x0  }
0x24c: {  	s11 =	rddreg [dreg:$0x16];
	[sflag:s18] =	ssyncadd.s32 $0xFFFFD800  }
0x24d: {  	[spmem:s2] =	stream.indirect.scatter.add.f32 [tilespmem:s17], [sflag:$0x4], $0x80, s11, s16, $0xb8;
	[tilespmem:$0x1D080] =	vst v63  }
0x24e: {  	_ =	swait.ge [sflag:s24], $0x2800  }
0x24f: {  	[sflag:s24] =	ssyncset.done $0x0  }
0x250: {  	s13 =	rddreg [dreg:$0x17];
	[sflag:s24] =	ssyncadd.s32 $0xFFFFD800  }
0x251: {  	[tilespmem:s19], [sflag:$0x2] =	stream.indirect.gather [hbm4b:s4+s16], $0x80, s13, s16, $0xb8;
	[tilespmem:$0x1D080] =	vst v63  }
0x252: {  	_ =	swait.ge [sflag:s20], $0x2800  }
0x253: {  	[sflag:s20] =	ssyncset.done $0x0  }
0x254: {  	s10 =	rddreg [dreg:$0x18];
	[sflag:s20] =	ssyncadd.s32 $0xFFFFD800  }
0x255: {  	[spmem:s2] =	stream.indirect.scatter.add.f32 [tilespmem:s19], [sflag:$0x5], $0x80, s10, s16, $0xb8;
	[tilespmem:$0x1D080] =	vst v63  }
0x256: {  	_ =	swait.ge [sflag:s25], $0x2800  }
0x257: {  	[sflag:s25] =	ssyncset.done $0x0  }
0x258: {  	s11 =	rddreg [dreg:$0x19];
	[sflag:s25] =	ssyncadd.s32 $0xFFFFD800  }
0x259: {  	[tilespmem:s21], [sflag:$0x3] =	stream.indirect.gather [hbm4b:s4+s16], $0x80, s11, s16, $0xb8;
	[tilespmem:$0x1D080] =	vst v63  }
0x25a: {  	_ =	swait.ge [sflag:s22], $0x2800  }
0x25b: {  	[sflag:s22] =	ssyncset.done $0x0  }
0x25c: {  	s13 =	rddreg [dreg:$0x1a];
	[sflag:s22] =	ssyncadd.s32 $0xFFFFD800  }
0x25d: {  	[spmem:s2] =	stream.indirect.scatter.add.f32 [tilespmem:s21], [sflag:$0x6], $0x80, s13, s16, $0xb8;
	[tilespmem:$0x1D080] =	vst v63  }
0x25e: {  	_ =	swait.ge [sflag:s23], $0x2800  }
0x25f: {  	[sflag:s23] =	ssyncset.done $0x0  }
0x260: {  	s10 =	rddreg [dreg:$0x1b];
	[sflag:s23] =	ssyncadd.s32 $0xFFFFD800  }
0x261: {  	[tilespmem:s17], [sflag:$0x1] =	stream.indirect.gather [hbm4b:s4+s16], $0x80, s10, s16, $0xb8;
	[tilespmem:$0x1D080] =	vst v63  }
0x262: {  	_ =	swait.ge [sflag:s18], $0x2800  }
0x263: {  	[sflag:s18] =	ssyncset.done $0x0  }
0x264: {  	s11 =	rddreg [dreg:$0x1c];
	[sflag:s18] =	ssyncadd.s32 $0xFFFFD800  }
0x265: {  	[spmem:s2] =	stream.indirect.scatter.add.f32 [tilespmem:s17], [sflag:$0x4], $0x80, s11, s16, $0xb8;
	[tilespmem:$0x1D080] =	vst v63  }
0x266: {  	_ =	swait.ge [sflag:s24], $0x2800  }
0x267: {  	[sflag:s24] =	ssyncset.done $0x0  }
0x268: {  	s13 =	rddreg [dreg:$0x1d];
	[sflag:s24] =	ssyncadd.s32 $0xFFFFD800  }
0x269: {  	[tilespmem:s19], [sflag:$0x2] =	stream.indirect.gather [hbm4b:s4+s16], $0x80, s13, s16, $0xb8;
	[tilespmem:$0x1D080] =	vst v63  }
0x26a: {  	_ =	swait.ge [sflag:s20], $0x2800  }
0x26b: {  	[sflag:s20] =	ssyncset.done $0x0  }
0x26c: {  	s10 =	rddreg [dreg:$0x1e];
	[sflag:s20] =	ssyncadd.s32 $0xFFFFD800  }
0x26d: {  	[spmem:s2] =	stream.indirect.scatter.add.f32 [tilespmem:s19], [sflag:$0x5], $0x80, s10, s16, $0xb8;
	[tilespmem:$0x1D080] =	vst v63  }
0x26e: {  	_ =	swait.ge [sflag:s25], $0x2800  }
0x26f: {  	[sflag:s25] =	ssyncset.done $0x0  }
0x270: {  	s11 =	rddreg [dreg:$0x1f];
	[sflag:s25] =	ssyncadd.s32 $0xFFFFD800  }
0x271: {  	[tilespmem:s21], [sflag:$0x3] =	stream.indirect.gather [hbm4b:s4+s16], $0x80, s11, s16, $0xb8;
	[tilespmem:$0x1D080] =	vst v63  }
0x272: {  	_ =	swait.ge [sflag:s22], $0x2800  }
0x273: {  	s13 =	sld [smem:$0x7F0]  }
0x274: {  	[sflag:s22] =	ssyncset.done $0x0  }
0x275: {  	[sflag:s22] =	ssyncadd.s32 $0xFFFFD800  }
0x276: {  	[spmem:s2] =	stream.indirect.scatter.add.f32 [tilespmem:s21], [sflag:$0x6], $0x80, s13, s16, $0xb8;
	[tilespmem:$0x1D080] =	vst v63  }
0x277: {  	_ =	swait.ge [sflag:s23], $0x2800  }
0x278: {  	s10 =	sld [smem:$0x7F1]  }
0x279: {  	[sflag:s23] =	ssyncset.done $0x0  }
0x27a: {  	[sflag:s23] =	ssyncadd.s32 $0xFFFFD800  }
0x27b: {  	[tilespmem:s17], [sflag:$0x1] =	stream.indirect.gather [hbm4b:s4+s16], $0x80, s10, s16, $0xb8;
	[tilespmem:$0x1D080] =	vst v63  }
0x27c: {  	_ =	swait.ge [sflag:s18], $0x2800  }
0x27d: {  	s11 =	sld [smem:$0x7F2]  }
0x27e: {  	[sflag:s18] =	ssyncset.done $0x0  }
0x27f: {  	[sflag:s18] =	ssyncadd.s32 $0xFFFFD800  }
0x280: {  	[spmem:s2] =	stream.indirect.scatter.add.f32 [tilespmem:s17], [sflag:$0x4], $0x80, s11, s16, $0xb8;
	[tilespmem:$0x1D080] =	vst v63  }
0x281: {  	_ =	swait.ge [sflag:s24], $0x2800  }
0x282: {  	s13 =	sld [smem:$0x7F3]  }
0x283: {  	[sflag:s24] =	ssyncset.done $0x0  }
0x284: {  	[sflag:s24] =	ssyncadd.s32 $0xFFFFD800  }
0x285: {  	[tilespmem:s19], [sflag:$0x2] =	stream.indirect.gather [hbm4b:s4+s16], $0x80, s13, s16, $0xb8;
	[tilespmem:$0x1D080] =	vst v63  }
0x286: {  	_ =	swait.ge [sflag:s20], $0x2800  }
0x287: {  	s10 =	sld [smem:$0x7F4]  }
0x288: {  	[sflag:s20] =	ssyncset.done $0x0  }
0x289: {  	[sflag:s20] =	ssyncadd.s32 $0xFFFFD800  }
0x28a: {  	[spmem:s2] =	stream.indirect.scatter.add.f32 [tilespmem:s19], [sflag:$0x5], $0x80, s10, s16, $0xb8;
	[tilespmem:$0x1D080] =	vst v63  }
0x28b: {  	_ =	swait.ge [sflag:s25], $0x2800  }
0x28c: {  	s11 =	sld [smem:$0x7F5]  }
0x28d: {  	[sflag:s25] =	ssyncset.done $0x0  }
0x28e: {  	[sflag:s25] =	ssyncadd.s32 $0xFFFFD800  }
0x28f: {  	[tilespmem:s21], [sflag:$0x3] =	stream.indirect.gather [hbm4b:s4+s16], $0x80, s11, s16, $0xb8;
	[tilespmem:$0x1D080] =	vst v63  }
0x290: {  	_ =	swait.ge [sflag:s22], $0x2800  }
0x291: {  	s13 =	sld [smem:$0x7F6]  }
0x292: {  	[sflag:s22] =	ssyncset.done $0x0  }
0x293: {  	[sflag:s22] =	ssyncadd.s32 $0xFFFFD800  }
0x294: {  	[spmem:s2] =	stream.indirect.scatter.add.f32 [tilespmem:s21], [sflag:$0x6], $0x80, s13, s16, $0xb8;
	[tilespmem:$0x1D080] =	vst v63  }
0x295: {  	_ =	swait.ge [sflag:s23], $0x2800  }
0x296: {  	s10 =	sld [smem:$0x7F7]  }
0x297: {  	[sflag:s23] =	ssyncset.done $0x0  }
0x298: {  	[sflag:s23] =	ssyncadd.s32 $0xFFFFD800  }
0x299: {  	[tilespmem:s17], [sflag:$0x1] =	stream.indirect.gather [hbm4b:s4+s16], $0x80, s10, s16, $0xb8;
	[tilespmem:$0x1D080] =	vst v63  }
0x29a: {  	_ =	swait.ge [sflag:s18], $0x2800  }
0x29b: {  	s11 =	sld [smem:$0x7F8]  }
0x29c: {  	[sflag:s18] =	ssyncset.done $0x0  }
0x29d: {  	[sflag:s18] =	ssyncadd.s32 $0xFFFFD800  }
0x29e: {  	[spmem:s2] =	stream.indirect.scatter.add.f32 [tilespmem:s17], [sflag:$0x4], $0x80, s11, s16, $0xb8;
	[tilespmem:$0x1D080] =	vst v63  }
0x29f: {  	_ =	swait.ge [sflag:s24], $0x2800  }
0x2a0: {  	s13 =	sld [smem:$0x7F9]  }
0x2a1: {  	[sflag:s24] =	ssyncset.done $0x0  }
0x2a2: {  	[sflag:s24] =	ssyncadd.s32 $0xFFFFD800  }
0x2a3: {  	[tilespmem:s19], [sflag:$0x2] =	stream.indirect.gather [hbm4b:s4+s16], $0x80, s13, s16, $0xb8;
	[tilespmem:$0x1D080] =	vst v63  }
0x2a4: {  	_ =	swait.ge [sflag:s20], $0x2800  }
0x2a5: {  	[sflag:s20] =	ssyncset.done $0x0  }
0x2a6: {  	[sflag:s20] =	ssyncadd.s32 $0xFFFFD800  }
0x2a7: {  	[spmem:s2] =	stream.indirect.scatter.add.f32 [tilespmem:s19], [sflag:$0x5], $0x80, s26, s16, $0xb8;
	[tilespmem:$0x1D080] =	vst v63  }
0x2a8: {  	_ =	swait.ge [sflag:s25], $0x2800  }
0x2a9: {  	[sflag:s25] =	ssyncset.done $0x0  }
0x2aa: {  	[sflag:s25] =	ssyncadd.s32 $0xFFFFD800  }
0x2ab: {  	[tilespmem:s21], [sflag:$0x3] =	stream.indirect.gather [hbm4b:s4+s16], $0x80, s28, s16, $0xb8;
	[tilespmem:$0x1D080] =	vst v63  }
0x2ac: {  	_ =	swait.ge [sflag:s22], $0x2800  }
0x2ad: {  	[sflag:s22] =	ssyncset.done $0x0  }
0x2ae: {  	[sflag:s22] =	ssyncadd.s32 $0xFFFFD800  }
0x2af: {  	[spmem:s2] =	stream.indirect.scatter.add.f32 [tilespmem:s21], [sflag:$0x6], $0x80, s29, s16, $0xb8;
	[tilespmem:$0x1D080] =	vst v63  }
0x2b0: {  	_ =	swait.ge [sflag:s23], $0x2800  }
0x2b1: {  	[sflag:s23] =	ssyncset.done $0x0  }
0x2b2: {  	[sflag:s23] =	ssyncadd.s32 $0xFFFFD800  }
0x2b3: {  	[tilespmem:s17], [sflag:$0x1] =	stream.indirect.gather [hbm4b:s4+s16], $0x80, s30, s16, $0xb8;
	[tilespmem:$0x1D080] =	vst v63  }
0x2b4: {  	_ =	swait.ge [sflag:s18], $0x2800  }
0x2b5: {  	[sflag:s18] =	ssyncset.done $0x0  }
0x2b6: {  	[sflag:s18] =	ssyncadd.s32 $0xFFFFD800  }
0x2b7: {  	[spmem:s2] =	stream.indirect.scatter.add.f32 [tilespmem:s17], [sflag:$0x4], $0x80, s31, s16, $0xb8;
	[tilespmem:$0x1D080] =	vst v63  }
0x2b8: {  	_ =	swait.ge [sflag:s24], $0x2800  }
0x2b9: {  	[sflag:s24] =	ssyncset.done $0x0  }
0x2ba: {  	[sflag:s24] =	ssyncadd.s32 $0xFFFFD800  }
0x2bb: {  	[tilespmem:s19], [sflag:$0x2] =	stream.indirect.gather [hbm4b:s4+s16], $0x80, s1, s16, $0xb8;
	[tilespmem:$0x1D080] =	vst v63  }
0x2bc: {  	_ =	swait.ge [sflag:s20], $0x2800  }
0x2bd: {  	[sflag:s20] =	ssyncset.done $0x0  }
0x2be: {  	[sflag:s20] =	ssyncadd.s32 $0xFFFFD800  }
0x2bf: {  	[spmem:s2] =	stream.indirect.scatter.add.f32 [tilespmem:s19], [sflag:$0x5], $0x80, s0, s16, $0xb8;
	[tilespmem:$0x1D080] =	vst v63  }
0x2c0: {  	_ =	swait.ge [sflag:s25], $0x2800  }
0x2c1: {  	[sflag:s25] =	ssyncset.done $0x0  }
0x2c2: {  	[sflag:s25] =	ssyncadd.s32 $0xFFFFD800  }
0x2c3: {  	[tilespmem:s21], [sflag:$0x3] =	stream.indirect.gather [hbm4b:s4+s16], $0x80, s5, s16, $0xb8;
	[tilespmem:$0x1D080] =	vst v63  }
0x2c4: {  	_ =	swait.ge [sflag:s22], $0x2800  }
0x2c5: {  	[sflag:s22] =	ssyncset.done $0x0  }
0x2c6: {  	[sflag:s22] =	ssyncadd.s32 $0xFFFFD800  }
0x2c7: {  	[spmem:s2] =	stream.indirect.scatter.add.f32 [tilespmem:s21], [sflag:$0x6], $0x80, s7, s16, $0xb8;
	[tilespmem:$0x1D080] =	vst v63  }
0x2c8: {  	_ =	swait.ge [sflag:s23], $0x2800  }
0x2c9: {  	[sflag:s23] =	ssyncset.done $0x0  }
0x2ca: {  	[sflag:s23] =	ssyncadd.s32 $0xFFFFD800  }
0x2cb: {  	[tilespmem:s17], [sflag:$0x1] =	stream.indirect.gather [hbm4b:s4+s16], $0x80, s8, s16, $0xb8;
	[tilespmem:$0x1D080] =	vst v63  }
0x2cc: {  	_ =	swait.ge [sflag:s18], $0x2800  }
0x2cd: {  	[sflag:s18] =	ssyncset.done $0x0  }
0x2ce: {  	[sflag:s18] =	ssyncadd.s32 $0xFFFFD800  }
0x2cf: {  	[spmem:s2] =	stream.indirect.scatter.add.f32 [tilespmem:s17], [sflag:$0x4], $0x80, s9, s16, $0xb8;
	[tilespmem:$0x1D080] =	vst v63  }
0x2d0: {  	_ =	swait.ge [sflag:s24], $0x2800  }
0x2d1: {  	[sflag:s24] =	ssyncset.done $0x0  }
0x2d2: {  	[sflag:s24] =	ssyncadd.s32 $0xFFFFD800  }
0x2d3: {  	_ =	swait.ge [sflag:s25], $0x2800  }
0x2d4: {  	[sflag:s25] =	ssyncset.done $0x0  }
0x2d5: {  	[sflag:s25] =	ssyncadd.s32 $0xFFFFD800  }
0x2d6: {  	_ =	swait.ge [sflag:s23], $0x2800  }
0x2d7: {  	[sflag:s23] =	ssyncset.done $0x0  }
0x2d8: {  	[sflag:s23] =	ssyncadd.s32 $0xFFFFD800  }
0x2d9: {  	[bflag:$0x0] =	sbarrier.arrive $0xFFFF  }
0x2da: {  	s11 =	sld [smem:$0x7FB]  }
0x2db: {  	s10 =	sld [smem:$0x7ED]  }
0x2dc: {  	s13 =	sld [smem:$0x7FC];
	_ =	sdelay $0x2  }
0x2dd: {  	[hbm:s10], [sflag:s11] =	dma.local [spmem:s13], $0x2700  }
0x2de: {  	_ =	swait.ge [sflag:s12], $0x2700  }
0x2df: {  	s6 =	sld [smem:$0x7EE]  }
0x2e0: {  	s10 =	sld [smem:$0x7FD]  }
0x2e1: {  	[sflag:s12] =	ssyncset.done $0x0  }
0x2e2: {  	[sflag:s12] =	ssyncadd.s32 $0xFFFFD900  }
0x2e3: {  	[hbm:s6], [sflag:s11] =	dma.local @!p0 [spmem:s10], $0x100  }
0x2e4: {  	s6 =	smov.u32 s10;
	s10 =	simm.s32 @!p0 $0x7  }
0x2e5: {  	_ =	swait.ge @!p0 [sflag:s10], $0x100  }
0x2e6: {  	s13 =	sld [smem:$0x7FA]  }
0x2e7: {  	[sflag:s10] =	ssyncset.done @!p0 $0x0;
	s10 =	sld [smem:$0x7EF];
	_ =	sdelay $0x1  }
0x2e8: {  	s13 =	sadd.s32 $0x1, s13  }
0x2e9: {  	p1 =	sne.s32 s13, s10  }
.Ltmp1:
0x2ea: {  	_ = 	snop;
	(pc) =	sbr.rel @p1 .LBB2_1-.Ltmp1, $3  }
0x2eb: {  	_ =	sdelay $0x1  }
0x2ec: {  	[smem:$0x7FA] =	sst s13;
	s10 =	smov.u32 s6;
	s6 =	simm.s32 @!p0 $0x7  }
0x2ed: {  	s13 =	sld [smem:$0x7FC];
	[sflag:s6] =	ssyncadd.s32 @!p0 $0xFFFFFF00  }
0x2ee: {  	_ =	sfence.sel $0x180000  }
0x2ef: {  	[bflag:$0x0] =	sbarrier.arrive $0xFFFF  }
0x2f0: {  	_ =	strace $0x9000004A  }
0x2f1: {  	s0 =	stileid.u32;
	[bflag:$0x2] =	sbarrier.arrive $0xFFFF  }
0x2f2: {  	p0 =	sne.s32 s0, $0x0;
	s0 =	rddreg [dreg:$0x2]  }
0x2f3: {  	s0 =	sadd.s32 @!p0 $0x100000, s0  }
0x2f4: {  	[sflag:s0] =	ssyncadd.tile.s32 @!p0 $0x1;
	_ =	shalt  }
.Lfunc_end2:
_tile_overlayer_lowered:
.L_overlay_start_2:
0x2f5: {  	(tag) =	ssettag $0x2  }
0x2f6: {  	s0 =	rddreg [dreg:$0x0];
	s2 =	stileid.u32  }
0x2f7: {  	s1 =	rddreg [dreg:$0x1];
	p0 =	sne.s32 s2, $0x0  }
0x2f8: {  	s3 =	rddreg [dreg:$0x2];
	[bflag:$0x3] =	sbarrier.arrive $0xFFFF;
	s2 =	simm.s32 @!p0 $0x1C07  }
0x2f9: {  	[timem:s3], [sflag:s2] =	dma.local @!p0 [hbm:s0], s1  }
0x2fa: {  	s0 =	simm.s32 @!p0 $0x7  }
0x2fb: {  	_ =	swait.ge @!p0 [sflag:s0], s1  }
0x2fc: {  	s1 =	ssub.s32 @!p0 $0x0, s1;
	[sflag:s0] =	ssyncset.done @!p0 $0x0  }
0x2fd: {  	[sflag:s0] =	ssyncadd.s32 @!p0 s1  }
0x2fe: {  	[bflag:$0x3] =	sbarrier.arrive $0xFFFF  }
0x2ff: {  	_ =	shalt  }

// kernel: kernel.7.cloned.1.call-start
scs
__scs_entry_jumppad:
0x0: {  	(pc) =	sbr.rel $0x88, $3  }
0x1: {  	(tag) =	ssettag $0x0;
	lr =	simm.s32 $0x1  }
0x2: {  	[smem:$0x3F97] =	sst lr;
	_ =	strace $0xD0000000  }
0x3: {  	_ = 	snop  }
0x4: {  	_ = 	snop  }
0x5: {  	_ = 	snop  }
0x6: {  	_ = 	snop  }
0x7: {  	_ = 	snop  }
__scs_overlays_trampoline_lowered:
0x8: {  	[smem:$0x3FA6] =	sst s0  }
0x9: {  	[smem:$0x3FA7] =	sst s1  }
0xa: {  	[smem:$0x3FA8] =	sst s2  }
0xb: {  	[smem:$0x3FA9] =	sst s3  }
0xc: {  	[smem:$0x3FAA] =	sst s4  }
0xd: {  	[smem:$0x3FAB] =	sst s5  }
0xe: {  	[smem:$0x3FAC] =	sst s6  }
0xf: {  	[smem:$0x3FAD] =	sst s7  }
0x10: {  	[smem:$0x3FAE] =	sst s8  }
0x11: {  	[smem:$0x3FAF] =	sst s9;
	s0 =	simm.s32 @!p0 $0x0  }
0x12: {  	s1 =	sld [smem:$0x3F95];
	s0 =	simm.s32 @p0 $0x1  }
0x13: {  	[smem:$0x3FB0] =	sst s0;
	s0 =	simm.s32 @!p1 $0x0  }
0x14: {  	s2 =	sld [smem:$0x3F94];
	s0 =	simm.s32 @p1 $0x1  }
0x15: {  	[smem:$0x3FB1] =	sst s0;
	s0 =	simm.s32 @!p2 $0x0  }
0x16: {  	s3 =	sld [smem:$0x3FDB];
	s0 =	simm.s32 @p2 $0x1  }
0x17: {  	s4 =	simm.s32 $0x1BF5;
	[smem:$0x3FB3] =	sst s0  }
0x18: {  	s0 =	sld [smem:$0x3F96];
	_ =	swait.ge [sflag:s4], $0x0  }
0x19: {  	s7 =	sld [smem:$0x3F97]  }
0x1a: {  	s8 =	sadd.s32 $0xFFFFE003, lr  }
0x1b: {  	s9 =	sadd.s32 $0xFFFFFEF7, lr;
	s5 =	simm.s32 $0xFFFFFFFF;
	p2 =	slt.u32 s8, $0xFFFFF086  }
0x1c: {  	p1 =	slt.u32 s9, $0xF7A;
	s5 =	simm.s32 @!p2 $0x0  }
0x1d: {  	s5 =	simm.s32 @p1 $0x1;
	p0 =	seq.s32 s7, s2  }
0x1e: {  	s7 =	smul.u32 @!p0 $0xF7A, s2;
	p2 =	seq.s32 @!p0 s5, $0x0  }
0x1f: {  	s9 =	smul.u32 $0xF7A, s1;
	s8 =	simm.s32 @!p0 $0x1BF5;
	p2 =	por !p2, p0  }
0x20: {  	[sflag:s8] =	ssyncset.s32 @!p0 $0xFFFFF086;
	s6 =	sadd.s32 @!p0 s3, s7;
	s7 =	simm.s32 @!p0 $0x108  }
0x21: {  	s3 =	sadd.s32 s3, s9;
	s6 =	sadd.s32 @!p0 $0x88, s6;
	s7 =	simm.s32 @p2 $0x1082  }
0x22: {  	[simem:s7], [sflag:s8] =	dma.local @!p0 [hbm:s6], $0xF7A  }
0x23: {  	s9 =	sor.u32 $0xD0000000, s2;
	s6 =	simm.s32 $0x108;
	_ =	swait.ge @!p0 [sflag:s8], $0x0  }
0x24: {  	s3 =	sadd.s32 $0x88, s3;
	s6 =	simm.s32 @!p1 $0x1082;
	[sflag:s4] =	ssyncset.s32 $0xFFFFF086  }
0x25: {  	[simem:s6], [sflag:s4] =	dma.local [hbm:s3], $0xF7A  }
0x26: {  	[smem:$0x3F97] =	sst s1;
	(tag) =	ssettag s2;
	_ =	strace s9  }
0x27: {  	s1 =	sld [smem:$0x3FA7]  }
0x28: {  	s2 =	sld [smem:$0x3FA8]  }
0x29: {  	s4 =	sld [smem:$0x3FAA]  }
0x2a: {  	p0 =	seq.s32 s5, $0x0;
	s5 =	sld [smem:$0x3FAB]  }
0x2b: {  	s6 =	sld [smem:$0x3FAC]  }
0x2c: {  	s7 =	sld [smem:$0x3FAD]  }
0x2d: {  	s3 =	simm.s32 $0x108;
	s8 =	sld [smem:$0x3FAE]  }
0x2e: {  	s3 =	simm.s32 @!p0 $0x1082;
	s9 =	sld [smem:$0x3FAF]  }
0x2f: {  	lr =	sadd.s32 s0, s3;
	s0 =	sld [smem:$0x3FA6]  }
0x30: {  	s3 =	sld [smem:$0x3FA9]  }
0x31: {  	[smem:$0x3FB2] =	sst s10  }
0x32: {  	s10 =	sld [smem:$0x3FB0];
	_ =	sdelay $0x3  }
0x33: {  	p0 =	seq.s32 s10, $0x1;
	s10 =	sld [smem:$0x3FB2];
	_ =	sdelay $0x3  }
0x34: {  	[smem:$0x3FB2] =	sst s10  }
0x35: {  	s10 =	sld [smem:$0x3FB1];
	_ =	sdelay $0x3  }
0x36: {  	p1 =	seq.s32 s10, $0x1;
	s10 =	sld [smem:$0x3FB2];
	_ =	sdelay $0x3  }
0x37: {  	[smem:$0x3FB2] =	sst s10  }
0x38: {  	s10 =	sld [smem:$0x3FB3]  }
0x39: {  	_ = 	snop;
	(pc) =	sbr.ind lr, $3  }
0x3a: {  	_ = 	snop  }
0x3b: {  	_ = 	snop  }
0x3c: {  	p2 =	seq.s32 s10, $0x1;
	s10 =	sld [smem:$0x3FB2]  }
0x3d: {  	_ =	shalt  }
0x3e: {  	_ =	shalt  }
0x3f: {  	_ =	shalt  }
0x40: {  	_ =	shalt  }
0x41: {  	_ =	shalt  }
0x42: {  	_ =	shalt  }
0x43: {  	_ =	shalt  }
0x44: {  	_ =	shalt  }
0x45: {  	_ =	shalt  }
0x46: {  	_ =	shalt  }
0x47: {  	_ =	shalt  }
0x48: {  	_ =	shalt  }
0x49: {  	_ =	shalt  }
0x4a: {  	_ =	shalt  }
0x4b: {  	_ =	shalt  }
0x4c: {  	_ =	shalt  }
0x4d: {  	_ =	shalt  }
0x4e: {  	_ =	shalt  }
0x4f: {  	_ =	shalt  }
0x50: {  	_ =	shalt  }
0x51: {  	_ =	shalt  }
0x52: {  	_ =	shalt  }
0x53: {  	_ =	shalt  }
0x54: {  	_ =	shalt  }
0x55: {  	_ =	shalt  }
0x56: {  	_ =	shalt  }
0x57: {  	_ =	shalt  }
0x58: {  	_ =	shalt  }
0x59: {  	_ =	shalt  }
0x5a: {  	_ =	shalt  }
0x5b: {  	_ =	shalt  }
0x5c: {  	_ =	shalt  }
0x5d: {  	_ =	shalt  }
0x5e: {  	_ =	shalt  }
0x5f: {  	_ =	shalt  }
0x60: {  	_ =	shalt  }
0x61: {  	_ =	shalt  }
0x62: {  	_ =	shalt  }
0x63: {  	_ =	shalt  }
0x64: {  	_ =	shalt  }
0x65: {  	_ =	shalt  }
0x66: {  	_ =	shalt  }
0x67: {  	_ =	shalt  }
0x68: {  	_ =	shalt  }
0x69: {  	_ =	shalt  }
0x6a: {  	_ =	shalt  }
0x6b: {  	_ =	shalt  }
0x6c: {  	_ =	shalt  }
0x6d: {  	_ =	shalt  }
0x6e: {  	_ =	shalt  }
0x6f: {  	_ =	shalt  }
0x70: {  	_ =	shalt  }
0x71: {  	_ =	shalt  }
0x72: {  	_ =	shalt  }
0x73: {  	_ =	shalt  }
0x74: {  	_ =	shalt  }
0x75: {  	_ =	shalt  }
0x76: {  	_ =	shalt  }
0x77: {  	_ =	shalt  }
0x78: {  	_ =	shalt  }
0x79: {  	_ =	shalt  }
0x7a: {  	_ =	shalt  }
0x7b: {  	_ =	shalt  }
0x7c: {  	_ =	shalt  }
0x7d: {  	_ =	shalt  }
0x7e: {  	_ =	shalt  }
0x7f: {  	_ =	shalt  }
0x80: {  	_ =	shalt  }
0x81: {  	_ =	shalt  }
0x82: {  	_ =	shalt  }
0x83: {  	_ =	shalt  }
0x84: {  	_ =	shalt  }
0x85: {  	_ =	shalt  }
0x86: {  	_ =	shalt  }
0x87: {  	_ =	shalt  }
.Lfunc_end0:
.L_simem_size_0:
called_computation_lowered:
.L_overlay_start_0:
0x88: {  	s2 =	sld [smem:$0x3FD9]  }
0x89: {  	s3 =	sld [smem:$0x3FFE];
	_ =	sdelay $0x1  }
0x8a: {  	s1 =	srdreg.scid  }
0x8b: {  	s0 =	sand.u32 $0x1, s1  }
0x8c: {  	s17 =	sshll.u32 s0, $0xA;
	s2 =	sadd.s32 s3, s2  }
0x8d: {  	s2 =	sadd.s32 s2, s17  }
0x8e: {  	[smem:$0x3FBE] =	sst s2  }
0x8f: {  	_ = 	snop  }
0x90: {  	s2 =	sld [smem:$0x3FD0];
	(tm) =	ssettm $0x1  }
0x91: {  	s18 =	sld [smem:$0x3FFB];
	_ =	sdelay $0x3  }
0x92: {  	_ =	strace s18  }
0x93: {  	s3 =	sld [smem:$0x3FFC];
	_ =	sdelay $0x3  }
0x94: {  	_ =	strace s3  }
0x95: {  	s3 =	sld [smem:$0x3FFD];
	_ =	sdelay $0x3  }
0x96: {  	_ =	strace s3  }
0x97: {  	_ =	strace $0x8FFFFFFF  }
0x98: {  	s19 =	sld [smem:$0x3FDB];
	_ =	sdelay $0x1  }
0x99: {  	s4 =	simm.s32 $_scs_section_size  }
0x9a: {  	s5 =	simm.s32 $_size__tile_overlayer_lowered;
	s6 =	simm.s32 $_tile_overlayer_lowered  }
0x9b: {  	s22 =	simm.s32 $0x1BFF;
	s21 =	sshll.u32 s6, $0x1;
	s3 =	sadd.s32 s4, s19  }
0x9c: {  	s7 =	simm.s32 $0x0;
	s20 =	sshll.u32 s5, $0x1;
	s5 =	sadd.s32 s21, s3  }
0x9d: {  	[timem:s7], [sflag:s22] =	dma.local [hbm:s5], s20  }
0x9e: {  	_ =	swait.ge [sflag:s22], s20  }
0x9f: {  	s4 =	ssub.s32 $0x0, s20;
	[sflag:s22] =	ssyncset.done $0x0  }
0xa0: {  	[sflag:s22] =	ssyncadd.s32 s4;
	_ =	sdelay $0x1  }
0xa1: {  	s23 =	simm.s32 $0x1B8B  }
0xa2: {  	_ =	swait.ge [sflag:s23], $0x1  }
0xa3: {  	[sflag:s23] =	ssyncset.done $0x0  }
0xa4: {  	s25 =	simm.s32 $0x1B8E;
	s24 =	sld [smem:$0x3FFE];
	[sflag:s23] =	ssyncadd.s32 $0xFFFFFFFF  }
0xa5: {  	s26 =	simm.s32 $execute0_lowered;
	[smem:$0x3FD2] =	sst s25  }
0xa6: {  	s5 =	sshll.u32 s26, $0x1;
	_ =	strace $0x80000046;
	[dreg:$0x1] =	wrdreg $0xFFFFFFFF  }
0xa7: {  	s28 =	simm.s32 $_size_execute0_lowered;
	s3 =	sadd.s32 s3, s5;
	[dreg:$0x0] =	wrdreg $0x0  }
0xa8: {  	s5 =	sshll.u32 s28, $0x1;
	[dreg:$0x2] =	wrdreg s3  }
0xa9: {  	[dreg:$0x3] =	wrdreg s5  }
0xaa: {  	[dreg:$0x4] =	wrdreg $0xC0  }
0xab: {  	_ =	task [dreg:s7], $0x5FFFF  }
0xac: {  	[dreg:$0x1] =	wrdreg $0xFFFFFFFF  }
0xad: {  	[dreg:$0x0] =	wrdreg $0x60  }
0xae: {  	[dreg:$0x2] =	wrdreg s24  }
0xaf: {  	[dreg:$0x3] =	wrdreg s2  }
0xb0: {  	[dreg:$0x4] =	wrdreg $0x0  }
0xb1: {  	[dreg:$0x5] =	wrdreg $0x9  }
0xb2: {  	_ =	task.clear_ibuf [dreg:s7], $0x6FFFF;
	_ =	strace $0x90000046  }
0xb3: {  	s29 =	simm.s32 $0x9;
	_ =	strace $0x80000048  }
0xb4: {  	_ =	swait.ge [sflag:s29], $0x1  }
0xb5: {  	[sflag:s29] =	ssyncadd.s32 $0xFFFFFFFF  }
0xb6: {  	_ =	strace $0x90000048  }
0xb7: {  	_ =	sfence  }
0xb8: {  	s30 =	sld [smem:$0x0];
	_ =	sdelay $0x2  }
0xb9: {  	s31 =	sshll.u32 s1, $0xD;
	s1 =	sshrl.u32 s1, $0x2  }
0xba: {  	s3 =	sand.u32 $0x4000, s31;
	s1 =	sadd.s32 s1, s30  }
0xbb: {  	s0 =	sor.u32 s3, s0;
	s1 =	sshll.u32 s1, $0x11  }
0xbc: {  	s0 =	sor.u32 s1, s0  }
0xbd: {  	s0 =	sadd.s32 $0x8F2B, s0  }
0xbe: {  	[sflag:s0] =	ssyncadd.remote.s32 $0x1  }
0xbf: {  	_ =	sfence.sel $0xFFFF  }
0xc0: {  	[dreg:$0x0] =	wrdreg $0xFFFFFFFF;
	(pc) =	sbr.abs _section_cstart, $3  }
0xc1: {  	[dreg:$0x1] =	wrdreg $0xFFFFFFFF  }
0xc2: {  	_ =	task.clear_ibuf [dreg:s7], $0x2FFFF;
	_ =	strace $0x9FFFFFFF  }
0xc3: {  	(tm) =	ssettm $0x7FFFFFFF  }
tec
execute0_lowered:
.L_overlay_start_1:
0x0: {  	(tag) =	ssettag $0x1  }
0x1: {  	s0 =	rddreg [dreg:$0x0]  }
0x2: {  	s2 =	rddreg [dreg:$0x1]  }
0x3: {  	s1 =	rddreg [dreg:$0x2]  }
0x4: {  	s3 =	simm.s32 $0x0;
	s16 =	stileid.u32;
	s8 =	srdreg.scid  }
0x5: {  	s28 =	simm.s32 $0x14900;
	s29 =	simm.s32 $0x13980;
	s30 =	simm.s32 $0x1A880  }
0x6: {  	s31 =	simm.s32 $0x3;
	[smem:$0x7FF] =	sst s3;
	s4 =	sadd.s32 $0x2B800, s0  }
0x7: {  	s7 =	smul.u32 $0x13800, s16;
	s5 =	sadd.s32 $0x3800, s0;
	s6 =	sadd.s32 $0x17800, s0  }
0x8: {  	s8 =	sand.u32 $0x1, s8;
	s11 =	smul.u32 $0x4E000, s16;
	s12 =	sadd.s32 $0x79C00, s0  }
0x9: {  	s19 =	sshll.u32 s16, $0x6;
	s22 =	sshll.u32 s16, $0x7;
	s17 =	sadd.s32 $0x138000, s1  }
0xa: {  	p0 =	sne.s32 s16, $0xF;
	_ =	strace $0x80000047;
	s10 =	ssub.s32 $0x2, s8  }
0xb: {  	s18 =	sshll.u32 s8, $0x4;
	s14 =	smul.u32 $0x138800, s8;
	s20 =	sor.u32 $0x1C07, s19  }
0xc: {  	s23 =	sand.u32 $0x380, s22;
	s17 =	sshrl.u32 @!p0 s17, $0x3;
	s19 =	simm.s32 $0x14880  }
0xd: {  	s22 =	simm.s32 $0x1;
	s9 =	sshrl.u32 s7, $0x3;
	s13 =	sshrl.u32 s10, $0x1  }
0xe: {  	s11 =	sshrl.u32 s11, $0x2;
	[dreg:$0xc] =	wrdreg s17;
	s9 =	sadd.s32 s9, s0  }
0xf: {  	s13 =	ssub.s32 s10, s13;
	s10 =	sor.u32 s16, s18;
	s11 =	sadd.s32 s11, s1  }
0x10: {  	s0 =	sadd.s32 $0x79A00, s0;
	s7 =	sadd.s32 s7, s14;
	s24 =	sshrl.u32 s14, $0x3  }
0x11: {  	s16 =	simm.s32 $0x7;
	s18 =	simm.s32 $0x13880;
	s9 =	sadd.s32 $0x52A00, s9  }
0x12: {  	s15 =	sshrl.u32 s10, $0x3;
	[dreg:$0x6] =	wrdreg s0;
	s10 =	smul.u32 $0x5000, s10  }
0x13: {  	s7 =	sshrl.u32 s7, $0x3;
	s25 =	sadd.s32 s12, s24;
	s26 =	smax.u32 s13, $0x1  }
0x14: {  	s13 =	smov.u32 s20;
	s20 =	simm.s32 $0x50;
	s24 =	simm.s32 $0x13900  }
0x15: {  	[dreg:$0x4] =	wrdreg s9;
	s21 =	smul.u32 $0x13C00, s15;
	s7 =	sadd.s32 s12, s7  }
0x16: {  	[dreg:$0xa] =	wrdreg s26;
	s15 =	sshrl.u32 s11, $0x3;
	s26 =	simm.s32 $0x2  }
0x17: {  	s9 =	simm.s32 $0x5;
	s11 =	simm.s32 $0x6;
	[dreg:$0x5] =	wrdreg s13  }
0x18: {  	s12 =	simm.s32 $0x15480;
	[dreg:$0x7] =	wrdreg s7;
	s0 =	sor.u32 s23, s21  }
0x19: {  	s7 =	simm.s32 $0x13A00;
	[dreg:$0xb] =	wrdreg s15;
	s0 =	sshrl.u32 s0, $0x3  }
0x1a: {  	s21 =	simm.s32 $0x15880;
	s23 =	simm.s32 $0x1D080;
	s0 =	sadd.s32 s2, s0  }
0x1b: {  	s2 =	simm.s32 $0x4;
	[dreg:$0x8] =	wrdreg s0;
	s0 =	sadd.s32 $0x27000, s25  }
0x1c: {  	v0 =	vimm.f32 $0.0e+00;
	v1 =	vimm.f32 $1.000000000e+00;
	s25 =	simm.s32 $0x18080;
	[dreg:$0x9] =	wrdreg s0;
	s0 =	simm.s32 $0x14980  }
.LBB2_1:
0x1d: {  	s8 =	rddreg [dreg:$0x4]  }
0x1e: {  	[spmem:s15], [sflag:s13] =	dma.local [hbm:s8], $0x2700  }
0x1f: {  	_ =	swait.ge [sflag:s16], $0x2700  }
0x20: {  	[sflag:s16] =	ssyncset.done $0x0  }
0x21: {  	s8 =	rddreg [dreg:$0x6];
	[sflag:s16] =	ssyncadd.s32 $0xFFFFD900  }
0x22: {  	[spmem:s17], [sflag:s13] =	dma.local @!p0 [hbm:s8], $0x100  }
0x23: {  	s13 =	simm.s32 @!p0 $0x7  }
0x24: {  	_ =	swait.ge @!p0 [sflag:s13], $0x100  }
0x25: {  	[sflag:s13] =	ssyncset.done @!p0 $0x0  }
0x26: {  	s14 =	simm.s32 $0x0;
	[sflag:s13] =	ssyncadd.s32 @!p0 $0xFFFFFF00;
	s13 =	simm.s32 $0x40  }
.LBB2_2:
0x27: {  	p1 =	sne.s32 s13, $0x9C00;
	[tilespmem:s14+$0x1D080] =	vst v0;
	s14 =	smov.u32 s13;
	s13 =	sadd.s32 $0x40, s13  }
.Ltmp0:
0x28: {  	(pc) =	sbr.rel @p1 .LBB2_2-.Ltmp0, $2  }
0x29: {  	_ =	sdelay $0x2  }
0x2a: {  	s14 =	sshra.s32 s14, $0x2  }
0x2b: {  	[tilespmem:s14+$0x1D080] =	vst v0  }
0x2c: {  	s13 =	simm.s32 $0x0;
	s14 =	simm.s32 $0x0;
	[bflag:$0x0] =	sbarrier.arrive $0xFFFF  }
.LBB2_4:
0x2d: {  	s15 =	sshll.u32 s14, $0xC  }
0x2e: {  	s15 =	sadd.s32 s10, s15  }
0x2f: {  	s15 =	sshrl.u32 s15, $0x3  }
0x30: {  	s17 =	sadd.s32 s5, s15  }
0x31: {  	[tilespmem:s18], [sflag:$0x7] =	stream.linear.gather [hbm4b:s17+s13], $0xC80, $0x38;
	[tilespmem:$0x1F800] =	vst v63  }
0x32: {  	_ =	swait.ge [sflag:s16], $0xC80  }
0x33: {  	[sflag:s16] =	ssyncset.done $0x0  }
0x34: {  	s15 =	sadd.s32 s6, s15;
	[sflag:s16] =	ssyncadd.s32 $0xFFFFF380  }
0x35: {  	[tilespmem:s19], [sflag:$0x7] =	stream.linear.gather [hbm4b:s15+s13], $0xC80, $0x38;
	[tilespmem:$0x1F800] =	vst v63  }
0x36: {  	_ =	swait.ge [sflag:s16], $0xC80  }
0x37: {  	[sflag:s16] =	ssyncset.done $0x0  }
0x38: {  	[sflag:s16] =	ssyncadd.s32 $0xFFFFF380  }
0x39: {  	[tilespmem:s21], [sflag:$0x1] =	stream.indirect.gather [hbm4b:s4+s20], $0x80, s18, s20, $0xb8;
	[tilespmem:$0x1F800] =	vst v63  }
0x3a: {  	_ =	swait.ge [sflag:s22], $0x2800  }
0x3b: {  	[sflag:s22] =	ssyncset.done $0x0  }
0x3c: {  	[sflag:s22] =	ssyncadd.s32 $0xFFFFD800  }
0x3d: {  	v2 =	vld [tilespmem:$0x14880];
	_ =	sdelay $0x7  }
0x3e: {  	[tilespmem:v2+s23+$0x0] =	vst.idx.add.f32.msk $0xffff, v1  }
0x3f: {  	v2 =	vld [tilespmem:$0x14890];
	_ =	sdelay $0x7  }
0x40: {  	[tilespmem:v2+s23+$0x0] =	vst.idx.add.f32.msk $0xffff, v1  }
0x41: {  	v2 =	vld [tilespmem:$0x148A0];
	_ =	sdelay $0x7  }
0x42: {  	[tilespmem:v2+s23+$0x0] =	vst.idx.add.f32.msk $0xffff, v1  }
0x43: {  	v2 =	vld [tilespmem:$0x148B0];
	_ =	sdelay $0x7  }
0x44: {  	[tilespmem:v2+s23+$0x0] =	vst.idx.add.f32.msk $0xffff, v1  }
0x45: {  	v2 =	vld [tilespmem:$0x148C0];
	_ =	sdelay $0x7  }
0x46: {  	[tilespmem:v2+s23+$0x0] =	vst.idx.add.f32.msk $0xffff, v1  }
0x47: {  	[spmem:s1] =	stream.indirect.scatter.add.f32 [tilespmem:s21], [sflag:$0x4], $0x80, s19, s20, $0xb8;
	[tilespmem:$0x1F800] =	vst v63  }
0x48: {  	_ = 	snop  }
0x49: {  	[tilespmem:s25], [sflag:$0x2] =	stream.indirect.gather [hbm4b:s4+s20], $0x80, s24, s20, $0xb8;
	[tilespmem:$0x1F800] =	vst v63  }
0x4a: {  	_ =	swait.ge [sflag:s26], $0x2800  }
0x4b: {  	[sflag:s26] =	ssyncset.done $0x0  }
0x4c: {  	[sflag:s26] =	ssyncadd.s32 $0xFFFFD800  }
0x4d: {  	v2 =	vld [tilespmem:$0x14900];
	_ =	sdelay $0x7  }
0x4e: {  	[tilespmem:v2+s23+$0x0] =	vst.idx.add.f32.msk $0xffff, v1  }
0x4f: {  	v2 =	vld [tilespmem:$0x14910];
	_ =	sdelay $0x7  }
0x50: {  	[tilespmem:v2+s23+$0x0] =	vst.idx.add.f32.msk $0xffff, v1  }
0x51: {  	v2 =	vld [tilespmem:$0x14920];
	_ =	sdelay $0x7  }
0x52: {  	[tilespmem:v2+s23+$0x0] =	vst.idx.add.f32.msk $0xffff, v1  }
0x53: {  	v2 =	vld [tilespmem:$0x14930];
	_ =	sdelay $0x7  }
0x54: {  	[tilespmem:v2+s23+$0x0] =	vst.idx.add.f32.msk $0xffff, v1  }
0x55: {  	v2 =	vld [tilespmem:$0x14940];
	_ =	sdelay $0x7  }
0x56: {  	[tilespmem:v2+s23+$0x0] =	vst.idx.add.f32.msk $0xffff, v1  }
0x57: {  	[spmem:s1] =	stream.indirect.scatter.add.f32 [tilespmem:s25], [sflag:$0x5], $0x80, s28, s20, $0xb8;
	[tilespmem:$0x1F800] =	vst v63  }
0x58: {  	_ = 	snop  }
0x59: {  	[tilespmem:s30], [sflag:$0x3] =	stream.indirect.gather [hbm4b:s4+s20], $0x80, s29, s20, $0xb8;
	[tilespmem:$0x1F800] =	vst v63  }
0x5a: {  	_ =	swait.ge [sflag:s31], $0x2800  }
0x5b: {  	[sflag:s31] =	ssyncset.done $0x0  }
0x5c: {  	[sflag:s31] =	ssyncadd.s32 $0xFFFFD800  }
0x5d: {  	v2 =	vld [tilespmem:$0x14980];
	_ =	sdelay $0x7  }
0x5e: {  	[tilespmem:v2+s23+$0x0] =	vst.idx.add.f32.msk $0xffff, v1  }
0x5f: {  	v2 =	vld [tilespmem:$0x14990];
	_ =	sdelay $0x7  }
0x60: {  	[tilespmem:v2+s23+$0x0] =	vst.idx.add.f32.msk $0xffff, v1  }
0x61: {  	v2 =	vld [tilespmem:$0x149A0];
	_ =	sdelay $0x7  }
0x62: {  	[tilespmem:v2+s23+$0x0] =	vst.idx.add.f32.msk $0xffff, v1  }
0x63: {  	v2 =	vld [tilespmem:$0x149B0];
	_ =	sdelay $0x7  }
0x64: {  	[tilespmem:v2+s23+$0x0] =	vst.idx.add.f32.msk $0xffff, v1  }
0x65: {  	v2 =	vld [tilespmem:$0x149C0];
	_ =	sdelay $0x7  }
0x66: {  	[tilespmem:v2+s23+$0x0] =	vst.idx.add.f32.msk $0xffff, v1  }
0x67: {  	[spmem:s1] =	stream.indirect.scatter.add.f32 [tilespmem:s30], [sflag:$0x6], $0x80, s0, s20, $0xb8;
	[tilespmem:$0x1F800] =	vst v63  }
0x68: {  	_ =	swait.ge [sflag:s2], $0x2800  }
0x69: {  	[sflag:s2] =	ssyncset.done $0x0  }
0x6a: {  	s15 =	simm.s32 $0x0;
	[sflag:s2] =	ssyncadd.s32 $0xFFFFD800  }
0x6b: {  	[tilespmem:s21], [sflag:$0x1] =	stream.indirect.gather [hbm4b:s4+s20], $0x80, s7, s20, $0xb8;
	[tilespmem:$0x1F800] =	vst v63  }
.LBB2_5:
0x6c: {  	_ =	swait.ge [sflag:s22], $0x2800  }
0x6d: {  	[sflag:s22] =	ssyncset.done $0x0  }
0x6e: {  	s17 =	sshra.s32 s15, $0x2;
	[sflag:s22] =	ssyncadd.s32 $0xFFFFD800  }
0x6f: {  	v2 =	vld [tilespmem:s17+$0x14A00];
	_ =	sdelay $0x7  }
0x70: {  	[tilespmem:v2+s23+$0x0] =	vst.idx.add.f32.msk $0xffff, v1  }
0x71: {  	v2 =	vld [tilespmem:s17+$0x14A10];
	_ =	sdelay $0x7  }
0x72: {  	[tilespmem:v2+s23+$0x0] =	vst.idx.add.f32.msk $0xffff, v1  }
0x73: {  	v2 =	vld [tilespmem:s17+$0x14A20];
	_ =	sdelay $0x7  }
0x74: {  	[tilespmem:v2+s23+$0x0] =	vst.idx.add.f32.msk $0xffff, v1  }
0x75: {  	v2 =	vld [tilespmem:s17+$0x14A30];
	_ =	sdelay $0x7  }
0x76: {  	[tilespmem:v2+s23+$0x0] =	vst.idx.add.f32.msk $0xffff, v1  }
0x77: {  	v2 =	vld [tilespmem:s17+$0x14A40];
	_ =	sdelay $0x7  }
0x78: {  	s8 =	sadd.s32 $0x14A00, s17;
	[tilespmem:v2+s23+$0x0] =	vst.idx.add.f32.msk $0xffff, v1  }
0x79: {  	[spmem:s1] =	stream.indirect.scatter.add.f32 [tilespmem:s21], [sflag:$0x4], $0x80, s8, s20, $0xb8;
	[tilespmem:$0x1F800] =	vst v63  }
0x7a: {  	_ =	swait.ge [sflag:s9], $0x2800  }
0x7b: {  	[sflag:s9] =	ssyncset.done $0x0  }
0x7c: {  	s8 =	sadd.s32 $0x13A80, s17;
	[sflag:s9] =	ssyncadd.s32 $0xFFFFD800  }
0x7d: {  	[tilespmem:s25], [sflag:$0x2] =	stream.indirect.gather [hbm4b:s4+s20], $0x80, s8, s20, $0xb8;
	[tilespmem:$0x1F800] =	vst v63  }
0x7e: {  	_ =	swait.ge [sflag:s26], $0x2800  }
0x7f: {  	[sflag:s26] =	ssyncset.done $0x0  }
0x80: {  	[sflag:s26] =	ssyncadd.s32 $0xFFFFD800  }
0x81: {  	v2 =	vld [tilespmem:s17+$0x14A80];
	_ =	sdelay $0x7  }
0x82: {  	[tilespmem:v2+s23+$0x0] =	vst.idx.add.f32.msk $0xffff, v1  }
0x83: {  	v2 =	vld [tilespmem:s17+$0x14A90];
	_ =	sdelay $0x7  }
0x84: {  	[tilespmem:v2+s23+$0x0] =	vst.idx.add.f32.msk $0xffff, v1  }
0x85: {  	v2 =	vld [tilespmem:s17+$0x14AA0];
	_ =	sdelay $0x7  }
0x86: {  	[tilespmem:v2+s23+$0x0] =	vst.idx.add.f32.msk $0xffff, v1  }
0x87: {  	v2 =	vld [tilespmem:s17+$0x14AB0];
	_ =	sdelay $0x7  }
0x88: {  	[tilespmem:v2+s23+$0x0] =	vst.idx.add.f32.msk $0xffff, v1  }
0x89: {  	v2 =	vld [tilespmem:s17+$0x14AC0];
	_ =	sdelay $0x7  }
0x8a: {  	s8 =	sadd.s32 $0x14A80, s17;
	[tilespmem:v2+s23+$0x0] =	vst.idx.add.f32.msk $0xffff, v1  }
0x8b: {  	[spmem:s1] =	stream.indirect.scatter.add.f32 [tilespmem:s25], [sflag:$0x5], $0x80, s8, s20, $0xb8;
	[tilespmem:$0x1F800] =	vst v63  }
0x8c: {  	_ =	swait.ge [sflag:s11], $0x2800  }
0x8d: {  	[sflag:s11] =	ssyncset.done $0x0  }
0x8e: {  	s8 =	sadd.s32 $0x13B00, s17;
	[sflag:s11] =	ssyncadd.s32 $0xFFFFD800  }
0x8f: {  	[tilespmem:s30], [sflag:$0x3] =	stream.indirect.gather [hbm4b:s4+s20], $0x80, s8, s20, $0xb8;
	[tilespmem:$0x1F800] =	vst v63  }
0x90: {  	_ =	swait.ge [sflag:s31], $0x2800  }
0x91: {  	[sflag:s31] =	ssyncset.done $0x0  }
0x92: {  	[sflag:s31] =	ssyncadd.s32 $0xFFFFD800  }
0x93: {  	v2 =	vld [tilespmem:s17+$0x14B00];
	_ =	sdelay $0x7  }
0x94: {  	[tilespmem:v2+s23+$0x0] =	vst.idx.add.f32.msk $0xffff, v1  }
0x95: {  	v2 =	vld [tilespmem:s17+$0x14B10];
	_ =	sdelay $0x7  }
0x96: {  	[tilespmem:v2+s23+$0x0] =	vst.idx.add.f32.msk $0xffff, v1  }
0x97: {  	v2 =	vld [tilespmem:s17+$0x14B20];
	_ =	sdelay $0x7  }
0x98: {  	[tilespmem:v2+s23+$0x0] =	vst.idx.add.f32.msk $0xffff, v1  }
0x99: {  	v2 =	vld [tilespmem:s17+$0x14B30];
	_ =	sdelay $0x7  }
0x9a: {  	[tilespmem:v2+s23+$0x0] =	vst.idx.add.f32.msk $0xffff, v1  }
0x9b: {  	v2 =	vld [tilespmem:s17+$0x14B40];
	_ =	sdelay $0x7  }
0x9c: {  	p1 =	sne.s32 s15, $0x2400;
	s8 =	sadd.s32 $0x14B00, s17;
	[tilespmem:v2+s23+$0x0] =	vst.idx.add.f32.msk $0xffff, v1  }
0x9d: {  	[spmem:s1] =	stream.indirect.scatter.add.f32 [tilespmem:s30], [sflag:$0x6], $0x80, s8, s20, $0xb8;
	[tilespmem:$0x1F800] =	vst v63  }
.Ltmp1:
0x9e: {  	_ = 	snop;
	(pc) =	sbr.rel @p1 .LBB2_5-.Ltmp1, $4  }
0x9f: {  	_ =	swait.ge [sflag:s2], $0x2800  }
0xa0: {  	[sflag:s2] =	ssyncset.done $0x0  }
0xa1: {  	s15 =	sadd.s32 $0x600, s15;
	s17 =	sadd.s32 $0x13B80, s17;
	[sflag:s2] =	ssyncadd.s32 $0xFFFFD800  }
0xa2: {  	[tilespmem:s21], [sflag:$0x1] =	stream.indirect.gather [hbm4b:s4+s20], $0x80, s17, s20, $0xb8;
	[tilespmem:$0x1F800] =	vst v63  }
0xa3: {  	_ =	swait.ge [sflag:s22], $0x2800  }
0xa4: {  	[sflag:s22] =	ssyncset.done $0x0  }
0xa5: {  	[sflag:s22] =	ssyncadd.s32 $0xFFFFD800  }
0xa6: {  	v2 =	vld [tilespmem:$0x15480];
	_ =	sdelay $0x7  }
0xa7: {  	[tilespmem:v2+s23+$0x0] =	vst.idx.add.f32.msk $0xffff, v1  }
0xa8: {  	v2 =	vld [tilespmem:$0x15490];
	_ =	sdelay $0x7  }
0xa9: {  	[tilespmem:v2+s23+$0x0] =	vst.idx.add.f32.msk $0xffff, v1  }
0xaa: {  	v2 =	vld [tilespmem:$0x154A0];
	_ =	sdelay $0x7  }
0xab: {  	[tilespmem:v2+s23+$0x0] =	vst.idx.add.f32.msk $0xffff, v1  }
0xac: {  	v2 =	vld [tilespmem:$0x154B0];
	_ =	sdelay $0x7  }
0xad: {  	[tilespmem:v2+s23+$0x0] =	vst.idx.add.f32.msk $0xffff, v1  }
0xae: {  	v2 =	vld [tilespmem:$0x154C0];
	_ =	sdelay $0x7  }
0xaf: {  	[tilespmem:v2+s23+$0x0] =	vst.idx.add.f32.msk $0xffff, v1  }
0xb0: {  	[spmem:s1] =	stream.indirect.scatter.add.f32 [tilespmem:s21], [sflag:$0x4], $0x80, s12, s20, $0xb8;
	[tilespmem:$0x1F800] =	vst v63  }
0xb1: {  	_ =	swait.ge [sflag:s9], $0x2800  }
0xb2: {  	[sflag:s9] =	ssyncset.done $0x0  }
0xb3: {  	s14 =	sadd.s32 $0x1, s14;
	[sflag:s9] =	ssyncadd.s32 $0xFFFFD800  }
0xb4: {  	p1 =	sne.s32 s14, $0x5;
	_ =	swait.ge [sflag:s11], $0x2800  }
.Ltmp2:
0xb5: {  	[sflag:s11] =	ssyncset.done $0x0;
	(pc) =	sbr.rel @p1 .LBB2_4-.Ltmp2, $4  }
0xb6: {  	[sflag:s11] =	ssyncadd.s32 $0xFFFFD800  }
0xb7: {  	_ =	swait.ge [sflag:s2], $0x2800  }
0xb8: {  	[sflag:s2] =	ssyncset.done $0x0  }
0xb9: {  	[sflag:s2] =	ssyncadd.s32 $0xFFFFD800  }
0xba: {  	[bflag:$0x0] =	sbarrier.arrive $0xFFFF  }
0xbb: {  	s13 =	rddreg [dreg:$0x5]  }
0xbc: {  	s8 =	rddreg [dreg:$0x7]  }
0xbd: {  	s15 =	rddreg [dreg:$0xb]  }
0xbe: {  	[hbm:s8], [sflag:s13] =	dma.local [spmem:s15], $0x2700  }
0xbf: {  	_ =	swait.ge [sflag:s16], $0x2700  }
0xc0: {  	s14 =	simm.s32 $0x80;
	[sflag:s16] =	ssyncset.done $0x0  }
0xc1: {  	s17 =	simm.s32 $0x400;
	s8 =	rddreg [dreg:$0x8];
	[sflag:s16] =	ssyncadd.s32 $0xFFFFD900  }
0xc2: {  	[hbm4b:s8+s14] =	stream.strided.scatter [tilespmem:s23], [sflag:$0x7], $0x2780, s17, s14, $0x38;
	[tilespmem:$0x1F800] =	vst v63  }
0xc3: {  	_ =	swait.ge [sflag:s16], $0x2780  }
0xc4: {  	[sflag:s16] =	ssyncset.done $0x0;
	s8 =	rddreg [dreg:$0x9]  }
0xc5: {  	s17 =	rddreg [dreg:$0xc];
	[sflag:s16] =	ssyncadd.s32 $0xFFFFD880  }
0xc6: {  	[hbm:s8], [sflag:s13] =	dma.local @!p0 [spmem:s17], $0x100  }
0xc7: {  	s8 =	simm.s32 @!p0 $0x7  }
0xc8: {  	_ =	swait.ge @!p0 [sflag:s8], $0x100  }
0xc9: {  	s3 =	sadd.s32 $0x1, s3;
	s14 =	rddreg [dreg:$0xa]  }
0xca: {  	p1 =	sne.s32 s3, s14  }
.Ltmp3:
0xcb: {  	_ = 	snop;
	(pc) =	sbr.rel @p1 .LBB2_1-.Ltmp3, $3  }
0xcc: {  	_ =	sdelay $0x1  }
0xcd: {  	[sflag:s8] =	ssyncset.done @!p0 $0x0  }
0xce: {  	[sflag:s8] =	ssyncadd.s32 @!p0 $0xFFFFFF00  }
0xcf: {  	_ =	sfence.sel $0x180000  }
0xd0: {  	[bflag:$0x0] =	sbarrier.arrive $0xFFFF  }
0xd1: {  	_ =	strace $0x90000047  }
0xd2: {  	s0 =	stileid.u32;
	[bflag:$0x2] =	sbarrier.arrive $0xFFFF  }
0xd3: {  	p0 =	sne.s32 s0, $0x0;
	s0 =	rddreg [dreg:$0x3]  }
0xd4: {  	s0 =	sadd.s32 @!p0 $0x100000, s0  }
0xd5: {  	[sflag:s0] =	ssyncadd.tile.s32 @!p0 $0x1;
	_ =	shalt  }
.Lfunc_end2:
_tile_overlayer_lowered:
.L_overlay_start_2:
0xd6: {  	(tag) =	ssettag $0x2  }
0xd7: {  	s0 =	rddreg [dreg:$0x0];
	s2 =	stileid.u32  }
0xd8: {  	s1 =	rddreg [dreg:$0x1];
	p0 =	sne.s32 s2, $0x0  }
0xd9: {  	s3 =	rddreg [dreg:$0x2];
	[bflag:$0x3] =	sbarrier.arrive $0xFFFF;
	s2 =	simm.s32 @!p0 $0x1C07  }
0xda: {  	[timem:s3], [sflag:s2] =	dma.local @!p0 [hbm:s0], s1  }
0xdb: {  	s0 =	simm.s32 @!p0 $0x7  }
0xdc: {  	_ =	swait.ge @!p0 [sflag:s0], s1  }
0xdd: {  	s1 =	ssub.s32 @!p0 $0x0, s1;
	[sflag:s0] =	ssyncset.done @!p0 $0x0  }
0xde: {  	[sflag:s0] =	ssyncadd.s32 @!p0 s1  }
0xdf: {  	[bflag:$0x3] =	sbarrier.arrive $0xFFFF  }
0xe0: {  	_ =	shalt  }

</sc_bundles>
